<compile_context>
chip_gen: v7x
topology: tpu7x:2x2x1
jax: 0.10.2.dev20260603
libtpu: 0.0.44.dev20260713+nightly
codegen_flags: <defaults>
</compile_context>

<pallas_src>
import functools
import jax
import jax.numpy as jnp
from jax import lax
from jax.experimental import pallas as pl
from jax.experimental.pallas import tpu as pltpu
from jax.experimental.pallas import tpu_sc as plsc

N_NODES = 10000
E_EDGES = 320000
DN = 128
DE = 16
DA = 128
HEADS = 4

def _ln(x, g, b, eps=1e-5):
    m = jnp.mean(x, axis=-1, keepdims=True)
    v = jnp.mean((x - m) ** 2, axis=-1, keepdims=True)
    return (x - m) / jnp.sqrt(v + eps) * g + b



def _node_pre_body(x_ref, m_ref, b_ref, or_ref, oc_ref):
    res = (
        jnp.dot(x_ref[...], m_ref[...], preferred_element_type=jnp.float32)
        + b_ref[...]
    )
    or_ref[...] = res[:, :384]
    oc_ref[...] = res[:, 384:]


def _node_precompute(x, M, b):
    n = x.shape[0]
    BLK = 512
    grid = (pl.cdiv(n, BLK),)
    return pl.pallas_call(
        _node_pre_body,
        grid=grid,
        in_specs=[
            pl.BlockSpec((BLK, DN), lambda i: (i, 0)),
            pl.BlockSpec((DN, 768), lambda i: (0, 0)),
            pl.BlockSpec((1, 768), lambda i: (0, 0)),
        ],
        out_specs=[
            pl.BlockSpec((BLK, 384), lambda i: (i, 0)),
            pl.BlockSpec((BLK, 384), lambda i: (i, 0)),
        ],
        out_shape=[
            jax.ShapeDtypeStruct((n, 384), jnp.float32),
            jax.ShapeDtypeStruct((n, 384), jnp.float32),
        ],
    )(x, M, b)



def _sc_gather2(nodes_r, nodes_c, efpad, row, col, rev_idx):
    E = row.shape[0]
    K = 80
    CH = E // K
    NW = 32
    ITERS = pl.cdiv(CH, NW)
    mesh = plsc.VectorSubcoreMesh(core_axis_name="c", subcore_axis_name="s")

    @functools.partial(
        pl.kernel, mesh=mesh,
        out_type=[
            jax.ShapeDtypeStruct((E, 384), jnp.float32),
            jax.ShapeDtypeStruct((E, 384), jnp.float32),
            jax.ShapeDtypeStruct((E, 128), jnp.float32),
        ],
        scratch_types=[
            pltpu.VMEM((K,), jnp.int32), pltpu.VMEM((K,), jnp.int32),
            pltpu.VMEM((K,), jnp.int32),
            pltpu.VMEM((K, 384), jnp.float32),
            pltpu.VMEM((K, 384), jnp.float32),
            pltpu.VMEM((K, 128), jnp.float32),
            pltpu.SemaphoreType.DMA, pltpu.SemaphoreType.DMA,
            pltpu.SemaphoreType.DMA,
        ],
    )
    def k(nr_hbm, nc_hbm, ef_hbm, row_hbm, col_hbm, rev_hbm,
          gr_hbm, gc_hbm, gv_hbm,
          idxr, idxc, idxv, bufr, bufc, bufv, sem1, sem2, sem3):
        wid = lax.axis_index("s") * 2 + lax.axis_index("c")

        def body(i, carry):
            c = wid + i * NW

            @pl.when(c < CH)
            def _():
                base = c * K
                pltpu.sync_copy(row_hbm.at[pl.ds(base, K)], idxr)
                pltpu.sync_copy(col_hbm.at[pl.ds(base, K)], idxc)
                pltpu.sync_copy(rev_hbm.at[pl.ds(base, K)], idxv)
                cp1 = pltpu.async_copy(nr_hbm.at[idxr], bufr, sem1)
                cp2 = pltpu.async_copy(nc_hbm.at[idxc], bufc, sem2)
                cp3 = pltpu.async_copy(ef_hbm.at[idxv], bufv, sem3)
                cp1.wait()
                cp2.wait()
                cp3.wait()
                pltpu.sync_copy(bufr, gr_hbm.at[pl.ds(base, K)])
                pltpu.sync_copy(bufc, gc_hbm.at[pl.ds(base, K)])
                pltpu.sync_copy(bufv, gv_hbm.at[pl.ds(base, K)])
            return carry

        lax.fori_loop(0, ITERS, body, 0)

    return k(nodes_r, nodes_c, efpad, row, col, rev_idx)



def _sc_segsum(ef1d, row, col):
    E = row.shape[0]
    K = 128
    CH = E // K
    HALF = 5000
    ROWS = 5120
    ITERS = pl.cdiv(CH, 16)
    mesh = plsc.VectorSubcoreMesh(core_axis_name="c", subcore_axis_name="s")

    @functools.partial(
        pl.kernel, mesh=mesh,
        out_type=jax.ShapeDtypeStruct((2, 2, ROWS, 128), jnp.float32),
        scratch_types=[
            pltpu.VMEM((K,), jnp.int32), pltpu.VMEM((K,), jnp.int32),
            pltpu.VMEM((K * 16,), jnp.float32),
            pltpu.VMEM((K, 128), jnp.float32),
            pltpu.VMEM_SHARED((ROWS, 128), jnp.float32),
            pltpu.VMEM_SHARED((ROWS, 128), jnp.float32),
        ],
    )
    def k(ef_hbm, row_hbm, col_hbm, out_hbm, idxr, idxc, efbuf, pay,
          accs, acco):
        cid = lax.axis_index("c")
        sid = lax.axis_index("s")
        base = cid * HALF

        zero16 = jnp.zeros((16,), jnp.float32)
        ones_col = jnp.where(lax.iota(jnp.int32, 16) == 0, 1.0, 0.0)

        def pinit(r, carry):
            def cinit(j, carry2):
                pay[r, pl.ds(j * 16, 16)] = zero16
                return carry2
            lax.fori_loop(0, 8, cinit, 0)
            return carry

        lax.fori_loop(0, K, pinit, 0)

        def zbody(i, carry):
            c = sid + i * 16

            @pl.when(c < ROWS // K)
            def _():
                pltpu.sync_copy(pay, accs.at[pl.ds(c * K, K)])
                pltpu.sync_copy(pay, acco.at[pl.ds(c * K, K)])
            return carry

        lax.fori_loop(0, pl.cdiv(ROWS // K, 16), zbody, 0)

        def pones(r, carry):
            pay[r, pl.ds(16, 16)] = ones_col
            return carry

        lax.fori_loop(0, K, pones, 0)
        plsc.subcore_barrier()

        def body(i, carry):
            c = sid + i * 16

            @pl.when(c < CH)
            def _():
                off = c * K
                pltpu.sync_copy(row_hbm.at[pl.ds(off, K)], idxr)
                pltpu.sync_copy(col_hbm.at[pl.ds(off, K)], idxc)
                pltpu.sync_copy(ef_hbm.at[pl.ds(off * 16, K * 16)], efbuf)

                def fill(r, carry2):
                    pay[r, pl.ds(0, 16)] = efbuf[pl.ds(r * 16, 16)]
                    return carry2

                lax.fori_loop(0, K, fill, 0)

                def fix(j, carry2):
                    r = idxr[pl.ds(j * 16, 16)] - base
                    okr = (r >= 0) & (r < HALF)
                    idxr[pl.ds(j * 16, 16)] = jnp.where(okr, r, HALF)
                    cc = idxc[pl.ds(j * 16, 16)] - base
                    okc = (cc >= 0) & (cc < HALF)
                    idxc[pl.ds(j * 16, 16)] = jnp.where(okc, cc, HALF)
                    return carry2

                lax.fori_loop(0, K // 16, fix, 0)
                pltpu.sync_copy(pay, accs.at[idxr], add=True)
                pltpu.sync_copy(pay, acco.at[idxc], add=True)
            return carry

        lax.fori_loop(0, ITERS, body, 0)
        plsc.subcore_barrier()

        def wbody(i, carry):
            c = sid + i * 16

            @pl.when(c < ROWS // K)
            def _():
                pltpu.sync_copy(accs.at[pl.ds(c * K, K)],
                                out_hbm.at[0, cid, pl.ds(c * K, K)])
                pltpu.sync_copy(acco.at[pl.ds(c * K, K)],
                                out_hbm.at[1, cid, pl.ds(c * K, K)])
            return carry

        lax.fori_loop(0, pl.cdiv(ROWS // K, 16), wbody, 0)

    return k(ef1d, row, col)



def _edge_body(gr_ref, gc_ref, ef_ref, rev_ref, fnd_ref,
               w1bt_ref, w1ct_ref, bne1_ref, w2t_ref, bne2_ref,
               geln_ref, beln_ref,
               wg1t_ref, bg1_ref, bng_ref, bnb_ref, wg2t_ref, bg2_ref,
               wet_ref, be_ref, m1t_ref, ba1_ref, m2t_ref, ba2_ref, s_ref,
               efo_ref, xxe_ref):
    ef = ef_ref[...]
    h = jax.nn.relu(jnp.dot(ef, wg1t_ref[...], preferred_element_type=jnp.float32)
                    + bg1_ref[...])
    h = h * (bng_ref[...] / jnp.sqrt(1.0 + 1e-5)) + bnb_ref[...]
    gates = jax.nn.sigmoid(jnp.dot(h, wg2t_ref[...], preferred_element_type=jnp.float32)
                           + bg2_ref[...])
    rev = gates * fnd_ref[...] * rev_ref[:, :16]
    g1 = gr_ref[:, :160]
    gq = gr_ref[:, 160:288]
    g2 = gc_ref[:, :160]
    gv = gc_ref[:, 160:288]
    mid = g1 + g2 + bne1_ref[...]
    mid = mid + jnp.dot(ef, w1bt_ref[...], preferred_element_type=jnp.float32)
    mid = mid + jnp.dot(rev, w1ct_ref[...], preferred_element_type=jnp.float32)
    mid = jax.nn.relu(mid)
    efo = jnp.dot(mid, w2t_ref[...], preferred_element_type=jnp.float32) + bne2_ref[...]
    efo_ref[...] = _ln(efo, geln_ref[...], beln_ref[...])
    eh = jnp.dot(ef, wet_ref[...], preferred_element_type=jnp.float32) + be_ref[...]
    qe = jnp.concatenate([gq, eh], axis=1)
    a = jax.nn.relu(jnp.dot(qe, m1t_ref[...], preferred_element_type=jnp.float32)
                    + ba1_ref[...])
    p = jnp.dot(a, m2t_ref[...], preferred_element_type=jnp.float32) + ba2_ref[...]
    ex = jnp.exp(p)
    den = jnp.dot(ex, s_ref[...], preferred_element_type=jnp.float32)
    inv = jnp.dot(1.0 / den, s_ref[...].T, preferred_element_type=jnp.float32)
    xxe_ref[...] = ex * inv * gv


def _edge_compute(gr, gc, ef, rev, fnd, wdict):
    e = ef.shape[0]
    BLK = 512
    grid = (pl.cdiv(e, BLK),)
    full = lambda shp: pl.BlockSpec(shp, lambda i: tuple(0 for _ in shp))
    in_specs = [
        pl.BlockSpec((BLK, 384), lambda i: (i, 0)),
        pl.BlockSpec((BLK, 384), lambda i: (i, 0)),
        pl.BlockSpec((BLK, DE), lambda i: (i, 0)),
        pl.BlockSpec((BLK, DA), lambda i: (i, 0)),
        pl.BlockSpec((BLK, 1), lambda i: (i, 0)),
        full((DE, 160)), full((DE, 160)), full((1, 160)),
        full((160, DE)), full((1, DE)),
        full((1, DE)), full((1, DE)),
        full((DE, 8)), full((1, 8)), full((1, 8)), full((1, 8)),
        full((8, 1)), full((1, 1)),
        full((DE, DE)), full((1, DE)),
        full((144, 144)), full((1, 144)),
        full((144, 128)), full((1, 128)),
        full((128, 4)),
    ]
    return pl.pallas_call(
        _edge_body,
        grid=grid,
        in_specs=in_specs,
        out_specs=[
            pl.BlockSpec((BLK, DE), lambda i: (i, 0)),
            pl.BlockSpec((BLK, DA), lambda i: (i, 0)),
        ],
        out_shape=[
            jax.ShapeDtypeStruct((e, DE), jnp.float32),
            jax.ShapeDtypeStruct((e, DA), jnp.float32),
        ],
    )(gr, gc, ef, rev, fnd, *wdict)



def _node_out_body(x_ref, agg_ref, ss_ref, os_ref,
                   wtt_ref, bt_ref, wp1t_ref, bp1_ref, wp2t_ref, bp2_ref,
                   gln_ref, bln_ref, o_ref):
    ds = ss_ref[:, 16:17]
    do = os_ref[:, 16:17]
    subj = jnp.where(ds > 0, ss_ref[:, :16] / jnp.maximum(ds, 1.0), 0.0)
    obj = jnp.where(do > 0, os_ref[:, :16] / jnp.maximum(do, 1.0), 0.0)
    twin = (jnp.dot(jnp.concatenate([subj, obj], axis=1), wtt_ref[...],
                    preferred_element_type=jnp.float32) + bt_ref[...])
    agg = jnp.where(ds > 0, agg_ref[...], 0.0)
    xx = jax.nn.relu(agg) * jax.nn.sigmoid(twin)
    cat = jnp.concatenate([x_ref[...], xx], axis=1)
    hh = jax.nn.relu(jnp.dot(cat, wp1t_ref[...], preferred_element_type=jnp.float32)
                     + bp1_ref[...])
    out = jnp.dot(hh, wp2t_ref[...], preferred_element_type=jnp.float32) + bp2_ref[...]
    o_ref[...] = _ln(out, gln_ref[...], bln_ref[...])


def _node_out(x, agg, ss, os_, wlist):
    n = x.shape[0]
    BLK = 512
    grid = (pl.cdiv(n, BLK),)
    full = lambda shp: pl.BlockSpec(shp, lambda i: tuple(0 for _ in shp))
    return pl.pallas_call(
        _node_out_body,
        grid=grid,
        in_specs=[
            pl.BlockSpec((BLK, DN), lambda i: (i, 0)),
            pl.BlockSpec((BLK, DA), lambda i: (i, 0)),
            pl.BlockSpec((BLK, 128), lambda i: (i, 0)),
            pl.BlockSpec((BLK, 128), lambda i: (i, 0)),
            full((32, 128)), full((1, 128)),
            full((256, 256)), full((1, 256)),
            full((256, 128)), full((1, 128)),
            full((1, 128)), full((1, 128)),
        ],
        out_specs=pl.BlockSpec((BLK, DN), lambda i: (i, 0)),
        out_shape=jax.ShapeDtypeStruct((n, DN), jnp.float32),
    )(x, agg, ss, os_, *wlist)



def kernel(x, edge_feature, edge_index, W_ne1, b_ne1, W_ne2, b_ne2, g_eln,
           b_eln, Wg1, bg1, bn_g, bn_b, Wg2, bg2, Wv, bv, Wq, bq, We, be,
           Wa1, ba1, Wa2, ba2, Wt, bt, Wp1, bp1, Wp2, bp2, g_ln, b_ln):
    N = x.shape[0]
    E = edge_index.shape[1]
    row = edge_index[0].astype(jnp.int32)
    col = edge_index[1].astype(jnp.int32)

    keys = row.astype(jnp.int64) * N + col.astype(jnp.int64)
    rkeys = col.astype(jnp.int64) * N + row.astype(jnp.int64)
    order = jnp.argsort(keys)
    sk = keys[order]
    pos = jnp.clip(jnp.searchsorted(sk, rkeys), 0, E - 1)
    found = sk[pos] == rkeys
    rev_idx = order[pos]
    efpad = jnp.pad(edge_feature, ((0, 0), (0, 112)))

    z96 = jnp.zeros((DN, 96), jnp.float32)
    M = jnp.concatenate([
        W_ne1[:, :DN].T, Wq.T, z96, W_ne1[:, 160:288].T, Wv.T, z96], axis=1)
    bnode = jnp.concatenate([
        jnp.zeros((160,), jnp.float32), bq, jnp.zeros((96,), jnp.float32),
        jnp.zeros((160,), jnp.float32), bv,
        jnp.zeros((96,), jnp.float32)])[None, :]
    nodes_r, nodes_c = _node_precompute(x, M, bnode)
    gr, gc, grev = _sc_gather2(nodes_r, nodes_c, efpad, row, col,
                               rev_idx.astype(jnp.int32))

    eye4 = jnp.eye(4, dtype=jnp.float32)
    wlist = (
        W_ne1[:, 128:144].T, W_ne1[:, 144:160].T, b_ne1[None, :],
        W_ne2.T, b_ne2[None, :], g_eln[None, :], b_eln[None, :],
        Wg1.T, bg1[None, :], bn_g[None, :], bn_b[None, :],
        Wg2.T, bg2[None, :],
        We.T, be[None, :],
        jnp.kron(Wa1, eye4).T, jnp.kron(ba1, jnp.ones(4, jnp.float32))[None, :],
        jnp.kron(Wa2, eye4).T, jnp.kron(ba2, jnp.ones(4, jnp.float32))[None, :],
        jnp.tile(eye4, (32, 1)),
    )
    fnd = found.astype(jnp.float32)[:, None]
    ef_out, xx_e = _edge_compute(gr, gc, edge_feature, grev, fnd, wlist)

    agg = jax.ops.segment_max(xx_e, row, num_segments=N)
    seg = _sc_segsum(ef_out.reshape(E * DE), row, col)
    subj32 = jnp.concatenate([seg[0, 0, :5000], seg[0, 1, :5000]], axis=0)
    obj32 = jnp.concatenate([seg[1, 0, :5000], seg[1, 1, :5000]], axis=0)

    wlist3 = (
        Wt.T, bt[None, :], Wp1.T, bp1[None, :], Wp2.T, bp2[None, :],
        g_ln[None, :], b_ln[None, :],
    )
    out = _node_out(x, agg, subj32, obj32, wlist3)
    return (out, ef_out)

# --- scband reference (transcript-rebuilt; emitter-appended) ---
"""Pipeline reference for scband-graph-edge-atten-network-33663953666630 (READ-ONLY COPY).

The authoritative reference and input builder live on the scoring server;
editing this copy changes nothing except your own understanding.
"""

import jax, jax.numpy as jnp
import numpy as np

N_NODES = 10000
E_EDGES = 320000
DIM_NODE = 128
DIM_EDGE = 16
DIM_ATTEN = 128
HEADS = 4


def _ln(x, g, b, eps=1e-5):
    m = jnp.mean(x, axis=-1, keepdims=True)
    v = jnp.mean((x - m) ** 2, axis=-1, keepdims=True)
    return (x - m) / jnp.sqrt(v + eps) * g + b


def setup_inputs(seed: int = 0):
    key = jax.random.key(seed)
    ks = jax.random.split(key, 40)

    def w(k, shape):
        return (jax.random.normal(k, shape, dtype=jnp.float32) / np.sqrt(shape[-1])).astype(jnp.float32)

    inp = {}
    inp['x'] = jax.random.normal(ks[0], (N_NODES, DIM_NODE), dtype=jnp.float32)
    inp['edge_feature'] = jax.random.normal(ks[1], (E_EDGES, DIM_EDGE), dtype=jnp.float32)
    inp['edge_index'] = jax.random.randint(ks[2], (2, E_EDGES), 0, N_NODES, dtype=jnp.int32).astype(jnp.int64)
    din = DIM_NODE * 2 + DIM_EDGE * 2
    dh = DIM_NODE + DIM_EDGE * 2
    inp['W_ne1'] = w(ks[3], (dh, din)); inp['b_ne1'] = jnp.zeros((dh,), jnp.float32)
    inp['W_ne2'] = w(ks[4], (DIM_EDGE, dh)); inp['b_ne2'] = jnp.zeros((DIM_EDGE,), jnp.float32)
    inp['g_eln'] = jnp.ones((DIM_EDGE,), jnp.float32); inp['b_eln'] = jnp.zeros((DIM_EDGE,), jnp.float32)
    inp['Wg1'] = w(ks[5], (DIM_EDGE // 2, DIM_EDGE)); inp['bg1'] = jnp.zeros((DIM_EDGE // 2,), jnp.float32)
    inp['bn_g'] = jnp.ones((DIM_EDGE // 2,), jnp.float32); inp['bn_b'] = jnp.zeros((DIM_EDGE // 2,), jnp.float32)
    inp['Wg2'] = w(ks[6], (1, DIM_EDGE // 2)); inp['bg2'] = jnp.zeros((1,), jnp.float32)
    inp['Wv'] = w(ks[7], (DIM_ATTEN, DIM_NODE)); inp['bv'] = jnp.zeros((DIM_ATTEN,), jnp.float32)
    inp['Wq'] = w(ks[8], (DIM_NODE, DIM_NODE)); inp['bq'] = jnp.zeros((DIM_NODE,), jnp.float32)
    inp['We'] = w(ks[9], (DIM_EDGE, DIM_EDGE)); inp['be'] = jnp.zeros((DIM_EDGE,), jnp.float32)
    d_n = DIM_NODE // HEADS; d_e = DIM_EDGE // HEADS; d_o = DIM_ATTEN // HEADS
    inp['Wa1'] = w(ks[10], (d_n + d_e, d_n + d_e)); inp['ba1'] = jnp.zeros((d_n + d_e,), jnp.float32)
    inp['Wa2'] = w(ks[11], (d_o, d_n + d_e)); inp['ba2'] = jnp.zeros((d_o,), jnp.float32)
    inp['Wt'] = w(ks[12], (DIM_ATTEN, 2 * DIM_EDGE)); inp['bt'] = jnp.zeros((DIM_ATTEN,), jnp.float32)
    dp = DIM_NODE + DIM_ATTEN
    inp['Wp1'] = w(ks[13], (dp, dp)); inp['bp1'] = jnp.zeros((dp,), jnp.float32)
    inp['Wp2'] = w(ks[14], (DIM_NODE, dp)); inp['bp2'] = jnp.zeros((DIM_NODE,), jnp.float32)
    inp['g_ln'] = jnp.ones((DIM_NODE,), jnp.float32); inp['b_ln'] = jnp.zeros((DIM_NODE,), jnp.float32)
    return inp


def reference(x, edge_feature, edge_index, W_ne1, b_ne1, W_ne2, b_ne2, g_eln, b_eln, Wg1, bg1, bn_g, bn_b, Wg2, bg2, Wv, bv, Wq, bq, We, be, Wa1, ba1, Wa2, ba2, Wt, bt, Wp1, bp1, Wp2, bp2, g_ln, b_ln):
    N = x.shape[0]; E = edge_index.shape[1]
    row = edge_index[0]; col = edge_index[1]
    x_i = x[row]; x_j = x[col]
    # reverse-edge lookup: find index of (dst, src) for each edge (src, dst)
    keys = row.astype(jnp.int64) * N + col.astype(jnp.int64)
    rkeys = col.astype(jnp.int64) * N + row.astype(jnp.int64)
    order = jnp.argsort(keys)
    sk = keys[order]
    pos = jnp.clip(jnp.searchsorted(sk, rkeys), 0, E - 1)
    found = sk[pos] == rkeys
    rev_idx = order[pos]
    reverse_edge = jnp.where(found[:, None], edge_feature[rev_idx], 0.0)
    # edge gate (BatchNorm1d in eval mode with default running stats)
    h = jax.nn.relu(edge_feature @ Wg1.T + bg1)
    h = h / jnp.sqrt(1.0 + 1e-5) * bn_g + bn_b
    gates = jax.nn.sigmoid(h @ Wg2.T + bg2)
    reverse_edge = gates * reverse_edge
    # MultiHeadedEdgeAttention: edge feature update (nn_edge + LayerNorm)
    ef = jnp.concatenate([x_i, edge_feature, reverse_edge, x_j], axis=1)
    ef = jax.nn.relu(ef @ W_ne1.T + b_ne1)
    ef = ef @ W_ne2.T + b_ne2
    ef = _ln(ef, g_eln, b_eln)
    # FAT attention
    value = x_j @ Wv.T + bv
    d_n = DIM_NODE // HEADS; d_e = DIM_EDGE // HEADS
    query = (x_i @ Wq.T + bq).reshape(E, d_n, HEADS)
    edge_h = (edge_feature @ We.T + be).reshape(E, d_e, HEADS)
    qe = jnp.concatenate([query, edge_h], axis=1)
    a = jax.nn.relu(jnp.einsum('oi,eih->eoh', Wa1, qe) + ba1[None, :, None])
    prob = jnp.einsum('oi,eih->eoh', Wa2, a) + ba2[None, :, None]
    prob = jax.nn.softmax(prob, axis=1)
    xx_e = prob.reshape(E, DIM_ATTEN) * value
    # scatter-max aggregation at source nodes (flow=target_to_source)
    agg = jax.ops.segment_max(xx_e, row, num_segments=N)
    ones_e = jnp.ones((E,), jnp.float32)
    deg_s = jax.ops.segment_sum(ones_e, row, num_segments=N)
    deg_o = jax.ops.segment_sum(ones_e, col, num_segments=N)
    agg = jnp.where(deg_s[:, None] > 0, agg, 0.0)
    # twinning edge attention: mean of updated edge features per subject/object node
    subj_sum = jax.ops.segment_sum(ef, row, num_segments=N)
    obj_sum = jax.ops.segment_sum(ef, col, num_segments=N)
    subj_agg = jnp.where(deg_s[:, None] > 0, subj_sum / jnp.maximum(deg_s, 1.0)[:, None], 0.0)
    obj_agg = jnp.where(deg_o[:, None] > 0, obj_sum / jnp.maximum(deg_o, 1.0)[:, None], 0.0)
    twin = jnp.concatenate([subj_agg, obj_agg], axis=1) @ Wt.T + bt
    xx = jax.nn.relu(agg) * jax.nn.sigmoid(twin)
    xx = jnp.concatenate([x, xx], axis=1)
    xx = jax.nn.relu(xx @ Wp1.T + bp1)
    xx = xx @ Wp2.T + bp2
    xx = _ln(xx, g_ln, b_ln)
    return (xx, ef)

if __name__ == "__main__":
    import jax
    _d = setup_inputs()
    print(jax.jit(kernel)(*tuple(_d.values())))

</pallas_src>

<mosaic_0001>
#map = affine_map<(d0, d1) -> (0, 0)>
#map1 = affine_map<(d0, d1) -> (0)>
module attributes {stable_mosaic.version = 14 : i64} {
  func.func @k(%arg0: i32, %arg1: i32, %arg2: memref<10000x384xf32, #tpu.memory_space<hbm>>, %arg3: memref<10000x384xf32, #tpu.memory_space<hbm>>, %arg4: memref<320000x128xf32, #tpu.memory_space<hbm>>, %arg5: memref<320000xi32, #tpu.memory_space<hbm>>, %arg6: memref<320000xi32, #tpu.memory_space<hbm>>, %arg7: memref<320000xi32, #tpu.memory_space<hbm>>, %arg8: memref<320000x384xf32, #tpu.memory_space<hbm>>, %arg9: memref<320000x384xf32, #tpu.memory_space<hbm>>, %arg10: memref<320000x128xf32, #tpu.memory_space<hbm>>, %arg11: memref<80xi32, #tpu.memory_space<vmem>>, %arg12: memref<80xi32, #tpu.memory_space<vmem>>, %arg13: memref<80xi32, #tpu.memory_space<vmem>>, %arg14: memref<80x384xf32, #tpu.memory_space<vmem>>, %arg15: memref<80x384xf32, #tpu.memory_space<vmem>>, %arg16: memref<80x128xf32, #tpu.memory_space<vmem>>, %arg17: memref<!tpu.dma_semaphore, #tpu.memory_space<semaphore_mem>>, %arg18: memref<!tpu.dma_semaphore, #tpu.memory_space<semaphore_mem>>, %arg19: memref<!tpu.dma_semaphore, #tpu.memory_space<semaphore_mem>>) attributes {dimension_semantics = [#tpu.dimension_semantics<core_parallel>, #tpu.dimension_semantics<subcore_parallel>], iteration_bounds = array<i64: 2, 16>, scalar_prefetch = 0 : i64, scratch_operands = 9 : i64, tpu.core_type = #tpu.core_type<sc_vector_subcore>, window_params = [{transform_indices = #map}, {transform_indices = #map}, {transform_indices = #map}, {transform_indices = #map1}, {transform_indices = #map1}, {transform_indices = #map1}, {transform_indices = #map}, {transform_indices = #map}, {transform_indices = #map}]} {
    %mul3A = arith.constant 2 : i32
    %mul3A_0 = arith.muli %arg1, %mul3A : i32
    %add3A = arith.addi %mul3A_0, %arg0 : i32
    %scan3A = arith.constant 0 : i32
    %scan3A_1 = arith.constant 0 : i32
    %scan3A_2 = arith.constant 125 : i32
    %scan3A_3 = arith.addi %scan3A_1, %scan3A_2 : i32
    %scan3A_4 = arith.constant 1 : i32
    scf.for %scan3A_6 = %scan3A_1 to %scan3A_3 step %scan3A_4  : i32 {
      %mul3A_7 = arith.constant 32 : i32
      %mul3A_8 = arith.muli %scan3A_6, %mul3A_7 : i32
      %add3A_9 = arith.addi %add3A, %mul3A_8 : i32
      %lt3A = arith.constant 4000 : i32
      %lt3A_10 = arith.cmpi slt, %add3A_9, %lt3A : i32
      %convert_element_type3A = arith.extui %lt3A_10 : i1 to i32
      %cond3A = arith.constant 0 : i32
      %cond3A_11 = arith.cmpi ne, %convert_element_type3A, %cond3A : i32
      scf.if %cond3A_11 {
        %mul3A_12 = arith.constant 80 : i32
        %mul3A_13 = arith.muli %add3A_9, %mul3A_12 : i32
        "tpu.region"() ({
          %run_scoped3A = tpu.sem_alloc : memref<!tpu.dma_semaphore, #tpu.memory_space<semaphore_mem>>
          %dma_start3A_30 = tpu.memref_slice %arg5[%mul3A_13] : memref<320000xi32, #tpu.memory_space<hbm>> -> memref<80xi32, #tpu.memory_space<hbm>>
          %dma_start3A_31 = tpu.memref_slice %arg5[%mul3A_13] : memref<320000xi32, #tpu.memory_space<hbm>> -> memref<80xi32, #tpu.memory_space<hbm>>
          tpu.enqueue_dma source(%dma_start3A_31 : memref<80xi32, #tpu.memory_space<hbm>>) target(%arg11 : memref<80xi32, #tpu.memory_space<vmem>>) target_semaphore(%run_scoped3A : memref<!tpu.dma_semaphore, #tpu.memory_space<semaphore_mem>>)
          %dma_wait3A_32 = tpu.memref_slice %arg5[%mul3A_13] : memref<320000xi32, #tpu.memory_space<hbm>> -> memref<80xi32, #tpu.memory_space<hbm>>
          %dma_wait3A_33 = tpu.memref_slice %arg5[%mul3A_13] : memref<320000xi32, #tpu.memory_space<hbm>> -> memref<80xi32, #tpu.memory_space<hbm>>
          tpu.wait_dma2 semaphore(%run_scoped3A : memref<!tpu.dma_semaphore, #tpu.memory_space<semaphore_mem>>) src(%dma_wait3A_33 : memref<80xi32, #tpu.memory_space<hbm>>) dst(%arg11 : memref<80xi32, #tpu.memory_space<vmem>>)
          tpu.yield
        }) : () -> ()
        "tpu.region"() ({
          %run_scoped3A = tpu.sem_alloc : memref<!tpu.dma_semaphore, #tpu.memory_space<semaphore_mem>>
          %dma_start3A_30 = tpu.memref_slice %arg6[%mul3A_13] : memref<320000xi32, #tpu.memory_space<hbm>> -> memref<80xi32, #tpu.memory_space<hbm>>
          %dma_start3A_31 = tpu.memref_slice %arg6[%mul3A_13] : memref<320000xi32, #tpu.memory_space<hbm>> -> memref<80xi32, #tpu.memory_space<hbm>>
          tpu.enqueue_dma source(%dma_start3A_31 : memref<80xi32, #tpu.memory_space<hbm>>) target(%arg12 : memref<80xi32, #tpu.memory_space<vmem>>) target_semaphore(%run_scoped3A : memref<!tpu.dma_semaphore, #tpu.memory_space<semaphore_mem>>)
          %dma_wait3A_32 = tpu.memref_slice %arg6[%mul3A_13] : memref<320000xi32, #tpu.memory_space<hbm>> -> memref<80xi32, #tpu.memory_space<hbm>>
          %dma_wait3A_33 = tpu.memref_slice %arg6[%mul3A_13] : memref<320000xi32, #tpu.memory_space<hbm>> -> memref<80xi32, #tpu.memory_space<hbm>>
          tpu.wait_dma2 semaphore(%run_scoped3A : memref<!tpu.dma_semaphore, #tpu.memory_space<semaphore_mem>>) src(%dma_wait3A_33 : memref<80xi32, #tpu.memory_space<hbm>>) dst(%arg12 : memref<80xi32, #tpu.memory_space<vmem>>)
          tpu.yield
        }) : () -> ()
        "tpu.region"() ({
          %run_scoped3A = tpu.sem_alloc : memref<!tpu.dma_semaphore, #tpu.memory_space<semaphore_mem>>
          %dma_start3A_30 = tpu.memref_slice %arg7[%mul3A_13] : memref<320000xi32, #tpu.memory_space<hbm>> -> memref<80xi32, #tpu.memory_space<hbm>>
          %dma_start3A_31 = tpu.memref_slice %arg7[%mul3A_13] : memref<320000xi32, #tpu.memory_space<hbm>> -> memref<80xi32, #tpu.memory_space<hbm>>
          tpu.enqueue_dma source(%dma_start3A_31 : memref<80xi32, #tpu.memory_space<hbm>>) target(%arg13 : memref<80xi32, #tpu.memory_space<vmem>>) target_semaphore(%run_scoped3A : memref<!tpu.dma_semaphore, #tpu.memory_space<semaphore_mem>>)
          %dma_wait3A_32 = tpu.memref_slice %arg7[%mul3A_13] : memref<320000xi32, #tpu.memory_space<hbm>> -> memref<80xi32, #tpu.memory_space<hbm>>
          %dma_wait3A_33 = tpu.memref_slice %arg7[%mul3A_13] : memref<320000xi32, #tpu.memory_space<hbm>> -> memref<80xi32, #tpu.memory_space<hbm>>
          tpu.wait_dma2 semaphore(%run_scoped3A : memref<!tpu.dma_semaphore, #tpu.memory_space<semaphore_mem>>) src(%dma_wait3A_33 : memref<80xi32, #tpu.memory_space<hbm>>) dst(%arg13 : memref<80xi32, #tpu.memory_space<vmem>>)
          tpu.yield
        }) : () -> ()
        %dma_start3A = arith.constant 0 : i32
        %dma_start3A_14 = arith.constant 0 : i32
        %dma_start3A_15 = tpu.memref_slice %arg2[%dma_start3A, %dma_start3A_14] : memref<10000x384xf32, #tpu.memory_space<hbm>> -> memref<10000x384xf32, #tpu.memory_space<hbm>>
        tpu.enqueue_indirect_dma source(%dma_start3A_15 : memref<10000x384xf32, #tpu.memory_space<hbm>>) target(%arg14 : memref<80x384xf32, #tpu.memory_space<vmem>>) offsets(%arg11 : memref<80xi32, #tpu.memory_space<vmem>>) semaphore(%arg17 : memref<!tpu.dma_semaphore, #tpu.memory_space<semaphore_mem>>)
        %dma_start3A_16 = arith.constant 0 : i32
        %dma_start3A_17 = arith.constant 0 : i32
        %dma_start3A_18 = tpu.memref_slice %arg3[%dma_start3A_16, %dma_start3A_17] : memref<10000x384xf32, #tpu.memory_space<hbm>> -> memref<10000x384xf32, #tpu.memory_space<hbm>>
        tpu.enqueue_indirect_dma source(%dma_start3A_18 : memref<10000x384xf32, #tpu.memory_space<hbm>>) target(%arg15 : memref<80x384xf32, #tpu.memory_space<vmem>>) offsets(%arg12 : memref<80xi32, #tpu.memory_space<vmem>>) semaphore(%arg18 : memref<!tpu.dma_semaphore, #tpu.memory_space<semaphore_mem>>)
        %dma_start3A_19 = arith.constant 0 : i32
        %dma_start3A_20 = arith.constant 0 : i32
        %dma_start3A_21 = tpu.memref_slice %arg4[%dma_start3A_19, %dma_start3A_20] : memref<320000x128xf32, #tpu.memory_space<hbm>> -> memref<320000x128xf32, #tpu.memory_space<hbm>>
        tpu.enqueue_indirect_dma source(%dma_start3A_21 : memref<320000x128xf32, #tpu.memory_space<hbm>>) target(%arg16 : memref<80x128xf32, #tpu.memory_space<vmem>>) offsets(%arg13 : memref<80xi32, #tpu.memory_space<vmem>>) semaphore(%arg19 : memref<!tpu.dma_semaphore, #tpu.memory_space<semaphore_mem>>)
        %dma_wait3A = arith.constant 0 : i32
        %dma_wait3A_22 = arith.constant 0 : i32
        %dma_wait3A_23 = tpu.memref_slice %arg2[%dma_wait3A, %dma_wait3A_22] : memref<10000x384xf32, #tpu.memory_space<hbm>> -> memref<10000x384xf32, #tpu.memory_space<hbm>>
        tpu.wait_indirect_dma semaphore(%arg17 : memref<!tpu.dma_semaphore, #tpu.memory_space<semaphore_mem>>) src(%dma_wait3A_23 : memref<10000x384xf32, #tpu.memory_space<hbm>>) dst(%arg14 : memref<80x384xf32, #tpu.memory_space<vmem>>)
        %dma_wait3A_24 = arith.constant 0 : i32
        %dma_wait3A_25 = arith.constant 0 : i32
        %dma_wait3A_26 = tpu.memref_slice %arg3[%dma_wait3A_24, %dma_wait3A_25] : memref<10000x384xf32, #tpu.memory_space<hbm>> -> memref<10000x384xf32, #tpu.memory_space<hbm>>
        tpu.wait_indirect_dma semaphore(%arg18 : memref<!tpu.dma_semaphore, #tpu.memory_space<semaphore_mem>>) src(%dma_wait3A_26 : memref<10000x384xf32, #tpu.memory_space<hbm>>) dst(%arg15 : memref<80x384xf32, #tpu.memory_space<vmem>>)
        %dma_wait3A_27 = arith.constant 0 : i32
        %dma_wait3A_28 = arith.constant 0 : i32
        %dma_wait3A_29 = tpu.memref_slice %arg4[%dma_wait3A_27, %dma_wait3A_28] : memref<320000x128xf32, #tpu.memory_space<hbm>> -> memref<320000x128xf32, #tpu.memory_space<hbm>>
        tpu.wait_indirect_dma semaphore(%arg19 : memref<!tpu.dma_semaphore, #tpu.memory_space<semaphore_mem>>) src(%dma_wait3A_29 : memref<320000x128xf32, #tpu.memory_space<hbm>>) dst(%arg16 : memref<80x128xf32, #tpu.memory_space<vmem>>)
        "tpu.region"() ({
          %run_scoped3A = tpu.sem_alloc : memref<!tpu.dma_semaphore, #tpu.memory_space<semaphore_mem>>
          %dma_start3A_30 = arith.constant 0 : i32
          %dma_start3A_31 = tpu.memref_slice %arg8[%mul3A_13, %dma_start3A_30] : memref<320000x384xf32, #tpu.memory_space<hbm>> -> memref<80x384xf32, #tpu.memory_space<hbm>>
          %dma_start3A_32 = arith.constant 0 : i32
          %dma_start3A_33 = tpu.memref_slice %arg8[%mul3A_13, %dma_start3A_32] : memref<320000x384xf32, #tpu.memory_space<hbm>> -> memref<80x384xf32, #tpu.memory_space<hbm>>
          tpu.enqueue_dma source(%arg14 : memref<80x384xf32, #tpu.memory_space<vmem>>) target(%dma_start3A_33 : memref<80x384xf32, #tpu.memory_space<hbm>>) target_semaphore(%run_scoped3A : memref<!tpu.dma_semaphore, #tpu.memory_space<semaphore_mem>>)
          %dma_wait3A_34 = arith.constant 0 : i32
          %dma_wait3A_35 = tpu.memref_slice %arg8[%mul3A_13, %dma_wait3A_34] : memref<320000x384xf32, #tpu.memory_space<hbm>> -> memref<80x384xf32, #tpu.memory_space<hbm>>
          %dma_wait3A_36 = arith.constant 0 : i32
          %dma_wait3A_37 = tpu.memref_slice %arg8[%mul3A_13, %dma_wait3A_36] : memref<320000x384xf32, #tpu.memory_space<hbm>> -> memref<80x384xf32, #tpu.memory_space<hbm>>
          tpu.wait_dma2 semaphore(%run_scoped3A : memref<!tpu.dma_semaphore, #tpu.memory_space<semaphore_mem>>) src(%arg14 : memref<80x384xf32, #tpu.memory_space<vmem>>) dst(%dma_wait3A_37 : memref<80x384xf32, #tpu.memory_space<hbm>>)
          tpu.yield
        }) : () -> ()
        "tpu.region"() ({
          %run_scoped3A = tpu.sem_alloc : memref<!tpu.dma_semaphore, #tpu.memory_space<semaphore_mem>>
          %dma_start3A_30 = arith.constant 0 : i32
          %dma_start3A_31 = tpu.memref_slice %arg9[%mul3A_13, %dma_start3A_30] : memref<320000x384xf32, #tpu.memory_space<hbm>> -> memref<80x384xf32, #tpu.memory_space<hbm>>
          %dma_start3A_32 = arith.constant 0 : i32
          %dma_start3A_33 = tpu.memref_slice %arg9[%mul3A_13, %dma_start3A_32] : memref<320000x384xf32, #tpu.memory_space<hbm>> -> memref<80x384xf32, #tpu.memory_space<hbm>>
          tpu.enqueue_dma source(%arg15 : memref<80x384xf32, #tpu.memory_space<vmem>>) target(%dma_start3A_33 : memref<80x384xf32, #tpu.memory_space<hbm>>) target_semaphore(%run_scoped3A : memref<!tpu.dma_semaphore, #tpu.memory_space<semaphore_mem>>)
          %dma_wait3A_34 = arith.constant 0 : i32
          %dma_wait3A_35 = tpu.memref_slice %arg9[%mul3A_13, %dma_wait3A_34] : memref<320000x384xf32, #tpu.memory_space<hbm>> -> memref<80x384xf32, #tpu.memory_space<hbm>>
          %dma_wait3A_36 = arith.constant 0 : i32
          %dma_wait3A_37 = tpu.memref_slice %arg9[%mul3A_13, %dma_wait3A_36] : memref<320000x384xf32, #tpu.memory_space<hbm>> -> memref<80x384xf32, #tpu.memory_space<hbm>>
          tpu.wait_dma2 semaphore(%run_scoped3A : memref<!tpu.dma_semaphore, #tpu.memory_space<semaphore_mem>>) src(%arg15 : memref<80x384xf32, #tpu.memory_space<vmem>>) dst(%dma_wait3A_37 : memref<80x384xf32, #tpu.memory_space<hbm>>)
          tpu.yield
        }) : () -> ()
        "tpu.region"() ({
          %run_scoped3A = tpu.sem_alloc : memref<!tpu.dma_semaphore, #tpu.memory_space<semaphore_mem>>
          %dma_start3A_30 = arith.constant 0 : i32
          %dma_start3A_31 = tpu.memref_slice %arg10[%mul3A_13, %dma_start3A_30] : memref<320000x128xf32, #tpu.memory_space<hbm>> -> memref<80x128xf32, #tpu.memory_space<hbm>>
          %dma_start3A_32 = arith.constant 0 : i32
          %dma_start3A_33 = tpu.memref_slice %arg10[%mul3A_13, %dma_start3A_32] : memref<320000x128xf32, #tpu.memory_space<hbm>> -> memref<80x128xf32, #tpu.memory_space<hbm>>
          tpu.enqueue_dma source(%arg16 : memref<80x128xf32, #tpu.memory_space<vmem>>) target(%dma_start3A_33 : memref<80x128xf32, #tpu.memory_space<hbm>>) target_semaphore(%run_scoped3A : memref<!tpu.dma_semaphore, #tpu.memory_space<semaphore_mem>>)
          %dma_wait3A_34 = arith.constant 0 : i32
          %dma_wait3A_35 = tpu.memref_slice %arg10[%mul3A_13, %dma_wait3A_34] : memref<320000x128xf32, #tpu.memory_space<hbm>> -> memref<80x128xf32, #tpu.memory_space<hbm>>
          %dma_wait3A_36 = arith.constant 0 : i32
          %dma_wait3A_37 = tpu.memref_slice %arg10[%mul3A_13, %dma_wait3A_36] : memref<320000x128xf32, #tpu.memory_space<hbm>> -> memref<80x128xf32, #tpu.memory_space<hbm>>
          tpu.wait_dma2 semaphore(%run_scoped3A : memref<!tpu.dma_semaphore, #tpu.memory_space<semaphore_mem>>) src(%arg16 : memref<80x128xf32, #tpu.memory_space<vmem>>) dst(%dma_wait3A_37 : memref<80x128xf32, #tpu.memory_space<hbm>>)
          tpu.yield
        }) : () -> ()
      } else {
      }
    }
    %scan3A_5 = arith.constant 125 : i32
    return
  }
}

#map = affine_map<(d0, d1) -> (0)>
#map1 = affine_map<(d0, d1) -> (0, 0, 0, 0)>
module attributes {stable_mosaic.version = 14 : i64} {
  func.func @k(%arg0: i32, %arg1: i32, %arg2: memref<5120000xf32, #tpu.memory_space<hbm>>, %arg3: memref<320000xi32, #tpu.memory_space<hbm>>, %arg4: memref<320000xi32, #tpu.memory_space<hbm>>, %arg5: memref<2x2x5120x128xf32, #tpu.memory_space<hbm>>, %arg6: memref<128xi32, #tpu.memory_space<vmem>>, %arg7: memref<128xi32, #tpu.memory_space<vmem>>, %arg8: memref<2048xf32, #tpu.memory_space<vmem>>, %arg9: memref<128x128xf32, #tpu.memory_space<vmem>>, %arg10: memref<5120x128xf32, #tpu.memory_space<vmem_shared>>, %arg11: memref<5120x128xf32, #tpu.memory_space<vmem_shared>>) attributes {dimension_semantics = [#tpu.dimension_semantics<core_parallel>, #tpu.dimension_semantics<subcore_parallel>], iteration_bounds = array<i64: 2, 16>, scalar_prefetch = 0 : i64, scratch_operands = 6 : i64, tpu.core_type = #tpu.core_type<sc_vector_subcore>, window_params = [{transform_indices = #map}, {transform_indices = #map}, {transform_indices = #map}, {transform_indices = #map1}]} {
    %mul3A = arith.constant 5000 : i32
    %mul3A_0 = arith.muli %arg0, %mul3A : i32
    %broadcast_in_dim3A = arith.constant 0.000000e+00 : f32
    %broadcast_in_dim3A_1 = vector.broadcast %broadcast_in_dim3A : f32 to vector<16xf32>
    %iota3A = tpu.iota {dimensions = array<i32: 0>} : vector<16xi32>
    %eq3A = arith.constant 0 : i32
    %eq3A_2 = vector.broadcast %eq3A : i32 to vector<16xi32>
    %eq3A_3 = arith.cmpi eq, %iota3A, %eq3A_2 : vector<16xi32>
    %jit3A = arith.constant 1.000000e+00 : f32
    %jit3A_4 = arith.constant 0.000000e+00 : f32
    %broadcast_in_dim3A_5 = vector.broadcast %jit3A : f32 to vector<16xf32>
    %broadcast_in_dim3A_6 = vector.broadcast %jit3A_4 : f32 to vector<16xf32>
    %select_n3A = arith.select %eq3A_3, %broadcast_in_dim3A_5, %broadcast_in_dim3A_6 : vector<16xi1>, vector<16xf32>
    %scan3A = arith.constant 0 : i32
    %scan3A_7 = arith.constant 0 : i32
    %scan3A_8 = arith.constant 128 : i32
    %scan3A_9 = arith.addi %scan3A_7, %scan3A_8 : i32
    %scan3A_10 = arith.constant 1 : i32
    scf.for %scan3A_37 = %scan3A_7 to %scan3A_9 step %scan3A_10  : i32 {
      %scan3A_38 = arith.constant 0 : i32
      %scan3A_39 = arith.constant 0 : i32
      %scan3A_40 = arith.constant 8 : i32
      %scan3A_41 = arith.addi %scan3A_39, %scan3A_40 : i32
      %scan3A_42 = arith.constant 1 : i32
      scf.for %scan3A_44 = %scan3A_39 to %scan3A_41 step %scan3A_42  : i32 {
        %mul3A_45 = arith.constant 16 : i32
        %mul3A_46 = arith.muli %scan3A_44, %mul3A_45 : i32
        %swap3A = arith.index_cast %scan3A_37 : i32 to index
        %swap3A_47 = arith.index_cast %mul3A_46 : i32 to index
        %swap3A_48 = tpu.vector_load %arg9[%swap3A, %swap3A_47] {strides = array<i32>} : memref<128x128xf32, #tpu.memory_space<vmem>>, vector<1x16xf32>,
        %swap3A_49 = vector.shape_cast %swap3A_48 : vector<1x16xf32> to vector<16xf32>
        %swap3A_50 = vector.shape_cast %broadcast_in_dim3A_1 : vector<16xf32> to vector<1x16xf32>
        tpu.vector_store %arg9[%swap3A, %swap3A_47], %swap3A_50 {strides = array<i32>} : memref<128x128xf32, #tpu.memory_space<vmem>>, vector<1x16xf32>,
      }
      %scan3A_43 = arith.constant 8 : i32
    }
    %scan3A_11 = arith.constant 128 : i32
    %scan3A_12 = arith.constant 0 : i32
    %scan3A_13 = arith.constant 0 : i32
    %scan3A_14 = arith.constant 3 : i32
    %scan3A_15 = arith.addi %scan3A_13, %scan3A_14 : i32
    %scan3A_16 = arith.constant 1 : i32
    scf.for %scan3A_37 = %scan3A_13 to %scan3A_15 step %scan3A_16  : i32 {
      %mul3A_38 = arith.constant 16 : i32
      %mul3A_39 = arith.muli %scan3A_37, %mul3A_38 : i32
      %add3A = arith.addi %arg1, %mul3A_39 : i32
      %lt3A = arith.constant 40 : i32
      %lt3A_40 = arith.cmpi slt, %add3A, %lt3A : i32
      %convert_element_type3A = arith.extui %lt3A_40 : i1 to i32
      %cond3A = arith.constant 0 : i32
      %cond3A_41 = arith.cmpi ne, %convert_element_type3A, %cond3A : i32
      scf.if %cond3A_41 {
        %mul3A_42 = arith.constant 128 : i32
        %mul3A_43 = arith.muli %add3A, %mul3A_42 : i32
        "tpu.region"() ({
          %run_scoped3A = tpu.sem_alloc : memref<!tpu.dma_semaphore, #tpu.memory_space<semaphore_mem>>
          %dma_start3A = arith.constant 0 : i32
          %dma_start3A_46 = tpu.memref_slice %arg10[%mul3A_43, %dma_start3A] : memref<5120x128xf32, #tpu.memory_space<vmem_shared>> -> memref<128x128xf32, #tpu.memory_space<vmem_shared>>
          %dma_start3A_47 = arith.constant 0 : i32
          %dma_start3A_48 = tpu.memref_slice %arg10[%mul3A_43, %dma_start3A_47] : memref<5120x128xf32, #tpu.memory_space<vmem_shared>> -> memref<128x128xf32, #tpu.memory_space<vmem_shared>>
          tpu.enqueue_dma source(%arg9 : memref<128x128xf32, #tpu.memory_space<vmem>>) target(%dma_start3A_48 : memref<128x128xf32, #tpu.memory_space<vmem_shared>>) target_semaphore(%run_scoped3A : memref<!tpu.dma_semaphore, #tpu.memory_space<semaphore_mem>>)
          %dma_wait3A = arith.constant 0 : i32
          %dma_wait3A_49 = tpu.memref_slice %arg10[%mul3A_43, %dma_wait3A] : memref<5120x128xf32, #tpu.memory_space<vmem_shared>> -> memref<128x128xf32, #tpu.memory_space<vmem_shared>>
          %dma_wait3A_50 = arith.constant 0 : i32
          %dma_wait3A_51 = tpu.memref_slice %arg10[%mul3A_43, %dma_wait3A_50] : memref<5120x128xf32, #tpu.memory_space<vmem_shared>> -> memref<128x128xf32, #tpu.memory_space<vmem_shared>>
          tpu.wait_dma2 semaphore(%run_scoped3A : memref<!tpu.dma_semaphore, #tpu.memory_space<semaphore_mem>>) src(%arg9 : memref<128x128xf32, #tpu.memory_space<vmem>>) dst(%dma_wait3A_51 : memref<128x128xf32, #tpu.memory_space<vmem_shared>>)
          tpu.yield
        }) : () -> ()
        %mul3A_44 = arith.constant 128 : i32
        %mul3A_45 = arith.muli %add3A, %mul3A_44 : i32
        "tpu.region"() ({
          %run_scoped3A = tpu.sem_alloc : memref<!tpu.dma_semaphore, #tpu.memory_space<semaphore_mem>>
          %dma_start3A = arith.constant 0 : i32
          %dma_start3A_46 = tpu.memref_slice %arg11[%mul3A_45, %dma_start3A] : memref<5120x128xf32, #tpu.memory_space<vmem_shared>> -> memref<128x128xf32, #tpu.memory_space<vmem_shared>>
          %dma_start3A_47 = arith.constant 0 : i32
          %dma_start3A_48 = tpu.memref_slice %arg11[%mul3A_45, %dma_start3A_47] : memref<5120x128xf32, #tpu.memory_space<vmem_shared>> -> memref<128x128xf32, #tpu.memory_space<vmem_shared>>
          tpu.enqueue_dma source(%arg9 : memref<128x128xf32, #tpu.memory_space<vmem>>) target(%dma_start3A_48 : memref<128x128xf32, #tpu.memory_space<vmem_shared>>) target_semaphore(%run_scoped3A : memref<!tpu.dma_semaphore, #tpu.memory_space<semaphore_mem>>)
          %dma_wait3A = arith.constant 0 : i32
          %dma_wait3A_49 = tpu.memref_slice %arg11[%mul3A_45, %dma_wait3A] : memref<5120x128xf32, #tpu.memory_space<vmem_shared>> -> memref<128x128xf32, #tpu.memory_space<vmem_shared>>
          %dma_wait3A_50 = arith.constant 0 : i32
          %dma_wait3A_51 = tpu.memref_slice %arg11[%mul3A_45, %dma_wait3A_50] : memref<5120x128xf32, #tpu.memory_space<vmem_shared>> -> memref<128x128xf32, #tpu.memory_space<vmem_shared>>
          tpu.wait_dma2 semaphore(%run_scoped3A : memref<!tpu.dma_semaphore, #tpu.memory_space<semaphore_mem>>) src(%arg9 : memref<128x128xf32, #tpu.memory_space<vmem>>) dst(%dma_wait3A_51 : memref<128x128xf32, #tpu.memory_space<vmem_shared>>)
          tpu.yield
        }) : () -> ()
      } else {
      }
    }
    %scan3A_17 = arith.constant 3 : i32
    %scan3A_18 = arith.constant 0 : i32
    %scan3A_19 = arith.constant 0 : i32
    %scan3A_20 = arith.constant 128 : i32
    %scan3A_21 = arith.addi %scan3A_19, %scan3A_20 : i32
    %scan3A_22 = arith.constant 1 : i32
    scf.for %scan3A_37 = %scan3A_19 to %scan3A_21 step %scan3A_22  : i32 {
      %swap3A = arith.index_cast %scan3A_37 : i32 to index
      %swap3A_38 = arith.constant 16 : index
      %swap3A_39 = tpu.vector_load %arg9[%swap3A, %swap3A_38] {strides = array<i32>} : memref<128x128xf32, #tpu.memory_space<vmem>>, vector<1x16xf32>,
      %swap3A_40 = vector.shape_cast %swap3A_39 : vector<1x16xf32> to vector<16xf32>
      %swap3A_41 = vector.shape_cast %select_n3A : vector<16xf32> to vector<1x16xf32>
      tpu.vector_store %arg9[%swap3A, %swap3A_38], %swap3A_41 {strides = array<i32>} : memref<128x128xf32, #tpu.memory_space<vmem>>, vector<1x16xf32>,
    }
    %scan3A_23 = arith.constant 128 : i32
    %barrier3A = arith.constant 0 : index
    tpu.barrier barrier_id(%barrier3A)
    %scan3A_24 = arith.constant 0 : i32
    %scan3A_25 = arith.constant 0 : i32
    %scan3A_26 = arith.constant 157 : i32
    %scan3A_27 = arith.addi %scan3A_25, %scan3A_26 : i32
    %scan3A_28 = arith.constant 1 : i32
    scf.for %scan3A_37 = %scan3A_25 to %scan3A_27 step %scan3A_28  : i32 {
      %mul3A_38 = arith.constant 16 : i32
      %mul3A_39 = arith.muli %scan3A_37, %mul3A_38 : i32
      %add3A = arith.addi %arg1, %mul3A_39 : i32
      %lt3A = arith.constant 2500 : i32
      %lt3A_40 = arith.cmpi slt, %add3A, %lt3A : i32
      %convert_element_type3A = arith.extui %lt3A_40 : i1 to i32
      %cond3A = arith.constant 0 : i32
      %cond3A_41 = arith.cmpi ne, %convert_element_type3A, %cond3A : i32
      scf.if %cond3A_41 {
        %mul3A_42 = arith.constant 128 : i32
        %mul3A_43 = arith.muli %add3A, %mul3A_42 : i32
        "tpu.region"() ({
          %run_scoped3A = tpu.sem_alloc : memref<!tpu.dma_semaphore, #tpu.memory_space<semaphore_mem>>
          %dma_start3A = tpu.memref_slice %arg3[%mul3A_43] : memref<320000xi32, #tpu.memory_space<hbm>> -> memref<128xi32, #tpu.memory_space<hbm>>
          %dma_start3A_58 = tpu.memref_slice %arg3[%mul3A_43] : memref<320000xi32, #tpu.memory_space<hbm>> -> memref<128xi32, #tpu.memory_space<hbm>>
          tpu.enqueue_dma source(%dma_start3A_58 : memref<128xi32, #tpu.memory_space<hbm>>) target(%arg6 : memref<128xi32, #tpu.memory_space<vmem>>) target_semaphore(%run_scoped3A : memref<!tpu.dma_semaphore, #tpu.memory_space<semaphore_mem>>)
          %dma_wait3A = tpu.memref_slice %arg3[%mul3A_43] : memref<320000xi32, #tpu.memory_space<hbm>> -> memref<128xi32, #tpu.memory_space<hbm>>
          %dma_wait3A_59 = tpu.memref_slice %arg3[%mul3A_43] : memref<320000xi32, #tpu.memory_space<hbm>> -> memref<128xi32, #tpu.memory_space<hbm>>
          tpu.wait_dma2 semaphore(%run_scoped3A : memref<!tpu.dma_semaphore, #tpu.memory_space<semaphore_mem>>) src(%dma_wait3A_59 : memref<128xi32, #tpu.memory_space<hbm>>) dst(%arg6 : memref<128xi32, #tpu.memory_space<vmem>>)
          tpu.yield
        }) : () -> ()
        "tpu.region"() ({
          %run_scoped3A = tpu.sem_alloc : memref<!tpu.dma_semaphore, #tpu.memory_space<semaphore_mem>>
          %dma_start3A = tpu.memref_slice %arg4[%mul3A_43] : memref<320000xi32, #tpu.memory_space<hbm>> -> memref<128xi32, #tpu.memory_space<hbm>>
          %dma_start3A_58 = tpu.memref_slice %arg4[%mul3A_43] : memref<320000xi32, #tpu.memory_space<hbm>> -> memref<128xi32, #tpu.memory_space<hbm>>
          tpu.enqueue_dma source(%dma_start3A_58 : memref<128xi32, #tpu.memory_space<hbm>>) target(%arg7 : memref<128xi32, #tpu.memory_space<vmem>>) target_semaphore(%run_scoped3A : memref<!tpu.dma_semaphore, #tpu.memory_space<semaphore_mem>>)
          %dma_wait3A = tpu.memref_slice %arg4[%mul3A_43] : memref<320000xi32, #tpu.memory_space<hbm>> -> memref<128xi32, #tpu.memory_space<hbm>>
          %dma_wait3A_59 = tpu.memref_slice %arg4[%mul3A_43] : memref<320000xi32, #tpu.memory_space<hbm>> -> memref<128xi32, #tpu.memory_space<hbm>>
          tpu.wait_dma2 semaphore(%run_scoped3A : memref<!tpu.dma_semaphore, #tpu.memory_space<semaphore_mem>>) src(%dma_wait3A_59 : memref<128xi32, #tpu.memory_space<hbm>>) dst(%arg7 : memref<128xi32, #tpu.memory_space<vmem>>)
          tpu.yield
        }) : () -> ()
        %mul3A_44 = arith.constant 16 : i32
        %mul3A_45 = arith.muli %mul3A_43, %mul3A_44 : i32
        "tpu.region"() ({
          %run_scoped3A = tpu.sem_alloc : memref<!tpu.dma_semaphore, #tpu.memory_space<semaphore_mem>>
          %dma_start3A = tpu.memref_slice %arg2[%mul3A_45] : memref<5120000xf32, #tpu.memory_space<hbm>> -> memref<2048xf32, #tpu.memory_space<hbm>>
          %dma_start3A_58 = tpu.memref_slice %arg2[%mul3A_45] : memref<5120000xf32, #tpu.memory_space<hbm>> -> memref<2048xf32, #tpu.memory_space<hbm>>
          tpu.enqueue_dma source(%dma_start3A_58 : memref<2048xf32, #tpu.memory_space<hbm>>) target(%arg8 : memref<2048xf32, #tpu.memory_space<vmem>>) target_semaphore(%run_scoped3A : memref<!tpu.dma_semaphore, #tpu.memory_space<semaphore_mem>>)
          %dma_wait3A = tpu.memref_slice %arg2[%mul3A_45] : memref<5120000xf32, #tpu.memory_space<hbm>> -> memref<2048xf32, #tpu.memory_space<hbm>>
          %dma_wait3A_59 = tpu.memref_slice %arg2[%mul3A_45] : memref<5120000xf32, #tpu.memory_space<hbm>> -> memref<2048xf32, #tpu.memory_space<hbm>>
          tpu.wait_dma2 semaphore(%run_scoped3A : memref<!tpu.dma_semaphore, #tpu.memory_space<semaphore_mem>>) src(%dma_wait3A_59 : memref<2048xf32, #tpu.memory_space<hbm>>) dst(%arg8 : memref<2048xf32, #tpu.memory_space<vmem>>)
          tpu.yield
        }) : () -> ()
        %scan3A_46 = arith.constant 0 : i32
        %scan3A_47 = arith.constant 0 : i32
        %scan3A_48 = arith.constant 128 : i32
        %scan3A_49 = arith.addi %scan3A_47, %scan3A_48 : i32
        %scan3A_50 = arith.constant 1 : i32
        scf.for %scan3A_58 = %scan3A_47 to %scan3A_49 step %scan3A_50  : i32 {
          %mul3A_59 = arith.constant 16 : i32
          %mul3A_60 = arith.muli %scan3A_58, %mul3A_59 : i32
          %get3A = arith.index_cast %mul3A_60 : i32 to index
          %get3A_61 = tpu.vector_load %arg8[%get3A] {strides = array<i32>} : memref<2048xf32, #tpu.memory_space<vmem>>, vector<16xf32>,
          %get3A_62 = vector.shape_cast %get3A_61 : vector<16xf32> to vector<16xf32>
          %swap3A = arith.index_cast %scan3A_58 : i32 to index
          %swap3A_63 = arith.constant 0 : index
          %swap3A_64 = tpu.vector_load %arg9[%swap3A, %swap3A_63] {strides = array<i32>} : memref<128x128xf32, #tpu.memory_space<vmem>>, vector<1x16xf32>,
          %swap3A_65 = vector.shape_cast %swap3A_64 : vector<1x16xf32> to vector<16xf32>
          %swap3A_66 = vector.shape_cast %get3A_62 : vector<16xf32> to vector<1x16xf32>
          tpu.vector_store %arg9[%swap3A, %swap3A_63], %swap3A_66 {strides = array<i32>} : memref<128x128xf32, #tpu.memory_space<vmem>>, vector<1x16xf32>,
        }
        %scan3A_51 = arith.constant 128 : i32
        %scan3A_52 = arith.constant 0 : i32
        %scan3A_53 = arith.constant 0 : i32
        %scan3A_54 = arith.constant 8 : i32
        %scan3A_55 = arith.addi %scan3A_53, %scan3A_54 : i32
        %scan3A_56 = arith.constant 1 : i32
        scf.for %scan3A_58 = %scan3A_53 to %scan3A_55 step %scan3A_56  : i32 {
          %mul3A_59 = arith.constant 16 : i32
          %mul3A_60 = arith.muli %scan3A_58, %mul3A_59 : i32
          %get3A = arith.index_cast %mul3A_60 : i32 to index
          %get3A_61 = tpu.vector_load %arg6[%get3A] {strides = array<i32>} : memref<128xi32, #tpu.memory_space<vmem>>, vector<16xi32>,
          %get3A_62 = vector.shape_cast %get3A_61 : vector<16xi32> to vector<16xi32>
          %sub3A = vector.broadcast %mul3A_0 : i32 to vector<16xi32>
          %sub3A_63 = arith.subi %get3A_62, %sub3A : vector<16xi32>
          %ge3A = arith.constant 0 : i32
          %ge3A_64 = vector.broadcast %ge3A : i32 to vector<16xi32>
          %ge3A_65 = arith.cmpi sge, %sub3A_63, %ge3A_64 : vector<16xi32>
          %lt3A_66 = arith.constant 5000 : i32
          %lt3A_67 = vector.broadcast %lt3A_66 : i32 to vector<16xi32>
          %lt3A_68 = arith.cmpi slt, %sub3A_63, %lt3A_67 : vector<16xi32>
          %and3A = arith.andi %ge3A_65, %lt3A_68 : vector<16xi1>
          %jit3A_69 = arith.constant 5000 : i32
          %broadcast_in_dim3A_70 = vector.broadcast %jit3A_69 : i32 to vector<16xi32>
          %select_n3A_71 = arith.select %and3A, %sub3A_63, %broadcast_in_dim3A_70 : vector<16xi1>, vector<16xi32>
          %mul3A_72 = arith.constant 16 : i32
          %mul3A_73 = arith.muli %scan3A_58, %mul3A_72 : i32
          %swap3A = arith.index_cast %mul3A_73 : i32 to index
          %swap3A_74 = tpu.vector_load %arg6[%swap3A] {strides = array<i32>} : memref<128xi32, #tpu.memory_space<vmem>>, vector<16xi32>,
          %swap3A_75 = vector.shape_cast %swap3A_74 : vector<16xi32> to vector<16xi32>
          %swap3A_76 = vector.shape_cast %select_n3A_71 : vector<16xi32> to vector<16xi32>
          tpu.vector_store %arg6[%swap3A], %swap3A_76 {strides = array<i32>} : memref<128xi32, #tpu.memory_space<vmem>>, vector<16xi32>,
          %mul3A_77 = arith.constant 16 : i32
          %mul3A_78 = arith.muli %scan3A_58, %mul3A_77 : i32
          %get3A_79 = arith.index_cast %mul3A_78 : i32 to index
          %get3A_80 = tpu.vector_load %arg7[%get3A_79] {strides = array<i32>} : memref<128xi32, #tpu.memory_space<vmem>>, vector<16xi32>,
          %get3A_81 = vector.shape_cast %get3A_80 : vector<16xi32> to vector<16xi32>
          %sub3A_82 = vector.broadcast %mul3A_0 : i32 to vector<16xi32>
          %sub3A_83 = arith.subi %get3A_81, %sub3A_82 : vector<16xi32>
          %ge3A_84 = arith.constant 0 : i32
          %ge3A_85 = vector.broadcast %ge3A_84 : i32 to vector<16xi32>
          %ge3A_86 = arith.cmpi sge, %sub3A_83, %ge3A_85 : vector<16xi32>
          %lt3A_87 = arith.constant 5000 : i32
          %lt3A_88 = vector.broadcast %lt3A_87 : i32 to vector<16xi32>
          %lt3A_89 = arith.cmpi slt, %sub3A_83, %lt3A_88 : vector<16xi32>
          %and3A_90 = arith.andi %ge3A_86, %lt3A_89 : vector<16xi1>
          %jit3A_91 = arith.constant 5000 : i32
          %broadcast_in_dim3A_92 = vector.broadcast %jit3A_91 : i32 to vector<16xi32>
          %select_n3A_93 = arith.select %and3A_90, %sub3A_83, %broadcast_in_dim3A_92 : vector<16xi1>, vector<16xi32>
          %mul3A_94 = arith.constant 16 : i32
          %mul3A_95 = arith.muli %scan3A_58, %mul3A_94 : i32
          %swap3A_96 = arith.index_cast %mul3A_95 : i32 to index
          %swap3A_97 = tpu.vector_load %arg7[%swap3A_96] {strides = array<i32>} : memref<128xi32, #tpu.memory_space<vmem>>, vector<16xi32>,
          %swap3A_98 = vector.shape_cast %swap3A_97 : vector<16xi32> to vector<16xi32>
          %swap3A_99 = vector.shape_cast %select_n3A_93 : vector<16xi32> to vector<16xi32>
          tpu.vector_store %arg7[%swap3A_96], %swap3A_99 {strides = array<i32>} : memref<128xi32, #tpu.memory_space<vmem>>, vector<16xi32>,
        }
        %scan3A_57 = arith.constant 8 : i32
        "tpu.region"() ({
          %run_scoped3A = tpu.sem_alloc : memref<!tpu.dma_semaphore, #tpu.memory_space<semaphore_mem>>
          %dma_start3A = arith.constant 0 : i32
          %dma_start3A_58 = arith.constant 0 : i32
          %dma_start3A_59 = tpu.memref_slice %arg10[%dma_start3A, %dma_start3A_58] : memref<5120x128xf32, #tpu.memory_space<vmem_shared>> -> memref<5120x128xf32, #tpu.memory_space<vmem_shared>>
          tpu.enqueue_indirect_dma source(%arg9 : memref<128x128xf32, #tpu.memory_space<vmem>>) target(%dma_start3A_59 : memref<5120x128xf32, #tpu.memory_space<vmem_shared>>) offsets(%arg6 : memref<128xi32, #tpu.memory_space<vmem>>) semaphore(%run_scoped3A : memref<!tpu.dma_semaphore, #tpu.memory_space<semaphore_mem>>) {add = true}
          %dma_wait3A = arith.constant 0 : i32
          %dma_wait3A_60 = arith.constant 0 : i32
          %dma_wait3A_61 = tpu.memref_slice %arg10[%dma_wait3A, %dma_wait3A_60] : memref<5120x128xf32, #tpu.memory_space<vmem_shared>> -> memref<5120x128xf32, #tpu.memory_space<vmem_shared>>
          tpu.wait_indirect_dma semaphore(%run_scoped3A : memref<!tpu.dma_semaphore, #tpu.memory_space<semaphore_mem>>) src(%arg9 : memref<128x128xf32, #tpu.memory_space<vmem>>) dst(%dma_wait3A_61 : memref<5120x128xf32, #tpu.memory_space<vmem_shared>>)
          tpu.yield
        }) : () -> ()
        "tpu.region"() ({
          %run_scoped3A = tpu.sem_alloc : memref<!tpu.dma_semaphore, #tpu.memory_space<semaphore_mem>>
          %dma_start3A = arith.constant 0 : i32
          %dma_start3A_58 = arith.constant 0 : i32
          %dma_start3A_59 = tpu.memref_slice %arg11[%dma_start3A, %dma_start3A_58] : memref<5120x128xf32, #tpu.memory_space<vmem_shared>> -> memref<5120x128xf32, #tpu.memory_space<vmem_shared>>
          tpu.enqueue_indirect_dma source(%arg9 : memref<128x128xf32, #tpu.memory_space<vmem>>) target(%dma_start3A_59 : memref<5120x128xf32, #tpu.memory_space<vmem_shared>>) offsets(%arg7 : memref<128xi32, #tpu.memory_space<vmem>>) semaphore(%run_scoped3A : memref<!tpu.dma_semaphore, #tpu.memory_space<semaphore_mem>>) {add = true}
          %dma_wait3A = arith.constant 0 : i32
          %dma_wait3A_60 = arith.constant 0 : i32
          %dma_wait3A_61 = tpu.memref_slice %arg11[%dma_wait3A, %dma_wait3A_60] : memref<5120x128xf32, #tpu.memory_space<vmem_shared>> -> memref<5120x128xf32, #tpu.memory_space<vmem_shared>>
          tpu.wait_indirect_dma semaphore(%run_scoped3A : memref<!tpu.dma_semaphore, #tpu.memory_space<semaphore_mem>>) src(%arg9 : memref<128x128xf32, #tpu.memory_space<vmem>>) dst(%dma_wait3A_61 : memref<5120x128xf32, #tpu.memory_space<vmem_shared>>)
          tpu.yield
        }) : () -> ()
      } else {
      }
    }
    %scan3A_29 = arith.constant 157 : i32
    %barrier3A_30 = arith.constant 0 : index
    tpu.barrier barrier_id(%barrier3A_30)
    %scan3A_31 = arith.constant 0 : i32
    %scan3A_32 = arith.constant 0 : i32
    %scan3A_33 = arith.constant 3 : i32
    %scan3A_34 = arith.addi %scan3A_32, %scan3A_33 : i32
    %scan3A_35 = arith.constant 1 : i32
    scf.for %scan3A_37 = %scan3A_32 to %scan3A_34 step %scan3A_35  : i32 {
      %mul3A_38 = arith.constant 16 : i32
      %mul3A_39 = arith.muli %scan3A_37, %mul3A_38 : i32
      %add3A = arith.addi %arg1, %mul3A_39 : i32
      %lt3A = arith.constant 40 : i32
      %lt3A_40 = arith.cmpi slt, %add3A, %lt3A : i32
      %convert_element_type3A = arith.extui %lt3A_40 : i1 to i32
      %cond3A = arith.constant 0 : i32
      %cond3A_41 = arith.cmpi ne, %convert_element_type3A, %cond3A : i32
      scf.if %cond3A_41 {
        %mul3A_42 = arith.constant 128 : i32
        %mul3A_43 = arith.muli %add3A, %mul3A_42 : i32
        %mul3A_44 = arith.constant 128 : i32
        %mul3A_45 = arith.muli %add3A, %mul3A_44 : i32
        %run_scoped3A = arith.constant 0 : i32
        "tpu.region"() ({
          %run_scoped3A_51 = tpu.sem_alloc : memref<!tpu.dma_semaphore, #tpu.memory_space<semaphore_mem>>
          %dma_start3A = arith.constant 0 : i32
          %dma_start3A_52 = tpu.memref_slice %arg5[%run_scoped3A, %arg0, %mul3A_45, %dma_start3A] : memref<2x2x5120x128xf32, #tpu.memory_space<hbm>> -> memref<1x1x128x128xf32, #tpu.memory_space<hbm>>
          %dma_start3A_53 = tpu.memref_squeeze %dma_start3A_52 : memref<1x1x128x128xf32, #tpu.memory_space<hbm>> -> memref<128x128xf32, #tpu.memory_space<hbm>>
          %dma_start3A_54 = arith.constant 0 : i32
          %dma_start3A_55 = tpu.memref_slice %arg10[%mul3A_43, %dma_start3A_54] : memref<5120x128xf32, #tpu.memory_space<vmem_shared>> -> memref<128x128xf32, #tpu.memory_space<vmem_shared>>
          tpu.enqueue_dma source(%dma_start3A_55 : memref<128x128xf32, #tpu.memory_space<vmem_shared>>) target(%dma_start3A_53 : memref<128x128xf32, #tpu.memory_space<hbm>>) target_semaphore(%run_scoped3A_51 : memref<!tpu.dma_semaphore, #tpu.memory_space<semaphore_mem>>)
          %dma_wait3A = arith.constant 0 : i32
          %dma_wait3A_56 = tpu.memref_slice %arg5[%run_scoped3A, %arg0, %mul3A_45, %dma_wait3A] : memref<2x2x5120x128xf32, #tpu.memory_space<hbm>> -> memref<1x1x128x128xf32, #tpu.memory_space<hbm>>
          %dma_wait3A_57 = tpu.memref_squeeze %dma_wait3A_56 : memref<1x1x128x128xf32, #tpu.memory_space<hbm>> -> memref<128x128xf32, #tpu.memory_space<hbm>>
          %dma_wait3A_58 = arith.constant 0 : i32
          %dma_wait3A_59 = tpu.memref_slice %arg10[%mul3A_43, %dma_wait3A_58] : memref<5120x128xf32, #tpu.memory_space<vmem_shared>> -> memref<128x128xf32, #tpu.memory_space<vmem_shared>>
          tpu.wait_dma2 semaphore(%run_scoped3A_51 : memref<!tpu.dma_semaphore, #tpu.memory_space<semaphore_mem>>) src(%dma_wait3A_59 : memref<128x128xf32, #tpu.memory_space<vmem_shared>>) dst(%dma_wait3A_57 : memref<128x128xf32, #tpu.memory_space<hbm>>)
          tpu.yield
        }) : () -> ()
        %mul3A_46 = arith.constant 128 : i32
        %mul3A_47 = arith.muli %add3A, %mul3A_46 : i32
        %mul3A_48 = arith.constant 128 : i32
        %mul3A_49 = arith.muli %add3A, %mul3A_48 : i32
        %run_scoped3A_50 = arith.constant 1 : i32
        "tpu.region"() ({
          %run_scoped3A_51 = tpu.sem_alloc : memref<!tpu.dma_semaphore, #tpu.memory_space<semaphore_mem>>
          %dma_start3A = arith.constant 0 : i32
          %dma_start3A_52 = tpu.memref_slice %arg5[%run_scoped3A_50, %arg0, %mul3A_49, %dma_start3A] : memref<2x2x5120x128xf32, #tpu.memory_space<hbm>> -> memref<1x1x128x128xf32, #tpu.memory_space<hbm>>
          %dma_start3A_53 = tpu.memref_squeeze %dma_start3A_52 : memref<1x1x128x128xf32, #tpu.memory_space<hbm>> -> memref<128x128xf32, #tpu.memory_space<hbm>>
          %dma_start3A_54 = arith.constant 0 : i32
          %dma_start3A_55 = tpu.memref_slice %arg11[%mul3A_47, %dma_start3A_54] : memref<5120x128xf32, #tpu.memory_space<vmem_shared>> -> memref<128x128xf32, #tpu.memory_space<vmem_shared>>
          tpu.enqueue_dma source(%dma_start3A_55 : memref<128x128xf32, #tpu.memory_space<vmem_shared>>) target(%dma_start3A_53 : memref<128x128xf32, #tpu.memory_space<hbm>>) target_semaphore(%run_scoped3A_51 : memref<!tpu.dma_semaphore, #tpu.memory_space<semaphore_mem>>)
          %dma_wait3A = arith.constant 0 : i32
          %dma_wait3A_56 = tpu.memref_slice %arg5[%run_scoped3A_50, %arg0, %mul3A_49, %dma_wait3A] : memref<2x2x5120x128xf32, #tpu.memory_space<hbm>> -> memref<1x1x128x128xf32, #tpu.memory_space<hbm>>
          %dma_wait3A_57 = tpu.memref_squeeze %dma_wait3A_56 : memref<1x1x128x128xf32, #tpu.memory_space<hbm>> -> memref<128x128xf32, #tpu.memory_space<hbm>>
          %dma_wait3A_58 = arith.constant 0 : i32
          %dma_wait3A_59 = tpu.memref_slice %arg11[%mul3A_47, %dma_wait3A_58] : memref<5120x128xf32, #tpu.memory_space<vmem_shared>> -> memref<128x128xf32, #tpu.memory_space<vmem_shared>>
          tpu.wait_dma2 semaphore(%run_scoped3A_51 : memref<!tpu.dma_semaphore, #tpu.memory_space<semaphore_mem>>) src(%dma_wait3A_59 : memref<128x128xf32, #tpu.memory_space<vmem_shared>>) dst(%dma_wait3A_57 : memref<128x128xf32, #tpu.memory_space<hbm>>)
          tpu.yield
        }) : () -> ()
      } else {
      }
    }
    %scan3A_36 = arith.constant 3 : i32
    return
  }
}

module attributes {stable_mosaic.version = 14 : i64} {
  func.func @_node_pre_body(%arg0: i32, %arg1: memref<512x128xf32, #tpu.memory_space<vmem>>, %arg2: memref<128x768xf32, #tpu.memory_space<vmem>>, %arg3: memref<1x768xf32, #tpu.memory_space<vmem>>, %arg4: memref<512x384xf32, #tpu.memory_space<vmem>>, %arg5: memref<512x384xf32, #tpu.memory_space<vmem>>) attributes {dimension_semantics = [#tpu.dimension_semantics<arbitrary>], iteration_bounds = array<i64: 20>, scalar_prefetch = 0 : i64, scratch_operands = 0 : i64, tpu.core_type = #tpu.core_type<tc>, window_params = [{transform_indices = @transform_0, window_bounds = array<i64: 512, 128>}, {pipeline_mode = #tpu.pipeline_mode<synchronous>, transform_indices = @transform_1, window_bounds = array<i64: 128, 768>}, {pipeline_mode = #tpu.pipeline_mode<synchronous>, transform_indices = @transform_2, window_bounds = array<i64: 1, 768>}, {transform_indices = @transform_3, window_bounds = array<i64: 512, 384>}, {transform_indices = @transform_4, window_bounds = array<i64: 512, 384>}]} {
    %get3A = arith.constant 0 : index
    %get3A_0 = arith.constant 0 : index
    %get3A_1 = vector.load %arg1[%get3A, %get3A_0] : memref<512x128xf32, #tpu.memory_space<vmem>>, vector<512x128xf32>
    %get3A_2 = arith.constant 0 : index
    %get3A_3 = arith.constant 0 : index
    %get3A_4 = vector.load %arg2[%get3A_2, %get3A_3] : memref<128x768xf32, #tpu.memory_space<vmem>>, vector<128x768xf32>
    %dot_general3A = arith.constant dense<0.000000e+00> : vector<512x768xf32>
    %dot_general3A_5 = tpu.matmul %get3A_1, %get3A_4, %dot_general3A {dimension_numbers = #tpu.dot_dimension_numbers<[1], [0], [0], [1], [0, 0, 1, 1], [], []>, transpose_lhs_hint = false} : vector<512x128xf32>, vector<128x768xf32>, vector<512x768xf32> -> vector<512x768xf32>
    %get3A_6 = arith.constant 0 : index
    %get3A_7 = arith.constant 0 : index
    %get3A_8 = vector.load %arg3[%get3A_6, %get3A_7] : memref<1x768xf32, #tpu.memory_space<vmem>>, vector<1x768xf32>
    %add3A = vector.broadcast %get3A_8 : vector<1x768xf32> to vector<512x768xf32>
    %add3A_9 = arith.addf %dot_general3A_5, %add3A : vector<512x768xf32>
    %slice3A = vector.extract_strided_slice %add3A_9 {offsets = [0, 0], sizes = [512, 384], strides = [1, 1]} : vector<512x768xf32> to vector<512x384xf32>
    %swap3A = arith.constant 0 : index
    %swap3A_10 = arith.constant 0 : index
    %swap3A_11 = vector.load %arg4[%swap3A, %swap3A_10] : memref<512x384xf32, #tpu.memory_space<vmem>>, vector<512x384xf32>
    tpu.vector_store %arg4[%swap3A, %swap3A_10], %slice3A {strides = array<i32>} : memref<512x384xf32, #tpu.memory_space<vmem>>, vector<512x384xf32>,
    %slice3A_12 = vector.extract_strided_slice %add3A_9 {offsets = [0, 384], sizes = [512, 384], strides = [1, 1]} : vector<512x768xf32> to vector<512x384xf32>
    %swap3A_13 = arith.constant 0 : index
    %swap3A_14 = arith.constant 0 : index
    %swap3A_15 = vector.load %arg5[%swap3A_13, %swap3A_14] : memref<512x384xf32, #tpu.memory_space<vmem>>, vector<512x384xf32>
    tpu.vector_store %arg5[%swap3A_13, %swap3A_14], %slice3A_12 {strides = array<i32>} : memref<512x384xf32, #tpu.memory_space<vmem>>, vector<512x384xf32>,
    return
  }
  func.func @transform_0(%arg0: i32) -> (i32, i32) {
    %c0_i32 = arith.constant 0 : i32
    %c0_i32_0 = arith.constant 0 : i32
    return %arg0, %c0_i32 : i32, i32
  }
  func.func @transform_1(%arg0: i32) -> (i32, i32) {
    %c0_i32 = arith.constant 0 : i32
    %c0_i32_0 = arith.constant 0 : i32
    %c0_i32_1 = arith.constant 0 : i32
    return %c0_i32, %c0_i32_0 : i32, i32
  }
  func.func @transform_2(%arg0: i32) -> (i32, i32) {
    %c0_i32 = arith.constant 0 : i32
    %c0_i32_0 = arith.constant 0 : i32
    %c0_i32_1 = arith.constant 0 : i32
    return %c0_i32, %c0_i32_0 : i32, i32
  }
  func.func @transform_3(%arg0: i32) -> (i32, i32) {
    %c0_i32 = arith.constant 0 : i32
    %c0_i32_0 = arith.constant 0 : i32
    return %arg0, %c0_i32 : i32, i32
  }
  func.func @transform_4(%arg0: i32) -> (i32, i32) {
    %c0_i32 = arith.constant 0 : i32
    %c0_i32_0 = arith.constant 0 : i32
    return %arg0, %c0_i32 : i32, i32
  }
}

module attributes {stable_mosaic.version = 14 : i64} {
  func.func @_edge_body(%arg0: i32, %arg1: memref<512x384xf32, #tpu.memory_space<vmem>>, %arg2: memref<512x384xf32, #tpu.memory_space<vmem>>, %arg3: memref<512x16xf32, #tpu.memory_space<vmem>>, %arg4: memref<512x128xf32, #tpu.memory_space<vmem>>, %arg5: memref<512x1xf32, #tpu.memory_space<vmem>>, %arg6: memref<16x160xf32, #tpu.memory_space<vmem>>, %arg7: memref<16x160xf32, #tpu.memory_space<vmem>>, %arg8: memref<1x160xf32, #tpu.memory_space<vmem>>, %arg9: memref<160x16xf32, #tpu.memory_space<vmem>>, %arg10: memref<1x16xf32, #tpu.memory_space<vmem>>, %arg11: memref<1x16xf32, #tpu.memory_space<vmem>>, %arg12: memref<1x16xf32, #tpu.memory_space<vmem>>, %arg13: memref<16x8xf32, #tpu.memory_space<vmem>>, %arg14: memref<1x8xf32, #tpu.memory_space<vmem>>, %arg15: memref<1x8xf32, #tpu.memory_space<vmem>>, %arg16: memref<1x8xf32, #tpu.memory_space<vmem>>, %arg17: memref<8x1xf32, #tpu.memory_space<vmem>>, %arg18: memref<1x1xf32, #tpu.memory_space<vmem>>, %arg19: memref<16x16xf32, #tpu.memory_space<vmem>>, %arg20: memref<1x16xf32, #tpu.memory_space<vmem>>, %arg21: memref<144x144xf32, #tpu.memory_space<vmem>>, %arg22: memref<1x144xf32, #tpu.memory_space<vmem>>, %arg23: memref<144x128xf32, #tpu.memory_space<vmem>>, %arg24: memref<1x128xf32, #tpu.memory_space<vmem>>, %arg25: memref<128x4xf32, #tpu.memory_space<vmem>>, %arg26: memref<512x16xf32, #tpu.memory_space<vmem>>, %arg27: memref<512x128xf32, #tpu.memory_space<vmem>>) attributes {dimension_semantics = [#tpu.dimension_semantics<arbitrary>], iteration_bounds = array<i64: 625>, scalar_prefetch = 0 : i64, scratch_operands = 0 : i64, tpu.core_type = #tpu.core_type<tc>, window_params = [{transform_indices = @transform_0, window_bounds = array<i64: 512, 384>}, {transform_indices = @transform_1, window_bounds = array<i64: 512, 384>}, {transform_indices = @transform_2, window_bounds = array<i64: 512, 16>}, {transform_indices = @transform_3, window_bounds = array<i64: 512, 128>}, {transform_indices = @transform_4, window_bounds = array<i64: 512, 1>}, {pipeline_mode = #tpu.pipeline_mode<synchronous>, transform_indices = @transform_5, window_bounds = array<i64: 16, 160>}, {pipeline_mode = #tpu.pipeline_mode<synchronous>, transform_indices = @transform_6, window_bounds = array<i64: 16, 160>}, {pipeline_mode = #tpu.pipeline_mode<synchronous>, transform_indices = @transform_7, window_bounds = array<i64: 1, 160>}, {pipeline_mode = #tpu.pipeline_mode<synchronous>, transform_indices = @transform_8, window_bounds = array<i64: 160, 16>}, {pipeline_mode = #tpu.pipeline_mode<synchronous>, transform_indices = @transform_9, window_bounds = array<i64: 1, 16>}, {pipeline_mode = #tpu.pipeline_mode<synchronous>, transform_indices = @transform_10, window_bounds = array<i64: 1, 16>}, {pipeline_mode = #tpu.pipeline_mode<synchronous>, transform_indices = @transform_11, window_bounds = array<i64: 1, 16>}, {pipeline_mode = #tpu.pipeline_mode<synchronous>, transform_indices = @transform_12, window_bounds = array<i64: 16, 8>}, {pipeline_mode = #tpu.pipeline_mode<synchronous>, transform_indices = @transform_13, window_bounds = array<i64: 1, 8>}, {pipeline_mode = #tpu.pipeline_mode<synchronous>, transform_indices = @transform_14, window_bounds = array<i64: 1, 8>}, {pipeline_mode = #tpu.pipeline_mode<synchronous>, transform_indices = @transform_15, window_bounds = array<i64: 1, 8>}, {pipeline_mode = #tpu.pipeline_mode<synchronous>, transform_indices = @transform_16, window_bounds = array<i64: 8, 1>}, {pipeline_mode = #tpu.pipeline_mode<synchronous>, transform_indices = @transform_17, window_bounds = array<i64: 1, 1>}, {pipeline_mode = #tpu.pipeline_mode<synchronous>, transform_indices = @transform_18, window_bounds = array<i64: 16, 16>}, {pipeline_mode = #tpu.pipeline_mode<synchronous>, transform_indices = @transform_19, window_bounds = array<i64: 1, 16>}, {pipeline_mode = #tpu.pipeline_mode<synchronous>, transform_indices = @transform_20, window_bounds = array<i64: 144, 144>}, {pipeline_mode = #tpu.pipeline_mode<synchronous>, transform_indices = @transform_21, window_bounds = array<i64: 1, 144>}, {pipeline_mode = #tpu.pipeline_mode<synchronous>, transform_indices = @transform_22, window_bounds = array<i64: 144, 128>}, {pipeline_mode = #tpu.pipeline_mode<synchronous>, transform_indices = @transform_23, window_bounds = array<i64: 1, 128>}, {pipeline_mode = #tpu.pipeline_mode<synchronous>, transform_indices = @transform_24, window_bounds = array<i64: 128, 4>}, {transform_indices = @transform_25, window_bounds = array<i64: 512, 16>}, {transform_indices = @transform_26, window_bounds = array<i64: 512, 128>}]} {
    %get3A = arith.constant 0 : index
    %get3A_0 = arith.constant 0 : index
    %get3A_1 = vector.load %arg3[%get3A, %get3A_0] : memref<512x16xf32, #tpu.memory_space<vmem>>, vector<512x16xf32>
    %get3A_2 = arith.constant 0 : index
    %get3A_3 = arith.constant 0 : index
    %get3A_4 = vector.load %arg13[%get3A_2, %get3A_3] : memref<16x8xf32, #tpu.memory_space<vmem>>, vector<16x8xf32>
    %dot_general3A = arith.constant dense<0.000000e+00> : vector<512x8xf32>
    %dot_general3A_5 = tpu.matmul %get3A_1, %get3A_4, %dot_general3A {dimension_numbers = #tpu.dot_dimension_numbers<[1], [0], [0], [1], [0, 0, 1, 1], [], []>, transpose_lhs_hint = false} : vector<512x16xf32>, vector<16x8xf32>, vector<512x8xf32> -> vector<512x8xf32>
    %get3A_6 = arith.constant 0 : index
    %get3A_7 = arith.constant 0 : index
    %get3A_8 = vector.load %arg14[%get3A_6, %get3A_7] : memref<1x8xf32, #tpu.memory_space<vmem>>, vector<1x8xf32>
    %add3A = vector.broadcast %get3A_8 : vector<1x8xf32> to vector<512x8xf32>
    %add3A_9 = arith.addf %dot_general3A_5, %add3A : vector<512x8xf32>
    %max3A = arith.constant 0.000000e+00 : f32
    %max3A_10 = vector.broadcast %max3A : f32 to vector<512x8xf32>
    %max3A_11 = arith.maximumf %add3A_9, %max3A_10 : vector<512x8xf32>
    %get3A_12 = arith.constant 0 : index
    %get3A_13 = arith.constant 0 : index
    %get3A_14 = vector.load %arg15[%get3A_12, %get3A_13] : memref<1x8xf32, #tpu.memory_space<vmem>>, vector<1x8xf32>
    %sqrt3A = arith.constant 1.000010e+00 : f32
    %sqrt3A_15 = math.sqrt %sqrt3A : f32
    %div3A = vector.broadcast %sqrt3A_15 : f32 to vector<1x8xf32>
    %div3A_16 = arith.divf %get3A_14, %div3A : vector<1x8xf32>
    %mul3A = vector.broadcast %div3A_16 : vector<1x8xf32> to vector<512x8xf32>
    %mul3A_17 = arith.mulf %max3A_11, %mul3A : vector<512x8xf32>
    %get3A_18 = arith.constant 0 : index
    %get3A_19 = arith.constant 0 : index
    %get3A_20 = vector.load %arg16[%get3A_18, %get3A_19] : memref<1x8xf32, #tpu.memory_space<vmem>>, vector<1x8xf32>
    %add3A_21 = vector.broadcast %get3A_20 : vector<1x8xf32> to vector<512x8xf32>
    %add3A_22 = arith.addf %mul3A_17, %add3A_21 : vector<512x8xf32>
    %get3A_23 = arith.constant 0 : index
    %get3A_24 = arith.constant 0 : index
    %get3A_25 = vector.load %arg17[%get3A_23, %get3A_24] : memref<8x1xf32, #tpu.memory_space<vmem>>, vector<8x1xf32>
    %dot_general3A_26 = arith.constant dense<0.000000e+00> : vector<512x1xf32>
    %dot_general3A_27 = tpu.matmul %add3A_22, %get3A_25, %dot_general3A_26 {dimension_numbers = #tpu.dot_dimension_numbers<[1], [0], [0], [1], [0, 0, 1, 1], [], []>, transpose_lhs_hint = false} : vector<512x8xf32>, vector<8x1xf32>, vector<512x1xf32> -> vector<512x1xf32>
    %get3A_28 = arith.constant 0 : index
    %get3A_29 = arith.constant 0 : index
    %get3A_30 = vector.load %arg18[%get3A_28, %get3A_29] : memref<1x1xf32, #tpu.memory_space<vmem>>, vector<1x1xf32>
    %add3A_31 = vector.broadcast %get3A_30 : vector<1x1xf32> to vector<512x1xf32>
    %add3A_32 = arith.addf %dot_general3A_27, %add3A_31 : vector<512x1xf32>
    %logistic3A = arith.negf %add3A_32 : vector<512x1xf32>
    %logistic3A_33 = math.exp %logistic3A : vector<512x1xf32>
    %logistic3A_34 = arith.constant 1.000000e+00 : f32
    %logistic3A_35 = vector.broadcast %logistic3A_34 : f32 to vector<512x1xf32>
    %logistic3A_36 = arith.addf %logistic3A_35, %logistic3A_33 : vector<512x1xf32>
    %logistic3A_37 = arith.divf %logistic3A_35, %logistic3A_36 : vector<512x1xf32>
    %get3A_38 = arith.constant 0 : index
    %get3A_39 = arith.constant 0 : index
    %get3A_40 = vector.load %arg5[%get3A_38, %get3A_39] : memref<512x1xf32, #tpu.memory_space<vmem>>, vector<512x1xf32>
    %mul3A_41 = arith.mulf %logistic3A_37, %get3A_40 : vector<512x1xf32>
    %get3A_42 = arith.constant 0 : index
    %get3A_43 = arith.constant 0 : index
    %get3A_44 = vector.load %arg4[%get3A_42, %get3A_43] : memref<512x128xf32, #tpu.memory_space<vmem>>, vector<512x16xf32>
    %mul3A_45 = vector.broadcast %mul3A_41 : vector<512x1xf32> to vector<512x16xf32>
    %mul3A_46 = arith.mulf %mul3A_45, %get3A_44 : vector<512x16xf32>
    %get3A_47 = arith.constant 0 : index
    %get3A_48 = arith.constant 0 : index
    %get3A_49 = vector.load %arg1[%get3A_47, %get3A_48] : memref<512x384xf32, #tpu.memory_space<vmem>>, vector<512x160xf32>
    %get3A_50 = arith.constant 0 : index
    %get3A_51 = arith.constant 160 : index
    %get3A_52 = vector.load %arg1[%get3A_50, %get3A_51] : memref<512x384xf32, #tpu.memory_space<vmem>>, vector<512x128xf32>
    %get3A_53 = arith.constant 0 : index
    %get3A_54 = arith.constant 0 : index
    %get3A_55 = vector.load %arg2[%get3A_53, %get3A_54] : memref<512x384xf32, #tpu.memory_space<vmem>>, vector<512x160xf32>
    %get3A_56 = arith.constant 0 : index
    %get3A_57 = arith.constant 160 : index
    %get3A_58 = vector.load %arg2[%get3A_56, %get3A_57] : memref<512x384xf32, #tpu.memory_space<vmem>>, vector<512x128xf32>
    %add3A_59 = arith.addf %get3A_49, %get3A_55 : vector<512x160xf32>
    %get3A_60 = arith.constant 0 : index
    %get3A_61 = arith.constant 0 : index
    %get3A_62 = vector.load %arg8[%get3A_60, %get3A_61] : memref<1x160xf32, #tpu.memory_space<vmem>>, vector<1x160xf32>
    %add3A_63 = vector.broadcast %get3A_62 : vector<1x160xf32> to vector<512x160xf32>
    %add3A_64 = arith.addf %add3A_59, %add3A_63 : vector<512x160xf32>
    %get3A_65 = arith.constant 0 : index
    %get3A_66 = arith.constant 0 : index
    %get3A_67 = vector.load %arg6[%get3A_65, %get3A_66] : memref<16x160xf32, #tpu.memory_space<vmem>>, vector<16x160xf32>
    %dot_general3A_68 = arith.constant dense<0.000000e+00> : vector<512x160xf32>
    %dot_general3A_69 = tpu.matmul %get3A_1, %get3A_67, %dot_general3A_68 {dimension_numbers = #tpu.dot_dimension_numbers<[1], [0], [0], [1], [0, 0, 1, 1], [], []>, transpose_lhs_hint = false} : vector<512x16xf32>, vector<16x160xf32>, vector<512x160xf32> -> vector<512x160xf32>
    %add3A_70 = arith.addf %add3A_64, %dot_general3A_69 : vector<512x160xf32>
    %get3A_71 = arith.constant 0 : index
    %get3A_72 = arith.constant 0 : index
    %get3A_73 = vector.load %arg7[%get3A_71, %get3A_72] : memref<16x160xf32, #tpu.memory_space<vmem>>, vector<16x160xf32>
    %dot_general3A_74 = arith.constant dense<0.000000e+00> : vector<512x160xf32>
    %dot_general3A_75 = tpu.matmul %mul3A_46, %get3A_73, %dot_general3A_74 {dimension_numbers = #tpu.dot_dimension_numbers<[1], [0], [0], [1], [0, 0, 1, 1], [], []>, transpose_lhs_hint = false} : vector<512x16xf32>, vector<16x160xf32>, vector<512x160xf32> -> vector<512x160xf32>
    %add3A_76 = arith.addf %add3A_70, %dot_general3A_75 : vector<512x160xf32>
    %max3A_77 = arith.constant 0.000000e+00 : f32
    %max3A_78 = vector.broadcast %max3A_77 : f32 to vector<512x160xf32>
    %max3A_79 = arith.maximumf %add3A_76, %max3A_78 : vector<512x160xf32>
    %get3A_80 = arith.constant 0 : index
    %get3A_81 = arith.constant 0 : index
    %get3A_82 = vector.load %arg9[%get3A_80, %get3A_81] : memref<160x16xf32, #tpu.memory_space<vmem>>, vector<160x16xf32>
    %dot_general3A_83 = arith.constant dense<0.000000e+00> : vector<512x16xf32>
    %dot_general3A_84 = tpu.matmul %max3A_79, %get3A_82, %dot_general3A_83 {dimension_numbers = #tpu.dot_dimension_numbers<[1], [0], [0], [1], [0, 0, 1, 1], [], []>, transpose_lhs_hint = false} : vector<512x160xf32>, vector<160x16xf32>, vector<512x16xf32> -> vector<512x16xf32>
    %get3A_85 = arith.constant 0 : index
    %get3A_86 = arith.constant 0 : index
    %get3A_87 = vector.load %arg10[%get3A_85, %get3A_86] : memref<1x16xf32, #tpu.memory_space<vmem>>, vector<1x16xf32>
    %add3A_88 = vector.broadcast %get3A_87 : vector<1x16xf32> to vector<512x16xf32>
    %add3A_89 = arith.addf %dot_general3A_84, %add3A_88 : vector<512x16xf32>
    %get3A_90 = arith.constant 0 : index
    %get3A_91 = arith.constant 0 : index
    %get3A_92 = vector.load %arg11[%get3A_90, %get3A_91] : memref<1x16xf32, #tpu.memory_space<vmem>>, vector<1x16xf32>
    %get3A_93 = arith.constant 0 : index
    %get3A_94 = arith.constant 0 : index
    %get3A_95 = vector.load %arg12[%get3A_93, %get3A_94] : memref<1x16xf32, #tpu.memory_space<vmem>>, vector<1x16xf32>
    %reduce_sum3A = arith.constant dense<0.000000e+00> : vector<512xf32>
    %reduce_sum3A_96 = vector.multi_reduction <add>, %add3A_89, %reduce_sum3A [1] : vector<512x16xf32> to vector<512xf32>
    %broadcast_in_dim3A = vector.shape_cast %reduce_sum3A_96 : vector<512xf32> to vector<512x1xf32>
    %div3A_97 = arith.constant 1.600000e+01 : f32
    %div3A_98 = vector.broadcast %div3A_97 : f32 to vector<512x1xf32>
    %div3A_99 = arith.divf %broadcast_in_dim3A, %div3A_98 : vector<512x1xf32>
    %sub3A = vector.broadcast %div3A_99 : vector<512x1xf32> to vector<512x16xf32>
    %sub3A_100 = arith.subf %add3A_89, %sub3A : vector<512x16xf32>
    %integer_pow3A = arith.mulf %sub3A_100, %sub3A_100 : vector<512x16xf32>
    %reduce_sum3A_101 = arith.constant dense<0.000000e+00> : vector<512xf32>
    %reduce_sum3A_102 = vector.multi_reduction <add>, %integer_pow3A, %reduce_sum3A_101 [1] : vector<512x16xf32> to vector<512xf32>
    %broadcast_in_dim3A_103 = vector.shape_cast %reduce_sum3A_102 : vector<512xf32> to vector<512x1xf32>
    %div3A_104 = arith.constant 1.600000e+01 : f32
    %div3A_105 = vector.broadcast %div3A_104 : f32 to vector<512x1xf32>
    %div3A_106 = arith.divf %broadcast_in_dim3A_103, %div3A_105 : vector<512x1xf32>
    %sub3A_107 = vector.broadcast %div3A_99 : vector<512x1xf32> to vector<512x16xf32>
    %sub3A_108 = arith.subf %add3A_89, %sub3A_107 : vector<512x16xf32>
    %add3A_109 = arith.constant 9.99999974E-6 : f32
    %add3A_110 = vector.broadcast %add3A_109 : f32 to vector<512x1xf32>
    %add3A_111 = arith.addf %div3A_106, %add3A_110 : vector<512x1xf32>
    %sqrt3A_112 = math.sqrt %add3A_111 : vector<512x1xf32>
    %div3A_113 = vector.broadcast %sqrt3A_112 : vector<512x1xf32> to vector<512x16xf32>
    %div3A_114 = arith.divf %sub3A_108, %div3A_113 : vector<512x16xf32>
    %mul3A_115 = vector.broadcast %get3A_92 : vector<1x16xf32> to vector<512x16xf32>
    %mul3A_116 = arith.mulf %div3A_114, %mul3A_115 : vector<512x16xf32>
    %add3A_117 = vector.broadcast %get3A_95 : vector<1x16xf32> to vector<512x16xf32>
    %add3A_118 = arith.addf %mul3A_116, %add3A_117 : vector<512x16xf32>
    %swap3A = arith.constant 0 : index
    %swap3A_119 = arith.constant 0 : index
    %swap3A_120 = vector.load %arg26[%swap3A, %swap3A_119] : memref<512x16xf32, #tpu.memory_space<vmem>>, vector<512x16xf32>
    tpu.vector_store %arg26[%swap3A, %swap3A_119], %add3A_118 {strides = array<i32>} : memref<512x16xf32, #tpu.memory_space<vmem>>, vector<512x16xf32>,
    %get3A_121 = arith.constant 0 : index
    %get3A_122 = arith.constant 0 : index
    %get3A_123 = vector.load %arg19[%get3A_121, %get3A_122] : memref<16x16xf32, #tpu.memory_space<vmem>>, vector<16x16xf32>
    %dot_general3A_124 = arith.constant dense<0.000000e+00> : vector<512x16xf32>
    %dot_general3A_125 = tpu.matmul %get3A_1, %get3A_123, %dot_general3A_124 {dimension_numbers = #tpu.dot_dimension_numbers<[1], [0], [0], [1], [0, 0, 1, 1], [], []>, transpose_lhs_hint = false} : vector<512x16xf32>, vector<16x16xf32>, vector<512x16xf32> -> vector<512x16xf32>
    %get3A_126 = arith.constant 0 : index
    %get3A_127 = arith.constant 0 : index
    %get3A_128 = vector.load %arg20[%get3A_126, %get3A_127] : memref<1x16xf32, #tpu.memory_space<vmem>>, vector<1x16xf32>
    %add3A_129 = vector.broadcast %get3A_128 : vector<1x16xf32> to vector<512x16xf32>
    %add3A_130 = arith.addf %dot_general3A_125, %add3A_129 : vector<512x16xf32>
    %concatenate3A = tpu.concatenate %get3A_52, %add3A_130 in 1 : vector<512x128xf32>, vector<512x16xf32> -> vector<512x144xf32>
    %get3A_131 = arith.constant 0 : index
    %get3A_132 = arith.constant 0 : index
    %get3A_133 = vector.load %arg21[%get3A_131, %get3A_132] : memref<144x144xf32, #tpu.memory_space<vmem>>, vector<144x144xf32>
    %dot_general3A_134 = arith.constant dense<0.000000e+00> : vector<512x144xf32>
    %dot_general3A_135 = tpu.matmul %concatenate3A, %get3A_133, %dot_general3A_134 {dimension_numbers = #tpu.dot_dimension_numbers<[1], [0], [0], [1], [0, 0, 1, 1], [], []>, transpose_lhs_hint = false} : vector<512x144xf32>, vector<144x144xf32>, vector<512x144xf32> -> vector<512x144xf32>
    %get3A_136 = arith.constant 0 : index
    %get3A_137 = arith.constant 0 : index
    %get3A_138 = vector.load %arg22[%get3A_136, %get3A_137] : memref<1x144xf32, #tpu.memory_space<vmem>>, vector<1x144xf32>
    %add3A_139 = vector.broadcast %get3A_138 : vector<1x144xf32> to vector<512x144xf32>
    %add3A_140 = arith.addf %dot_general3A_135, %add3A_139 : vector<512x144xf32>
    %max3A_141 = arith.constant 0.000000e+00 : f32
    %max3A_142 = vector.broadcast %max3A_141 : f32 to vector<512x144xf32>
    %max3A_143 = arith.maximumf %add3A_140, %max3A_142 : vector<512x144xf32>
    %get3A_144 = arith.constant 0 : index
    %get3A_145 = arith.constant 0 : index
    %get3A_146 = vector.load %arg23[%get3A_144, %get3A_145] : memref<144x128xf32, #tpu.memory_space<vmem>>, vector<144x128xf32>
    %dot_general3A_147 = arith.constant dense<0.000000e+00> : vector<512x128xf32>
    %dot_general3A_148 = tpu.matmul %max3A_143, %get3A_146, %dot_general3A_147 {dimension_numbers = #tpu.dot_dimension_numbers<[1], [0], [0], [1], [0, 0, 1, 1], [], []>, transpose_lhs_hint = false} : vector<512x144xf32>, vector<144x128xf32>, vector<512x128xf32> -> vector<512x128xf32>
    %get3A_149 = arith.constant 0 : index
    %get3A_150 = arith.constant 0 : index
    %get3A_151 = vector.load %arg24[%get3A_149, %get3A_150] : memref<1x128xf32, #tpu.memory_space<vmem>>, vector<1x128xf32>
    %add3A_152 = vector.broadcast %get3A_151 : vector<1x128xf32> to vector<512x128xf32>
    %add3A_153 = arith.addf %dot_general3A_148, %add3A_152 : vector<512x128xf32>
    %exp3A = math.exp %add3A_153 : vector<512x128xf32>
    %get3A_154 = arith.constant 0 : index
    %get3A_155 = arith.constant 0 : index
    %get3A_156 = vector.load %arg25[%get3A_154, %get3A_155] : memref<128x4xf32, #tpu.memory_space<vmem>>, vector<128x4xf32>
    %dot_general3A_157 = arith.constant dense<0.000000e+00> : vector<512x4xf32>
    %dot_general3A_158 = tpu.matmul %exp3A, %get3A_156, %dot_general3A_157 {dimension_numbers = #tpu.dot_dimension_numbers<[1], [0], [0], [1], [0, 0, 1, 1], [], []>, transpose_lhs_hint = false} : vector<512x128xf32>, vector<128x4xf32>, vector<512x4xf32> -> vector<512x4xf32>
    %div3A_159 = arith.constant 1.000000e+00 : f32
    %div3A_160 = vector.broadcast %div3A_159 : f32 to vector<512x4xf32>
    %div3A_161 = arith.divf %div3A_160, %dot_general3A_158 : vector<512x4xf32>
    %get3A_162 = arith.constant 0 : index
    %get3A_163 = arith.constant 0 : index
    %get3A_164 = vector.load %arg25[%get3A_162, %get3A_163] : memref<128x4xf32, #tpu.memory_space<vmem>>, vector<128x4xf32>
    %transpose3A = tpu.transpose %get3A_164, [1, 0] : vector<128x4xf32> -> vector<4x128xf32>
    %dot_general3A_165 = arith.constant dense<0.000000e+00> : vector<512x128xf32>
    %dot_general3A_166 = tpu.matmul %div3A_161, %transpose3A, %dot_general3A_165 {dimension_numbers = #tpu.dot_dimension_numbers<[1], [0], [0], [1], [0, 0, 1, 1], [], []>, transpose_lhs_hint = false} : vector<512x4xf32>, vector<4x128xf32>, vector<512x128xf32> -> vector<512x128xf32>
    %mul3A_167 = arith.mulf %exp3A, %dot_general3A_166 : vector<512x128xf32>
    %mul3A_168 = arith.mulf %mul3A_167, %get3A_58 : vector<512x128xf32>
    %swap3A_169 = arith.constant 0 : index
    %swap3A_170 = arith.constant 0 : index
    %swap3A_171 = vector.load %arg27[%swap3A_169, %swap3A_170] : memref<512x128xf32, #tpu.memory_space<vmem>>, vector<512x128xf32>
    tpu.vector_store %arg27[%swap3A_169, %swap3A_170], %mul3A_168 {strides = array<i32>} : memref<512x128xf32, #tpu.memory_space<vmem>>, vector<512x128xf32>,
    return
  }
  func.func @transform_0(%arg0: i32) -> (i32, i32) {
    %c0_i32 = arith.constant 0 : i32
    %c0_i32_0 = arith.constant 0 : i32
    return %arg0, %c0_i32 : i32, i32
  }
  func.func @transform_1(%arg0: i32) -> (i32, i32) {
    %c0_i32 = arith.constant 0 : i32
    %c0_i32_0 = arith.constant 0 : i32
    return %arg0, %c0_i32 : i32, i32
  }
  func.func @transform_2(%arg0: i32) -> (i32, i32) {
    %c0_i32 = arith.constant 0 : i32
    %c0_i32_0 = arith.constant 0 : i32
    return %arg0, %c0_i32 : i32, i32
  }
  func.func @transform_3(%arg0: i32) -> (i32, i32) {
    %c0_i32 = arith.constant 0 : i32
    %c0_i32_0 = arith.constant 0 : i32
    return %arg0, %c0_i32 : i32, i32
  }
  func.func @transform_4(%arg0: i32) -> (i32, i32) {
    %c0_i32 = arith.constant 0 : i32
    %c0_i32_0 = arith.constant 0 : i32
    return %arg0, %c0_i32 : i32, i32
  }
  func.func @transform_5(%arg0: i32) -> (i32, i32) {
    %c0_i32 = arith.constant 0 : i32
    %c0_i32_0 = arith.constant 0 : i32
    %c0_i32_1 = arith.constant 0 : i32
    return %c0_i32, %c0_i32_0 : i32, i32
  }
  func.func @transform_6(%arg0: i32) -> (i32, i32) {
    %c0_i32 = arith.constant 0 : i32
    %c0_i32_0 = arith.constant 0 : i32
    %c0_i32_1 = arith.constant 0 : i32
    return %c0_i32, %c0_i32_0 : i32, i32
  }
  func.func @transform_7(%arg0: i32) -> (i32, i32) {
    %c0_i32 = arith.constant 0 : i32
    %c0_i32_0 = arith.constant 0 : i32
    %c0_i32_1 = arith.constant 0 : i32
    return %c0_i32, %c0_i32_0 : i32, i32
  }
  func.func @transform_8(%arg0: i32) -> (i32, i32) {
    %c0_i32 = arith.constant 0 : i32
    %c0_i32_0 = arith.constant 0 : i32
    %c0_i32_1 = arith.constant 0 : i32
    return %c0_i32, %c0_i32_0 : i32, i32
  }
  func.func @transform_9(%arg0: i32) -> (i32, i32) {
    %c0_i32 = arith.constant 0 : i32
    %c0_i32_0 = arith.constant 0 : i32
    %c0_i32_1 = arith.constant 0 : i32
    return %c0_i32, %c0_i32_0 : i32, i32
  }
  func.func @transform_10(%arg0: i32) -> (i32, i32) {
    %c0_i32 = arith.constant 0 : i32
    %c0_i32_0 = arith.constant 0 : i32
    %c0_i32_1 = arith.constant 0 : i32
    return %c0_i32, %c0_i32_0 : i32, i32
  }
  func.func @transform_11(%arg0: i32) -> (i32, i32) {
    %c0_i32 = arith.constant 0 : i32
    %c0_i32_0 = arith.constant 0 : i32
    %c0_i32_1 = arith.constant 0 : i32
    return %c0_i32, %c0_i32_0 : i32, i32
  }
  func.func @transform_12(%arg0: i32) -> (i32, i32) {
    %c0_i32 = arith.constant 0 : i32
    %c0_i32_0 = arith.constant 0 : i32
    %c0_i32_1 = arith.constant 0 : i32
    return %c0_i32, %c0_i32_0 : i32, i32
  }
  func.func @transform_13(%arg0: i32) -> (i32, i32) {
    %c0_i32 = arith.constant 0 : i32
    %c0_i32_0 = arith.constant 0 : i32
    %c0_i32_1 = arith.constant 0 : i32
    return %c0_i32, %c0_i32_0 : i32, i32
  }
  func.func @transform_14(%arg0: i32) -> (i32, i32) {
    %c0_i32 = arith.constant 0 : i32
    %c0_i32_0 = arith.constant 0 : i32
    %c0_i32_1 = arith.constant 0 : i32
    return %c0_i32, %c0_i32_0 : i32, i32
  }
  func.func @transform_15(%arg0: i32) -> (i32, i32) {
    %c0_i32 = arith.constant 0 : i32
    %c0_i32_0 = arith.constant 0 : i32
    %c0_i32_1 = arith.constant 0 : i32
    return %c0_i32, %c0_i32_0 : i32, i32
  }
  func.func @transform_16(%arg0: i32) -> (i32, i32) {
    %c0_i32 = arith.constant 0 : i32
    %c0_i32_0 = arith.constant 0 : i32
    %c0_i32_1 = arith.constant 0 : i32
    return %c0_i32, %c0_i32_0 : i32, i32
  }
  func.func @transform_17(%arg0: i32) -> (i32, i32) {
    %c0_i32 = arith.constant 0 : i32
    %c0_i32_0 = arith.constant 0 : i32
    %c0_i32_1 = arith.constant 0 : i32
    return %c0_i32, %c0_i32_0 : i32, i32
  }
  func.func @transform_18(%arg0: i32) -> (i32, i32) {
    %c0_i32 = arith.constant 0 : i32
    %c0_i32_0 = arith.constant 0 : i32
    %c0_i32_1 = arith.constant 0 : i32
    return %c0_i32, %c0_i32_0 : i32, i32
  }
  func.func @transform_19(%arg0: i32) -> (i32, i32) {
    %c0_i32 = arith.constant 0 : i32
    %c0_i32_0 = arith.constant 0 : i32
    %c0_i32_1 = arith.constant 0 : i32
    return %c0_i32, %c0_i32_0 : i32, i32
  }
  func.func @transform_20(%arg0: i32) -> (i32, i32) {
    %c0_i32 = arith.constant 0 : i32
    %c0_i32_0 = arith.constant 0 : i32
    %c0_i32_1 = arith.constant 0 : i32
    return %c0_i32, %c0_i32_0 : i32, i32
  }
  func.func @transform_21(%arg0: i32) -> (i32, i32) {
    %c0_i32 = arith.constant 0 : i32
    %c0_i32_0 = arith.constant 0 : i32
    %c0_i32_1 = arith.constant 0 : i32
    return %c0_i32, %c0_i32_0 : i32, i32
  }
  func.func @transform_22(%arg0: i32) -> (i32, i32) {
    %c0_i32 = arith.constant 0 : i32
    %c0_i32_0 = arith.constant 0 : i32
    %c0_i32_1 = arith.constant 0 : i32
    return %c0_i32, %c0_i32_0 : i32, i32
  }
  func.func @transform_23(%arg0: i32) -> (i32, i32) {
    %c0_i32 = arith.constant 0 : i32
    %c0_i32_0 = arith.constant 0 : i32
    %c0_i32_1 = arith.constant 0 : i32
    return %c0_i32, %c0_i32_0 : i32, i32
  }
  func.func @transform_24(%arg0: i32) -> (i32, i32) {
    %c0_i32 = arith.constant 0 : i32
    %c0_i32_0 = arith.constant 0 : i32
    %c0_i32_1 = arith.constant 0 : i32
    return %c0_i32, %c0_i32_0 : i32, i32
  }
  func.func @transform_25(%arg0: i32) -> (i32, i32) {
    %c0_i32 = arith.constant 0 : i32
    %c0_i32_0 = arith.constant 0 : i32
    return %arg0, %c0_i32 : i32, i32
  }
  func.func @transform_26(%arg0: i32) -> (i32, i32) {
    %c0_i32 = arith.constant 0 : i32
    %c0_i32_0 = arith.constant 0 : i32
    return %arg0, %c0_i32 : i32, i32
  }
}

module attributes {stable_mosaic.version = 14 : i64} {
  func.func @_node_out_body(%arg0: i32, %arg1: memref<512x128xf32, #tpu.memory_space<vmem>>, %arg2: memref<512x128xf32, #tpu.memory_space<vmem>>, %arg3: memref<512x128xf32, #tpu.memory_space<vmem>>, %arg4: memref<512x128xf32, #tpu.memory_space<vmem>>, %arg5: memref<32x128xf32, #tpu.memory_space<vmem>>, %arg6: memref<1x128xf32, #tpu.memory_space<vmem>>, %arg7: memref<256x256xf32, #tpu.memory_space<vmem>>, %arg8: memref<1x256xf32, #tpu.memory_space<vmem>>, %arg9: memref<256x128xf32, #tpu.memory_space<vmem>>, %arg10: memref<1x128xf32, #tpu.memory_space<vmem>>, %arg11: memref<1x128xf32, #tpu.memory_space<vmem>>, %arg12: memref<1x128xf32, #tpu.memory_space<vmem>>, %arg13: memref<512x128xf32, #tpu.memory_space<vmem>>) attributes {dimension_semantics = [#tpu.dimension_semantics<arbitrary>], iteration_bounds = array<i64: 20>, scalar_prefetch = 0 : i64, scratch_operands = 0 : i64, tpu.core_type = #tpu.core_type<tc>, window_params = [{transform_indices = @transform_0, window_bounds = array<i64: 512, 128>}, {transform_indices = @transform_1, window_bounds = array<i64: 512, 128>}, {transform_indices = @transform_2, window_bounds = array<i64: 512, 128>}, {transform_indices = @transform_3, window_bounds = array<i64: 512, 128>}, {pipeline_mode = #tpu.pipeline_mode<synchronous>, transform_indices = @transform_4, window_bounds = array<i64: 32, 128>}, {pipeline_mode = #tpu.pipeline_mode<synchronous>, transform_indices = @transform_5, window_bounds = array<i64: 1, 128>}, {pipeline_mode = #tpu.pipeline_mode<synchronous>, transform_indices = @transform_6, window_bounds = array<i64: 256, 256>}, {pipeline_mode = #tpu.pipeline_mode<synchronous>, transform_indices = @transform_7, window_bounds = array<i64: 1, 256>}, {pipeline_mode = #tpu.pipeline_mode<synchronous>, transform_indices = @transform_8, window_bounds = array<i64: 256, 128>}, {pipeline_mode = #tpu.pipeline_mode<synchronous>, transform_indices = @transform_9, window_bounds = array<i64: 1, 128>}, {pipeline_mode = #tpu.pipeline_mode<synchronous>, transform_indices = @transform_10, window_bounds = array<i64: 1, 128>}, {pipeline_mode = #tpu.pipeline_mode<synchronous>, transform_indices = @transform_11, window_bounds = array<i64: 1, 128>}, {transform_indices = @transform_12, window_bounds = array<i64: 512, 128>}]} {
    %get3A = arith.constant 0 : index
    %get3A_0 = arith.constant 16 : index
    %get3A_1 = vector.load %arg3[%get3A, %get3A_0] : memref<512x128xf32, #tpu.memory_space<vmem>>, vector<512x1xf32>
    %get3A_2 = arith.constant 0 : index
    %get3A_3 = arith.constant 16 : index
    %get3A_4 = vector.load %arg4[%get3A_2, %get3A_3] : memref<512x128xf32, #tpu.memory_space<vmem>>, vector<512x1xf32>
    %gt3A = arith.constant 0.000000e+00 : f32
    %gt3A_5 = vector.broadcast %gt3A : f32 to vector<512x1xf32>
    %gt3A_6 = arith.cmpf ogt, %get3A_1, %gt3A_5 : vector<512x1xf32>
    %get3A_7 = arith.constant 0 : index
    %get3A_8 = arith.constant 0 : index
    %get3A_9 = vector.load %arg3[%get3A_7, %get3A_8] : memref<512x128xf32, #tpu.memory_space<vmem>>, vector<512x16xf32>
    %max3A = arith.constant 1.000000e+00 : f32
    %max3A_10 = vector.broadcast %max3A : f32 to vector<512x1xf32>
    %max3A_11 = arith.maximumf %get3A_1, %max3A_10 : vector<512x1xf32>
    %div3A = vector.broadcast %max3A_11 : vector<512x1xf32> to vector<512x16xf32>
    %div3A_12 = arith.divf %get3A_9, %div3A : vector<512x16xf32>
    %jit3A = arith.constant 0.000000e+00 : f32
    %broadcast_in_dim3A = vector.shape_cast %gt3A_6 : vector<512x1xi1> to vector<512x1xi1>
    %broadcast_in_dim3A_13 = vector.broadcast %broadcast_in_dim3A : vector<512x1xi1> to vector<512x16xi1>
    %broadcast_in_dim3A_14 = vector.broadcast %jit3A : f32 to vector<512x16xf32>
    %select_n3A = arith.select %broadcast_in_dim3A_13, %div3A_12, %broadcast_in_dim3A_14 : vector<512x16xi1>, vector<512x16xf32>
    %gt3A_15 = arith.constant 0.000000e+00 : f32
    %gt3A_16 = vector.broadcast %gt3A_15 : f32 to vector<512x1xf32>
    %gt3A_17 = arith.cmpf ogt, %get3A_4, %gt3A_16 : vector<512x1xf32>
    %get3A_18 = arith.constant 0 : index
    %get3A_19 = arith.constant 0 : index
    %get3A_20 = vector.load %arg4[%get3A_18, %get3A_19] : memref<512x128xf32, #tpu.memory_space<vmem>>, vector<512x16xf32>
    %max3A_21 = arith.constant 1.000000e+00 : f32
    %max3A_22 = vector.broadcast %max3A_21 : f32 to vector<512x1xf32>
    %max3A_23 = arith.maximumf %get3A_4, %max3A_22 : vector<512x1xf32>
    %div3A_24 = vector.broadcast %max3A_23 : vector<512x1xf32> to vector<512x16xf32>
    %div3A_25 = arith.divf %get3A_20, %div3A_24 : vector<512x16xf32>
    %jit3A_26 = arith.constant 0.000000e+00 : f32
    %broadcast_in_dim3A_27 = vector.shape_cast %gt3A_17 : vector<512x1xi1> to vector<512x1xi1>
    %broadcast_in_dim3A_28 = vector.broadcast %broadcast_in_dim3A_27 : vector<512x1xi1> to vector<512x16xi1>
    %broadcast_in_dim3A_29 = vector.broadcast %jit3A_26 : f32 to vector<512x16xf32>
    %select_n3A_30 = arith.select %broadcast_in_dim3A_28, %div3A_25, %broadcast_in_dim3A_29 : vector<512x16xi1>, vector<512x16xf32>
    %concatenate3A = tpu.concatenate %select_n3A, %select_n3A_30 in 1 : vector<512x16xf32>, vector<512x16xf32> -> vector<512x32xf32>
    %get3A_31 = arith.constant 0 : index
    %get3A_32 = arith.constant 0 : index
    %get3A_33 = vector.load %arg5[%get3A_31, %get3A_32] : memref<32x128xf32, #tpu.memory_space<vmem>>, vector<32x128xf32>
    %dot_general3A = arith.constant dense<0.000000e+00> : vector<512x128xf32>
    %dot_general3A_34 = tpu.matmul %concatenate3A, %get3A_33, %dot_general3A {dimension_numbers = #tpu.dot_dimension_numbers<[1], [0], [0], [1], [0, 0, 1, 1], [], []>, transpose_lhs_hint = false} : vector<512x32xf32>, vector<32x128xf32>, vector<512x128xf32> -> vector<512x128xf32>
    %get3A_35 = arith.constant 0 : index
    %get3A_36 = arith.constant 0 : index
    %get3A_37 = vector.load %arg6[%get3A_35, %get3A_36] : memref<1x128xf32, #tpu.memory_space<vmem>>, vector<1x128xf32>
    %add3A = vector.broadcast %get3A_37 : vector<1x128xf32> to vector<512x128xf32>
    %add3A_38 = arith.addf %dot_general3A_34, %add3A : vector<512x128xf32>
    %gt3A_39 = arith.constant 0.000000e+00 : f32
    %gt3A_40 = vector.broadcast %gt3A_39 : f32 to vector<512x1xf32>
    %gt3A_41 = arith.cmpf ogt, %get3A_1, %gt3A_40 : vector<512x1xf32>
    %get3A_42 = arith.constant 0 : index
    %get3A_43 = arith.constant 0 : index
    %get3A_44 = vector.load %arg2[%get3A_42, %get3A_43] : memref<512x128xf32, #tpu.memory_space<vmem>>, vector<512x128xf32>
    %jit3A_45 = arith.constant 0.000000e+00 : f32
    %broadcast_in_dim3A_46 = vector.shape_cast %gt3A_41 : vector<512x1xi1> to vector<512x1xi1>
    %broadcast_in_dim3A_47 = vector.broadcast %broadcast_in_dim3A_46 : vector<512x1xi1> to vector<512x128xi1>
    %broadcast_in_dim3A_48 = vector.broadcast %jit3A_45 : f32 to vector<512x128xf32>
    %select_n3A_49 = arith.select %broadcast_in_dim3A_47, %get3A_44, %broadcast_in_dim3A_48 : vector<512x128xi1>, vector<512x128xf32>
    %max3A_50 = arith.constant 0.000000e+00 : f32
    %max3A_51 = vector.broadcast %max3A_50 : f32 to vector<512x128xf32>
    %max3A_52 = arith.maximumf %select_n3A_49, %max3A_51 : vector<512x128xf32>
    %logistic3A = arith.negf %add3A_38 : vector<512x128xf32>
    %logistic3A_53 = math.exp %logistic3A : vector<512x128xf32>
    %logistic3A_54 = arith.constant 1.000000e+00 : f32
    %logistic3A_55 = vector.broadcast %logistic3A_54 : f32 to vector<512x128xf32>
    %logistic3A_56 = arith.addf %logistic3A_55, %logistic3A_53 : vector<512x128xf32>
    %logistic3A_57 = arith.divf %logistic3A_55, %logistic3A_56 : vector<512x128xf32>
    %mul3A = arith.mulf %max3A_52, %logistic3A_57 : vector<512x128xf32>
    %get3A_58 = arith.constant 0 : index
    %get3A_59 = arith.constant 0 : index
    %get3A_60 = vector.load %arg1[%get3A_58, %get3A_59] : memref<512x128xf32, #tpu.memory_space<vmem>>, vector<512x128xf32>
    %concatenate3A_61 = tpu.concatenate %get3A_60, %mul3A in 1 : vector<512x128xf32>, vector<512x128xf32> -> vector<512x256xf32>
    %get3A_62 = arith.constant 0 : index
    %get3A_63 = arith.constant 0 : index
    %get3A_64 = vector.load %arg7[%get3A_62, %get3A_63] : memref<256x256xf32, #tpu.memory_space<vmem>>, vector<256x256xf32>
    %dot_general3A_65 = arith.constant dense<0.000000e+00> : vector<512x256xf32>
    %dot_general3A_66 = tpu.matmul %concatenate3A_61, %get3A_64, %dot_general3A_65 {dimension_numbers = #tpu.dot_dimension_numbers<[1], [0], [0], [1], [0, 0, 1, 1], [], []>, transpose_lhs_hint = false} : vector<512x256xf32>, vector<256x256xf32>, vector<512x256xf32> -> vector<512x256xf32>
    %get3A_67 = arith.constant 0 : index
    %get3A_68 = arith.constant 0 : index
    %get3A_69 = vector.load %arg8[%get3A_67, %get3A_68] : memref<1x256xf32, #tpu.memory_space<vmem>>, vector<1x256xf32>
    %add3A_70 = vector.broadcast %get3A_69 : vector<1x256xf32> to vector<512x256xf32>
    %add3A_71 = arith.addf %dot_general3A_66, %add3A_70 : vector<512x256xf32>
    %max3A_72 = arith.constant 0.000000e+00 : f32
    %max3A_73 = vector.broadcast %max3A_72 : f32 to vector<512x256xf32>
    %max3A_74 = arith.maximumf %add3A_71, %max3A_73 : vector<512x256xf32>
    %get3A_75 = arith.constant 0 : index
    %get3A_76 = arith.constant 0 : index
    %get3A_77 = vector.load %arg9[%get3A_75, %get3A_76] : memref<256x128xf32, #tpu.memory_space<vmem>>, vector<256x128xf32>
    %dot_general3A_78 = arith.constant dense<0.000000e+00> : vector<512x128xf32>
    %dot_general3A_79 = tpu.matmul %max3A_74, %get3A_77, %dot_general3A_78 {dimension_numbers = #tpu.dot_dimension_numbers<[1], [0], [0], [1], [0, 0, 1, 1], [], []>, transpose_lhs_hint = false} : vector<512x256xf32>, vector<256x128xf32>, vector<512x128xf32> -> vector<512x128xf32>
    %get3A_80 = arith.constant 0 : index
    %get3A_81 = arith.constant 0 : index
    %get3A_82 = vector.load %arg10[%get3A_80, %get3A_81] : memref<1x128xf32, #tpu.memory_space<vmem>>, vector<1x128xf32>
    %add3A_83 = vector.broadcast %get3A_82 : vector<1x128xf32> to vector<512x128xf32>
    %add3A_84 = arith.addf %dot_general3A_79, %add3A_83 : vector<512x128xf32>
    %get3A_85 = arith.constant 0 : index
    %get3A_86 = arith.constant 0 : index
    %get3A_87 = vector.load %arg11[%get3A_85, %get3A_86] : memref<1x128xf32, #tpu.memory_space<vmem>>, vector<1x128xf32>
    %get3A_88 = arith.constant 0 : index
    %get3A_89 = arith.constant 0 : index
    %get3A_90 = vector.load %arg12[%get3A_88, %get3A_89] : memref<1x128xf32, #tpu.memory_space<vmem>>, vector<1x128xf32>
    %reduce_sum3A = arith.constant dense<0.000000e+00> : vector<512xf32>
    %reduce_sum3A_91 = vector.multi_reduction <add>, %add3A_84, %reduce_sum3A [1] : vector<512x128xf32> to vector<512xf32>
    %broadcast_in_dim3A_92 = vector.shape_cast %reduce_sum3A_91 : vector<512xf32> to vector<512x1xf32>
    %div3A_93 = arith.constant 1.280000e+02 : f32
    %div3A_94 = vector.broadcast %div3A_93 : f32 to vector<512x1xf32>
    %div3A_95 = arith.divf %broadcast_in_dim3A_92, %div3A_94 : vector<512x1xf32>
    %sub3A = vector.broadcast %div3A_95 : vector<512x1xf32> to vector<512x128xf32>
    %sub3A_96 = arith.subf %add3A_84, %sub3A : vector<512x128xf32>
    %integer_pow3A = arith.mulf %sub3A_96, %sub3A_96 : vector<512x128xf32>
    %reduce_sum3A_97 = arith.constant dense<0.000000e+00> : vector<512xf32>
    %reduce_sum3A_98 = vector.multi_reduction <add>, %integer_pow3A, %reduce_sum3A_97 [1] : vector<512x128xf32> to vector<512xf32>
    %broadcast_in_dim3A_99 = vector.shape_cast %reduce_sum3A_98 : vector<512xf32> to vector<512x1xf32>
    %div3A_100 = arith.constant 1.280000e+02 : f32
    %div3A_101 = vector.broadcast %div3A_100 : f32 to vector<512x1xf32>
    %div3A_102 = arith.divf %broadcast_in_dim3A_99, %div3A_101 : vector<512x1xf32>
    %sub3A_103 = vector.broadcast %div3A_95 : vector<512x1xf32> to vector<512x128xf32>
    %sub3A_104 = arith.subf %add3A_84, %sub3A_103 : vector<512x128xf32>
    %add3A_105 = arith.constant 9.99999974E-6 : f32
    %add3A_106 = vector.broadcast %add3A_105 : f32 to vector<512x1xf32>
    %add3A_107 = arith.addf %div3A_102, %add3A_106 : vector<512x1xf32>
    %sqrt3A = math.sqrt %add3A_107 : vector<512x1xf32>
    %div3A_108 = vector.broadcast %sqrt3A : vector<512x1xf32> to vector<512x128xf32>
    %div3A_109 = arith.divf %sub3A_104, %div3A_108 : vector<512x128xf32>
    %mul3A_110 = vector.broadcast %get3A_87 : vector<1x128xf32> to vector<512x128xf32>
    %mul3A_111 = arith.mulf %div3A_109, %mul3A_110 : vector<512x128xf32>
    %add3A_112 = vector.broadcast %get3A_90 : vector<1x128xf32> to vector<512x128xf32>
    %add3A_113 = arith.addf %mul3A_111, %add3A_112 : vector<512x128xf32>
    %swap3A = arith.constant 0 : index
    %swap3A_114 = arith.constant 0 : index
    %swap3A_115 = vector.load %arg13[%swap3A, %swap3A_114] : memref<512x128xf32, #tpu.memory_space<vmem>>, vector<512x128xf32>
    tpu.vector_store %arg13[%swap3A, %swap3A_114], %add3A_113 {strides = array<i32>} : memref<512x128xf32, #tpu.memory_space<vmem>>, vector<512x128xf32>,
    return
  }
  func.func @transform_0(%arg0: i32) -> (i32, i32) {
    %c0_i32 = arith.constant 0 : i32
    %c0_i32_0 = arith.constant 0 : i32
    return %arg0, %c0_i32 : i32, i32
  }
  func.func @transform_1(%arg0: i32) -> (i32, i32) {
    %c0_i32 = arith.constant 0 : i32
    %c0_i32_0 = arith.constant 0 : i32
    return %arg0, %c0_i32 : i32, i32
  }
  func.func @transform_2(%arg0: i32) -> (i32, i32) {
    %c0_i32 = arith.constant 0 : i32
    %c0_i32_0 = arith.constant 0 : i32
    return %arg0, %c0_i32 : i32, i32
  }
  func.func @transform_3(%arg0: i32) -> (i32, i32) {
    %c0_i32 = arith.constant 0 : i32
    %c0_i32_0 = arith.constant 0 : i32
    return %arg0, %c0_i32 : i32, i32
  }
  func.func @transform_4(%arg0: i32) -> (i32, i32) {
    %c0_i32 = arith.constant 0 : i32
    %c0_i32_0 = arith.constant 0 : i32
    %c0_i32_1 = arith.constant 0 : i32
    return %c0_i32, %c0_i32_0 : i32, i32
  }
  func.func @transform_5(%arg0: i32) -> (i32, i32) {
    %c0_i32 = arith.constant 0 : i32
    %c0_i32_0 = arith.constant 0 : i32
    %c0_i32_1 = arith.constant 0 : i32
    return %c0_i32, %c0_i32_0 : i32, i32
  }
  func.func @transform_6(%arg0: i32) -> (i32, i32) {
    %c0_i32 = arith.constant 0 : i32
    %c0_i32_0 = arith.constant 0 : i32
    %c0_i32_1 = arith.constant 0 : i32
    return %c0_i32, %c0_i32_0 : i32, i32
  }
  func.func @transform_7(%arg0: i32) -> (i32, i32) {
    %c0_i32 = arith.constant 0 : i32
    %c0_i32_0 = arith.constant 0 : i32
    %c0_i32_1 = arith.constant 0 : i32
    return %c0_i32, %c0_i32_0 : i32, i32
  }
  func.func @transform_8(%arg0: i32) -> (i32, i32) {
    %c0_i32 = arith.constant 0 : i32
    %c0_i32_0 = arith.constant 0 : i32
    %c0_i32_1 = arith.constant 0 : i32
    return %c0_i32, %c0_i32_0 : i32, i32
  }
  func.func @transform_9(%arg0: i32) -> (i32, i32) {
    %c0_i32 = arith.constant 0 : i32
    %c0_i32_0 = arith.constant 0 : i32
    %c0_i32_1 = arith.constant 0 : i32
    return %c0_i32, %c0_i32_0 : i32, i32
  }
  func.func @transform_10(%arg0: i32) -> (i32, i32) {
    %c0_i32 = arith.constant 0 : i32
    %c0_i32_0 = arith.constant 0 : i32
    %c0_i32_1 = arith.constant 0 : i32
    return %c0_i32, %c0_i32_0 : i32, i32
  }
  func.func @transform_11(%arg0: i32) -> (i32, i32) {
    %c0_i32 = arith.constant 0 : i32
    %c0_i32_0 = arith.constant 0 : i32
    %c0_i32_1 = arith.constant 0 : i32
    return %c0_i32, %c0_i32_0 : i32, i32
  }
  func.func @transform_12(%arg0: i32) -> (i32, i32) {
    %c0_i32 = arith.constant 0 : i32
    %c0_i32_0 = arith.constant 0 : i32
    return %arg0, %c0_i32 : i32, i32
  }
}

</mosaic_0001>

<sc_bundles>
// kernel: gather_offload_async_start.1
scs
__scs_entry_jumppad:
0x0: {  	(pc) =	sbr.rel $0x88, $3  }
0x1: {  	(tag) =	ssettag $0x0;
	lr =	simm.s32 $0x1  }
0x2: {  	[smem:$0x3F80] =	sst lr;
	_ =	strace $0xD0000000  }
0x3: {  	_ = 	snop  }
0x4: {  	_ = 	snop  }
0x5: {  	_ = 	snop  }
0x6: {  	_ = 	snop  }
0x7: {  	_ = 	snop  }
__scs_overlays_trampoline_lowered:
0x8: {  	[smem:$0x3F8F] =	sst s0  }
0x9: {  	[smem:$0x3F90] =	sst s1  }
0xa: {  	[smem:$0x3F91] =	sst s2  }
0xb: {  	[smem:$0x3F92] =	sst s3  }
0xc: {  	[smem:$0x3F93] =	sst s4  }
0xd: {  	[smem:$0x3F94] =	sst s5  }
0xe: {  	[smem:$0x3F95] =	sst s6  }
0xf: {  	[smem:$0x3F96] =	sst s7  }
0x10: {  	[smem:$0x3F97] =	sst s8  }
0x11: {  	[smem:$0x3F98] =	sst s9;
	s0 =	simm.s32 @!p0 $0x0  }
0x12: {  	s1 =	sld [smem:$0x3F7E];
	s0 =	simm.s32 @p0 $0x1  }
0x13: {  	[smem:$0x3F99] =	sst s0;
	s0 =	simm.s32 @!p1 $0x0  }
0x14: {  	s2 =	sld [smem:$0x3F7D];
	s0 =	simm.s32 @p1 $0x1  }
0x15: {  	[smem:$0x3F9A] =	sst s0;
	s0 =	simm.s32 @!p2 $0x0  }
0x16: {  	s3 =	sld [smem:$0x3FDB];
	s0 =	simm.s32 @p2 $0x1  }
0x17: {  	s4 =	simm.s32 $0x1BF5;
	[smem:$0x3F9C] =	sst s0  }
0x18: {  	s0 =	sld [smem:$0x3F7F];
	_ =	swait.ge [sflag:s4], $0x0  }
0x19: {  	s7 =	sld [smem:$0x3F80]  }
0x1a: {  	s8 =	sadd.s32 $0xFFFFE003, lr  }
0x1b: {  	s9 =	sadd.s32 $0xFFFFFEF7, lr;
	s5 =	simm.s32 $0xFFFFFFFF;
	p2 =	slt.u32 s8, $0xFFFFF086  }
0x1c: {  	p1 =	slt.u32 s9, $0xF7A;
	s5 =	simm.s32 @!p2 $0x0  }
0x1d: {  	s5 =	simm.s32 @p1 $0x1;
	p0 =	seq.s32 s7, s2  }
0x1e: {  	s7 =	smul.u32 @!p0 $0xF7A, s2;
	p2 =	seq.s32 @!p0 s5, $0x0  }
0x1f: {  	s9 =	smul.u32 $0xF7A, s1;
	s8 =	simm.s32 @!p0 $0x1BF5;
	p2 =	por !p2, p0  }
0x20: {  	[sflag:s8] =	ssyncset.s32 @!p0 $0xFFFFF086;
	s6 =	sadd.s32 @!p0 s3, s7;
	s7 =	simm.s32 @!p0 $0x108  }
0x21: {  	s3 =	sadd.s32 s3, s9;
	s6 =	sadd.s32 @!p0 $0x88, s6;
	s7 =	simm.s32 @p2 $0x1082  }
0x22: {  	[simem:s7], [sflag:s8] =	dma.local @!p0 [hbm:s6], $0xF7A  }
0x23: {  	s9 =	sor.u32 $0xD0000000, s2;
	s6 =	simm.s32 $0x108;
	_ =	swait.ge @!p0 [sflag:s8], $0x0  }
0x24: {  	s3 =	sadd.s32 $0x88, s3;
	s6 =	simm.s32 @!p1 $0x1082;
	[sflag:s4] =	ssyncset.s32 $0xFFFFF086  }
0x25: {  	[simem:s6], [sflag:s4] =	dma.local [hbm:s3], $0xF7A  }
0x26: {  	[smem:$0x3F80] =	sst s1;
	(tag) =	ssettag s2;
	_ =	strace s9  }
0x27: {  	s1 =	sld [smem:$0x3F90]  }
0x28: {  	s2 =	sld [smem:$0x3F91]  }
0x29: {  	s4 =	sld [smem:$0x3F93]  }
0x2a: {  	p0 =	seq.s32 s5, $0x0;
	s5 =	sld [smem:$0x3F94]  }
0x2b: {  	s6 =	sld [smem:$0x3F95]  }
0x2c: {  	s7 =	sld [smem:$0x3F96]  }
0x2d: {  	s3 =	simm.s32 $0x108;
	s8 =	sld [smem:$0x3F97]  }
0x2e: {  	s3 =	simm.s32 @!p0 $0x1082;
	s9 =	sld [smem:$0x3F98]  }
0x2f: {  	lr =	sadd.s32 s0, s3;
	s0 =	sld [smem:$0x3F8F]  }
0x30: {  	s3 =	sld [smem:$0x3F92]  }
0x31: {  	[smem:$0x3F9B] =	sst s10  }
0x32: {  	s10 =	sld [smem:$0x3F99];
	_ =	sdelay $0x3  }
0x33: {  	p0 =	seq.s32 s10, $0x1;
	s10 =	sld [smem:$0x3F9B];
	_ =	sdelay $0x3  }
0x34: {  	[smem:$0x3F9B] =	sst s10  }
0x35: {  	s10 =	sld [smem:$0x3F9A];
	_ =	sdelay $0x3  }
0x36: {  	p1 =	seq.s32 s10, $0x1;
	s10 =	sld [smem:$0x3F9B];
	_ =	sdelay $0x3  }
0x37: {  	[smem:$0x3F9B] =	sst s10  }
0x38: {  	s10 =	sld [smem:$0x3F9C]  }
0x39: {  	_ = 	snop;
	(pc) =	sbr.ind lr, $3  }
0x3a: {  	_ = 	snop  }
0x3b: {  	_ = 	snop  }
0x3c: {  	p2 =	seq.s32 s10, $0x1;
	s10 =	sld [smem:$0x3F9B]  }
0x3d: {  	_ =	shalt  }
0x3e: {  	_ =	shalt  }
0x3f: {  	_ =	shalt  }
0x40: {  	_ =	shalt  }
0x41: {  	_ =	shalt  }
0x42: {  	_ =	shalt  }
0x43: {  	_ =	shalt  }
0x44: {  	_ =	shalt  }
0x45: {  	_ =	shalt  }
0x46: {  	_ =	shalt  }
0x47: {  	_ =	shalt  }
0x48: {  	_ =	shalt  }
0x49: {  	_ =	shalt  }
0x4a: {  	_ =	shalt  }
0x4b: {  	_ =	shalt  }
0x4c: {  	_ =	shalt  }
0x4d: {  	_ =	shalt  }
0x4e: {  	_ =	shalt  }
0x4f: {  	_ =	shalt  }
0x50: {  	_ =	shalt  }
0x51: {  	_ =	shalt  }
0x52: {  	_ =	shalt  }
0x53: {  	_ =	shalt  }
0x54: {  	_ =	shalt  }
0x55: {  	_ =	shalt  }
0x56: {  	_ =	shalt  }
0x57: {  	_ =	shalt  }
0x58: {  	_ =	shalt  }
0x59: {  	_ =	shalt  }
0x5a: {  	_ =	shalt  }
0x5b: {  	_ =	shalt  }
0x5c: {  	_ =	shalt  }
0x5d: {  	_ =	shalt  }
0x5e: {  	_ =	shalt  }
0x5f: {  	_ =	shalt  }
0x60: {  	_ =	shalt  }
0x61: {  	_ =	shalt  }
0x62: {  	_ =	shalt  }
0x63: {  	_ =	shalt  }
0x64: {  	_ =	shalt  }
0x65: {  	_ =	shalt  }
0x66: {  	_ =	shalt  }
0x67: {  	_ =	shalt  }
0x68: {  	_ =	shalt  }
0x69: {  	_ =	shalt  }
0x6a: {  	_ =	shalt  }
0x6b: {  	_ =	shalt  }
0x6c: {  	_ =	shalt  }
0x6d: {  	_ =	shalt  }
0x6e: {  	_ =	shalt  }
0x6f: {  	_ =	shalt  }
0x70: {  	_ =	shalt  }
0x71: {  	_ =	shalt  }
0x72: {  	_ =	shalt  }
0x73: {  	_ =	shalt  }
0x74: {  	_ =	shalt  }
0x75: {  	_ =	shalt  }
0x76: {  	_ =	shalt  }
0x77: {  	_ =	shalt  }
0x78: {  	_ =	shalt  }
0x79: {  	_ =	shalt  }
0x7a: {  	_ =	shalt  }
0x7b: {  	_ =	shalt  }
0x7c: {  	_ =	shalt  }
0x7d: {  	_ =	shalt  }
0x7e: {  	_ =	shalt  }
0x7f: {  	_ =	shalt  }
0x80: {  	_ =	shalt  }
0x81: {  	_ =	shalt  }
0x82: {  	_ =	shalt  }
0x83: {  	_ =	shalt  }
0x84: {  	_ =	shalt  }
0x85: {  	_ =	shalt  }
0x86: {  	_ =	shalt  }
0x87: {  	_ =	shalt  }
.Lfunc_end0:
.L_simem_size_0:
called_computation.2_lowered:
.L_overlay_start_0:
0x88: {  	s2 =	sld [smem:$0x3FD9]  }
0x89: {  	s3 =	sld [smem:$0x3FFE];
	_ =	sdelay $0x1  }
0x8a: {  	s1 =	srdreg.scid  }
0x8b: {  	s0 =	sand.u32 $0x1, s1  }
0x8c: {  	s16 =	sshll.u32 s0, $0xA;
	s2 =	sadd.s32 s3, s2  }
0x8d: {  	s2 =	sadd.s32 s2, s16  }
0x8e: {  	[smem:$0x3FA7] =	sst s2  }
0x8f: {  	_ = 	snop  }
0x90: {  	(tm) =	ssettm $0x1  }
0x91: {  	s17 =	sld [smem:$0x3FFB];
	_ =	sdelay $0x3  }
0x92: {  	_ =	strace s17  }
0x93: {  	s2 =	sld [smem:$0x3FFC];
	_ =	sdelay $0x3  }
0x94: {  	_ =	strace s2  }
0x95: {  	s2 =	sld [smem:$0x3FFD];
	_ =	sdelay $0x3  }
0x96: {  	_ =	strace s2  }
0x97: {  	_ =	strace $0x8FFFFFFF  }
0x98: {  	s18 =	sld [smem:$0x3FDB];
	_ =	sdelay $0x1  }
0x99: {  	s19 =	simm.s32 $_scs_section_size  }
0x9a: {  	s4 =	simm.s32 $_size__tile_overlayer_lowered;
	s5 =	simm.s32 $_tile_overlayer_lowered  }
0x9b: {  	s22 =	simm.s32 $0x1BFF;
	s21 =	sshll.u32 s5, $0x1;
	s2 =	sadd.s32 s19, s18  }
0x9c: {  	s6 =	simm.s32 $0x0;
	s20 =	sshll.u32 s4, $0x1;
	s4 =	sadd.s32 s21, s2  }
0x9d: {  	[timem:s6], [sflag:s22] =	dma.local [hbm:s4], s20  }
0x9e: {  	_ =	swait.ge [sflag:s22], s20  }
0x9f: {  	s3 =	ssub.s32 $0x0, s20;
	[sflag:s22] =	ssyncset.done $0x0  }
0xa0: {  	[sflag:s22] =	ssyncadd.s32 s3;
	_ =	sdelay $0x1  }
0xa1: {  	s23 =	simm.s32 $0x1B8B  }
0xa2: {  	_ =	swait.ge [sflag:s23], $0x1  }
0xa3: {  	[sflag:s23] =	ssyncset.done $0x0  }
0xa4: {  	s25 =	simm.s32 $0x1B8E;
	s24 =	sld [smem:$0x3FFE];
	[sflag:s23] =	ssyncadd.s32 $0xFFFFFFFF  }
0xa5: {  	s26 =	simm.s32 $execute0_lowered;
	[smem:$0x3FD2] =	sst s25  }
0xa6: {  	s4 =	sshll.u32 s26, $0x1;
	_ =	strace $0x80000046;
	[dreg:$0x1] =	wrdreg $0xFFFFFFFF  }
0xa7: {  	s28 =	simm.s32 $_size_execute0_lowered;
	s2 =	sadd.s32 s2, s4;
	[dreg:$0x0] =	wrdreg $0x0  }
0xa8: {  	s4 =	sshll.u32 s28, $0x1;
	[dreg:$0x2] =	wrdreg s2  }
0xa9: {  	[dreg:$0x3] =	wrdreg s4  }
0xaa: {  	[dreg:$0x4] =	wrdreg $0xC0  }
0xab: {  	_ =	task [dreg:s6], $0x5FFFF  }
0xac: {  	[dreg:$0x1] =	wrdreg $0xFFFFFFFF  }
0xad: {  	[dreg:$0x0] =	wrdreg $0x60  }
0xae: {  	[dreg:$0x2] =	wrdreg s24  }
0xaf: {  	[dreg:$0x3] =	wrdreg $0x9  }
0xb0: {  	_ =	task.clear_ibuf [dreg:s6], $0x4FFFF;
	_ =	strace $0x90000046  }
0xb1: {  	s29 =	simm.s32 $0x9;
	_ =	strace $0x80000048  }
0xb2: {  	_ =	swait.ge [sflag:s29], $0x1  }
0xb3: {  	[sflag:s29] =	ssyncadd.s32 $0xFFFFFFFF  }
0xb4: {  	_ =	strace $0x90000048  }
0xb5: {  	_ =	sfence  }
0xb6: {  	s30 =	sld [smem:$0x0];
	_ =	sdelay $0x2  }
0xb7: {  	s31 =	sshll.u32 s1, $0xD;
	s1 =	sshrl.u32 s1, $0x2  }
0xb8: {  	s3 =	sand.u32 $0x4000, s31;
	s1 =	sadd.s32 s1, s30  }
0xb9: {  	s0 =	sor.u32 s3, s0;
	s1 =	sshll.u32 s1, $0x11  }
0xba: {  	s0 =	sor.u32 s1, s0  }
0xbb: {  	s0 =	sadd.s32 $0x8F2B, s0  }
0xbc: {  	[sflag:s0] =	ssyncadd.remote.s32 $0x1  }
0xbd: {  	_ =	sfence.sel $0xFFFF  }
0xbe: {  	[dreg:$0x0] =	wrdreg $0xFFFFFFFF;
	(pc) =	sbr.abs _section_cstart, $3  }
0xbf: {  	[dreg:$0x1] =	wrdreg $0xFFFFFFFF  }
0xc0: {  	_ =	task.clear_ibuf [dreg:s6], $0x2FFFF;
	_ =	strace $0x9FFFFFFF  }
0xc1: {  	(tm) =	ssettm $0x7FFFFFFF  }
tec
execute0_lowered:
.L_overlay_start_1:
0x0: {  	(tag) =	ssettag $0x1  }
0x1: {  	s8 =	rddreg [dreg:$0x0]  }
0x2: {  	s0 =	rddreg [dreg:$0x1];
	_ =	strace $0x80000047;
	s1 =	stileid.u32  }
0x3: {  	s3 =	srdreg.scid;
	s4 =	simm.s32 $0x1;
	s7 =	simm.s32 $0x1  }
0x4: {  	s9 =	simm.s32 $0x1;
	s10 =	simm.s32 $0x3;
	s13 =	simm.s32 $0x0  }
0x5: {  	s12 =	simm.s32 $0x0;
	s5 =	sand.u32 $0x1, s3;
	s6 =	sshll.u32 s1, $0x1  }
0x6: {  	s2 =	sadd.s32 $0x2E600, s8;
	s3 =	sadd.s32 $0x42200, s8;
	s5 =	sor.u32 s6, s5  }
.Ltmp0:
0x7: {  	[sflag:s4] =	ssyncpa.u1 $0x0;
	p0 =	slt.u32 s5, $0x9;
	(pc) =	sbr.rel .LBB2_1-.Ltmp0, $4  }
0x8: {  	s6 =	simm.s32 $0x2;
	s7 =	simm.s32 @!p0 $0x0;
	p0 =	sne.s32 s5, $0x8  }
0x9: {  	[sflag:s6] =	ssyncpa.u1 $0x0;
	s5 =	smul.u32 $0x1F40, s5;
	s9 =	simm.s32 @!p0 $0x0  }
0xa: {  	s8 =	sadd.s32 $0xA10400, s8;
	[sflag:s10] =	ssyncpa.u1 $0x0;
	s7 =	sadd.s32 s9, s7  }
0xb: {  	vm0 =	vmmov $0xffff;
	s10 =	simm.s32 $0x0;
	s11 =	smov.u32 s5;
	s9 =	sadd.s32 $0x1, s7  }
.LBB2_4:
0xc: {  	v2 =	vnsel vm1, $0x0, v2  }
0xd: {  	vm1 =	vgt.s32 v0, $0x0;
	v2 =	vmin.u32 v2, $0x4E1FF  }
0xe: {  	v0 =	vnsel vm1, $0x0, v0  }
0xf: {  	v0 =	vmin.u32 v0, $0x4E1FF  }
0x10: {  	[tilespmem:s18], [sflag:$0x1] =	stream.indirect_vreg.gather [hbm4b:s2+s10], $0x1, v1, vm0, $0x4038;
	[tilespmem:$0x7D00] =	vst v63  }
0x11: {  	(ifvalue) =	ssetifvalue $0x7FFFFFFF  }
0x12: {  	[tilespmem:s15], [sflag:$0x1] =	stream.indirect_vreg.gather [hbm4b:s2+s10], $0x1, v2, vm0, $0x4038;
	[tilespmem:$0x7D00] =	vst v63  }
0x13: {  	s29 =	sadd.s32 $0x10, s15;
	(ifvalue) =	ssetifvalue $0x7FFFFFFF  }
0x14: {  	[tilespmem:s29], [sflag:$0x1] =	stream.indirect_vreg.gather [hbm4b:s2+s10], $0x1, v0, vm0, $0x4038;
	[tilespmem:$0x7D00] =	vst v63  }
0x15: {  	_ =	swait.ge [sflag:s4], $0x1F40  }
0x16: {  	s30 =	sshrl.u32 s13, $0x3;
	[sflag:s4] =	ssyncset.done $0x0  }
0x17: {  	s31 =	sand.u32 $0x7, s13;
	s15 =	sadd.s32 s8, s30;
	[sflag:s4] =	ssyncadd.s32 $0xFFFFE0C0  }
0x18: {  	[hbm4b:s15+s31] =	stream.linear.scatter [tilespmem:s14], [sflag:$0x3], $0x1F40, $0x38;
	[tilespmem:$0x7D00] =	vst v63  }
.LBB2_5:
0x19: {  	s15 =	sadd.s32 $0x3E800, s11  }
0x1a: {  	p1 =	sgt.s32 s15, $0x4E1FF  }
0x1b: {  	s15 =	smov.u32 @p1 s5;
	p1 =	sne.s32 s12, s9  }
.Ltmp1:
0x1c: {  	p0 =	slt.u32 s12, $0x2;
	(pc) =	sbr.rel @!p1 .LBB2_6-.Ltmp1, $4  }
0x1d: {  	s14 =	simm.s32 @!p0 $0x3  }
0x1e: {  	_ =	swait.ge @!p0 [sflag:s14], $0x1F40  }
0x1f: {  	s16 =	sadd.s32 $0x1, s12;
	s13 =	smov.u32 s11;
	[sflag:s14] =	ssyncset.done @!p0 $0x0  }
0x20: {  	s12 =	smov.u32 s16;
	s11 =	smov.u32 s15;
	[sflag:s14] =	ssyncadd.s32 @!p0 $0xFFFFE0C0  }
.LBB2_1:
0x21: {  	p0 =	sge.u32 s12, s7  }
0x22: {  	s14 =	sxor.u32 @!p0 $0x1, s12  }
0x23: {  	s14 =	smul.u32 @!p0 $0x7D00, s14  }
0x24: {  	s31 =	sadd.s32 $0xFFFFFFFF, s12;
	s15 =	sshrl.u32 @!p0 s11, $0x3  }
0x25: {  	s16 =	sand.u32 @!p0 $0x7, s11;
	s15 =	sadd.s32 @!p0 s3, s15;
	s14 =	sshra.s32 @!p0 s14, $0x2  }
0x26: {  	[tilespmem:s14], [sflag:$0x2] =	stream.linear.gather @!p0 [hbm4b:s15+s16], $0x1F40, $0x38;
	[tilespmem:$0x7D00] =	vst v63  }
0x27: {  	p0 =	sge.u32 s31, s7  }
.Ltmp2:
0x28: {  	_ = 	snop;
	(pc) =	sbr.rel @p0 .LBB2_5-.Ltmp2, $1  }
0x29: {  	_ =	sdelay $0x3  }
0x2a: {  	s14 =	sand.u32 $0x1, s12  }
0x2b: {  	_ =	swait.ge [sflag:s6], $0x1F40;
	p0 =	seq.s32 s14, $0x1;
	s14 =	simm.s32 $0x1F40  }
0x2c: {  	[sflag:s6] =	ssyncset.done $0x0;
	s14 =	simm.s32 @!p0 $0x0  }
0x2d: {  	[sflag:s6] =	ssyncadd.s32 $0xFFFFE0C0;
	(ifvalue) =	ssetifvalue $0x7FFFFFFF;
	v0 =	vld.msk [tilespmem:s14+$0x0 ss:$0x1], $0xffff;
	_ =	sdelay $0x4  }
0x2e: {  	s15 =	sadd.s32 $0x10, s14;
	vm1 =	vgt.s32 v0, $0x0  }
0x2f: {  	v2 =	vld.msk [tilespmem:s15+$0x0 ss:$0x1], $0xffff;
	v1 =	vnsel vm1, $0x0, v0  }
0x30: {  	v1 =	vmin.u32 v1, $0x4E1FF;
	_ =	sdelay $0x2  }
0x31: {  	s17 =	simm.s32 $0x20;
	s14 =	sadd.s32 $0x3E80, s14;
	s16 =	sadd.s32 $0x10, s15  }
0x32: {  	s15 =	sadd.s32 $0x10, s14;
	s18 =	smov.u32 s14;
	v0 =	vld.msk [tilespmem:s16+$0x0 ss:$0x1], $0xffff;
	vm1 =	vgt.s32 v2, $0x0;
	(ifvalue) =	ssetifvalue $0x7FFFFFFF  }
.LBB2_3:
0x33: {  	[tilespmem:s18], [sflag:$0x1] =	stream.indirect_vreg.gather [hbm4b:s2+s10], $0x1, v1, vm0, $0x4038;
	[tilespmem:$0x7D00] =	vst v63  }
0x34: {  	s17 =	sadd.s32 $0x10, s17  }
0x35: {  	v2 =	vnsel vm1, $0x0, v2;
	p0 =	slt.u32 s17, $0x1F30  }
.Ltmp3:
0x36: {  	s18 =	smov.u32 s15;
	v1 =	vmin.u32 v2, $0x4E1FF;
	(pc) =	sbr.rel @p0 .LBB2_3-.Ltmp3, $3  }
0x37: {  	_ =	sdelay $0x1  }
0x38: {  	s16 =	sadd.s32 $0x10, s16  }
0x39: {  	vm1 =	vgt.s32 v0, $0x0;
	s15 =	sadd.s32 $0x10, s15;
	v2 =	vmov v0;
	(ifvalue) =	ssetifvalue $0x7FFFFFFF;
	v0 =	vld.msk [tilespmem:s16+$0x0 ss:$0x1], $0xffff  }
.Ltmp4:
0x3a: {  	_ = 	snop;
	(pc) =	sbr.rel .LBB2_4-.Ltmp4, $1  }
0x3b: {  	_ =	sdelay $0x3  }
.LBB2_6:
0x3c: {  	_ =	sfence.sel $0x180000  }
0x3d: {  	s2 =	simm.s32 $0x2;
	[bflag:$0x0] =	sbarrier.arrive $0xFFFF  }
0x3e: {  	s30 =	simm.s32 $0x3;
	[sflag:s2] =	ssyncpa.u1 $0x1  }
0x3f: {  	s31 =	simm.s32 $0x1;
	[sflag:s30] =	ssyncpa.u1 $0x1  }
0x40: {  	[sflag:s31] =	ssyncpa.u1 $0x1  }
0x41: {  	p0 =	sne.s32 s1, $0x0;
	_ =	strace $0x90000047  }
0x42: {  	s0 =	sadd.s32 @!p0 $0x100000, s0;
	[bflag:$0x2] =	sbarrier.arrive $0xFFFF  }
0x43: {  	[sflag:s0] =	ssyncadd.tile.s32 @!p0 $0x1;
	_ =	shalt  }
.Lfunc_end2:
_tile_overlayer_lowered:
.L_overlay_start_2:
0x44: {  	(tag) =	ssettag $0x2  }
0x45: {  	s0 =	rddreg [dreg:$0x0];
	s2 =	stileid.u32  }
0x46: {  	s1 =	rddreg [dreg:$0x1];
	p0 =	sne.s32 s2, $0x0  }
0x47: {  	s3 =	rddreg [dreg:$0x2];
	[bflag:$0x3] =	sbarrier.arrive $0xFFFF;
	s2 =	simm.s32 @!p0 $0x1C01  }
0x48: {  	[timem:s3], [sflag:s2] =	dma.local @!p0 [hbm:s0], s1  }
0x49: {  	s0 =	simm.s32 @!p0 $0x1  }
0x4a: {  	_ =	swait.ge @!p0 [sflag:s0], s1  }
0x4b: {  	s1 =	ssub.s32 @!p0 $0x0, s1;
	[sflag:s0] =	ssyncset.done @!p0 $0x0  }
0x4c: {  	[sflag:s0] =	ssyncadd.s32 @!p0 s1  }
0x4d: {  	[bflag:$0x3] =	sbarrier.arrive $0xFFFF  }
0x4e: {  	_ =	shalt  }

// kernel: gather_offload_async_start.2
scs
__scs_entry_jumppad:
0x0: {  	(pc) =	sbr.rel $0x88, $3  }
0x1: {  	(tag) =	ssettag $0x0;
	lr =	simm.s32 $0x1  }
0x2: {  	[smem:$0x3F80] =	sst lr;
	_ =	strace $0xD0000000  }
0x3: {  	_ = 	snop  }
0x4: {  	_ = 	snop  }
0x5: {  	_ = 	snop  }
0x6: {  	_ = 	snop  }
0x7: {  	_ = 	snop  }
__scs_overlays_trampoline_lowered:
0x8: {  	[smem:$0x3F8F] =	sst s0  }
0x9: {  	[smem:$0x3F90] =	sst s1  }
0xa: {  	[smem:$0x3F91] =	sst s2  }
0xb: {  	[smem:$0x3F92] =	sst s3  }
0xc: {  	[smem:$0x3F93] =	sst s4  }
0xd: {  	[smem:$0x3F94] =	sst s5  }
0xe: {  	[smem:$0x3F95] =	sst s6  }
0xf: {  	[smem:$0x3F96] =	sst s7  }
0x10: {  	[smem:$0x3F97] =	sst s8  }
0x11: {  	[smem:$0x3F98] =	sst s9;
	s0 =	simm.s32 @!p0 $0x0  }
0x12: {  	s1 =	sld [smem:$0x3F7E];
	s0 =	simm.s32 @p0 $0x1  }
0x13: {  	[smem:$0x3F99] =	sst s0;
	s0 =	simm.s32 @!p1 $0x0  }
0x14: {  	s2 =	sld [smem:$0x3F7D];
	s0 =	simm.s32 @p1 $0x1  }
0x15: {  	[smem:$0x3F9A] =	sst s0;
	s0 =	simm.s32 @!p2 $0x0  }
0x16: {  	s3 =	sld [smem:$0x3FDB];
	s0 =	simm.s32 @p2 $0x1  }
0x17: {  	s4 =	simm.s32 $0x1BF5;
	[smem:$0x3F9C] =	sst s0  }
0x18: {  	s0 =	sld [smem:$0x3F7F];
	_ =	swait.ge [sflag:s4], $0x0  }
0x19: {  	s7 =	sld [smem:$0x3F80]  }
0x1a: {  	s8 =	sadd.s32 $0xFFFFE003, lr  }
0x1b: {  	s9 =	sadd.s32 $0xFFFFFEF7, lr;
	s5 =	simm.s32 $0xFFFFFFFF;
	p2 =	slt.u32 s8, $0xFFFFF086  }
0x1c: {  	p1 =	slt.u32 s9, $0xF7A;
	s5 =	simm.s32 @!p2 $0x0  }
0x1d: {  	s5 =	simm.s32 @p1 $0x1;
	p0 =	seq.s32 s7, s2  }
0x1e: {  	s7 =	smul.u32 @!p0 $0xF7A, s2;
	p2 =	seq.s32 @!p0 s5, $0x0  }
0x1f: {  	s9 =	smul.u32 $0xF7A, s1;
	s8 =	simm.s32 @!p0 $0x1BF5;
	p2 =	por !p2, p0  }
0x20: {  	[sflag:s8] =	ssyncset.s32 @!p0 $0xFFFFF086;
	s6 =	sadd.s32 @!p0 s3, s7;
	s7 =	simm.s32 @!p0 $0x108  }
0x21: {  	s3 =	sadd.s32 s3, s9;
	s6 =	sadd.s32 @!p0 $0x88, s6;
	s7 =	simm.s32 @p2 $0x1082  }
0x22: {  	[simem:s7], [sflag:s8] =	dma.local @!p0 [hbm:s6], $0xF7A  }
0x23: {  	s9 =	sor.u32 $0xD0000000, s2;
	s6 =	simm.s32 $0x108;
	_ =	swait.ge @!p0 [sflag:s8], $0x0  }
0x24: {  	s3 =	sadd.s32 $0x88, s3;
	s6 =	simm.s32 @!p1 $0x1082;
	[sflag:s4] =	ssyncset.s32 $0xFFFFF086  }
0x25: {  	[simem:s6], [sflag:s4] =	dma.local [hbm:s3], $0xF7A  }
0x26: {  	[smem:$0x3F80] =	sst s1;
	(tag) =	ssettag s2;
	_ =	strace s9  }
0x27: {  	s1 =	sld [smem:$0x3F90]  }
0x28: {  	s2 =	sld [smem:$0x3F91]  }
0x29: {  	s4 =	sld [smem:$0x3F93]  }
0x2a: {  	p0 =	seq.s32 s5, $0x0;
	s5 =	sld [smem:$0x3F94]  }
0x2b: {  	s6 =	sld [smem:$0x3F95]  }
0x2c: {  	s7 =	sld [smem:$0x3F96]  }
0x2d: {  	s3 =	simm.s32 $0x108;
	s8 =	sld [smem:$0x3F97]  }
0x2e: {  	s3 =	simm.s32 @!p0 $0x1082;
	s9 =	sld [smem:$0x3F98]  }
0x2f: {  	lr =	sadd.s32 s0, s3;
	s0 =	sld [smem:$0x3F8F]  }
0x30: {  	s3 =	sld [smem:$0x3F92]  }
0x31: {  	[smem:$0x3F9B] =	sst s10  }
0x32: {  	s10 =	sld [smem:$0x3F99];
	_ =	sdelay $0x3  }
0x33: {  	p0 =	seq.s32 s10, $0x1;
	s10 =	sld [smem:$0x3F9B];
	_ =	sdelay $0x3  }
0x34: {  	[smem:$0x3F9B] =	sst s10  }
0x35: {  	s10 =	sld [smem:$0x3F9A];
	_ =	sdelay $0x3  }
0x36: {  	p1 =	seq.s32 s10, $0x1;
	s10 =	sld [smem:$0x3F9B];
	_ =	sdelay $0x3  }
0x37: {  	[smem:$0x3F9B] =	sst s10  }
0x38: {  	s10 =	sld [smem:$0x3F9C]  }
0x39: {  	_ = 	snop;
	(pc) =	sbr.ind lr, $3  }
0x3a: {  	_ = 	snop  }
0x3b: {  	_ = 	snop  }
0x3c: {  	p2 =	seq.s32 s10, $0x1;
	s10 =	sld [smem:$0x3F9B]  }
0x3d: {  	_ =	shalt  }
0x3e: {  	_ =	shalt  }
0x3f: {  	_ =	shalt  }
0x40: {  	_ =	shalt  }
0x41: {  	_ =	shalt  }
0x42: {  	_ =	shalt  }
0x43: {  	_ =	shalt  }
0x44: {  	_ =	shalt  }
0x45: {  	_ =	shalt  }
0x46: {  	_ =	shalt  }
0x47: {  	_ =	shalt  }
0x48: {  	_ =	shalt  }
0x49: {  	_ =	shalt  }
0x4a: {  	_ =	shalt  }
0x4b: {  	_ =	shalt  }
0x4c: {  	_ =	shalt  }
0x4d: {  	_ =	shalt  }
0x4e: {  	_ =	shalt  }
0x4f: {  	_ =	shalt  }
0x50: {  	_ =	shalt  }
0x51: {  	_ =	shalt  }
0x52: {  	_ =	shalt  }
0x53: {  	_ =	shalt  }
0x54: {  	_ =	shalt  }
0x55: {  	_ =	shalt  }
0x56: {  	_ =	shalt  }
0x57: {  	_ =	shalt  }
0x58: {  	_ =	shalt  }
0x59: {  	_ =	shalt  }
0x5a: {  	_ =	shalt  }
0x5b: {  	_ =	shalt  }
0x5c: {  	_ =	shalt  }
0x5d: {  	_ =	shalt  }
0x5e: {  	_ =	shalt  }
0x5f: {  	_ =	shalt  }
0x60: {  	_ =	shalt  }
0x61: {  	_ =	shalt  }
0x62: {  	_ =	shalt  }
0x63: {  	_ =	shalt  }
0x64: {  	_ =	shalt  }
0x65: {  	_ =	shalt  }
0x66: {  	_ =	shalt  }
0x67: {  	_ =	shalt  }
0x68: {  	_ =	shalt  }
0x69: {  	_ =	shalt  }
0x6a: {  	_ =	shalt  }
0x6b: {  	_ =	shalt  }
0x6c: {  	_ =	shalt  }
0x6d: {  	_ =	shalt  }
0x6e: {  	_ =	shalt  }
0x6f: {  	_ =	shalt  }
0x70: {  	_ =	shalt  }
0x71: {  	_ =	shalt  }
0x72: {  	_ =	shalt  }
0x73: {  	_ =	shalt  }
0x74: {  	_ =	shalt  }
0x75: {  	_ =	shalt  }
0x76: {  	_ =	shalt  }
0x77: {  	_ =	shalt  }
0x78: {  	_ =	shalt  }
0x79: {  	_ =	shalt  }
0x7a: {  	_ =	shalt  }
0x7b: {  	_ =	shalt  }
0x7c: {  	_ =	shalt  }
0x7d: {  	_ =	shalt  }
0x7e: {  	_ =	shalt  }
0x7f: {  	_ =	shalt  }
0x80: {  	_ =	shalt  }
0x81: {  	_ =	shalt  }
0x82: {  	_ =	shalt  }
0x83: {  	_ =	shalt  }
0x84: {  	_ =	shalt  }
0x85: {  	_ =	shalt  }
0x86: {  	_ =	shalt  }
0x87: {  	_ =	shalt  }
.Lfunc_end0:
.L_simem_size_0:
called_computation.3_lowered:
.L_overlay_start_0:
0x88: {  	s2 =	sld [smem:$0x3FD9]  }
0x89: {  	s3 =	sld [smem:$0x3FFE];
	_ =	sdelay $0x1  }
0x8a: {  	s1 =	srdreg.scid  }
0x8b: {  	s0 =	sand.u32 $0x1, s1  }
0x8c: {  	s15 =	sshll.u32 s0, $0xA;
	s2 =	sadd.s32 s3, s2  }
0x8d: {  	s2 =	sadd.s32 s2, s15  }
0x8e: {  	[smem:$0x3FA7] =	sst s2  }
0x8f: {  	_ = 	snop  }
0x90: {  	s2 =	sld [smem:$0x3FD0];
	_ =	sdelay $0x2  }
0x91: {  	s16 =	simm.s32 $0xB;
	s4 =	simm.s32 $0x10  }
0x92: {  	[smem:s4], [sflag:s16] =	dma.local [hbm:s2], $0x1  }
0x93: {  	_ =	swait.eq [sflag:s16], $0x1  }
0x94: {  	[sflag:s16] =	ssyncset.done $0x0  }
0x95: {  	[sflag:s16] =	ssyncadd.s32 $0xFFFFFFFF  }
0x96: {  	s17 =	sld [smem:$0x10];
	(tm) =	ssettm $0x1  }
0x97: {  	s18 =	sld [smem:$0x3FFB];
	_ =	sdelay $0x3  }
0x98: {  	_ =	strace s18  }
0x99: {  	s2 =	sld [smem:$0x3FFC];
	_ =	sdelay $0x3  }
0x9a: {  	_ =	strace s2  }
0x9b: {  	s2 =	sld [smem:$0x3FFD];
	_ =	sdelay $0x3  }
0x9c: {  	_ =	strace s2  }
0x9d: {  	_ =	strace $0x8FFFFFFF  }
0x9e: {  	s19 =	sld [smem:$0x3FDB];
	_ =	sdelay $0x1  }
0x9f: {  	s20 =	simm.s32 $_scs_section_size  }
0xa0: {  	s5 =	simm.s32 $_size__tile_overlayer_lowered;
	s6 =	simm.s32 $_tile_overlayer_lowered  }
0xa1: {  	s7 =	simm.s32 $0x1BFF;
	s21 =	sshll.u32 s6, $0x1;
	s4 =	sadd.s32 s20, s19  }
0xa2: {  	s22 =	simm.s32 $0x0;
	s5 =	sshll.u32 s5, $0x1;
	s6 =	sadd.s32 s21, s4  }
0xa3: {  	[timem:s22], [sflag:s7] =	dma.local [hbm:s6], s5  }
0xa4: {  	_ =	swait.ge [sflag:s7], s5  }
0xa5: {  	s5 =	ssub.s32 $0x0, s5;
	[sflag:s7] =	ssyncset.done $0x0  }
0xa6: {  	[sflag:s7] =	ssyncadd.s32 s5;
	_ =	sdelay $0x1  }
0xa7: {  	s23 =	simm.s32 $0x1B8B  }
0xa8: {  	_ =	swait.ge [sflag:s23], $0x1  }
0xa9: {  	[sflag:s23] =	ssyncset.done $0x0  }
0xaa: {  	[sflag:s23] =	ssyncadd.s32 $0xFFFFFFFF  }
0xab: {  	s5 =	sld [smem:$0x0]  }
0xac: {  	s6 =	sand.u32 $0xFFFFFFFE, s1  }
0xad: {  	p0 =	sne.s32 s1, s6  }
0xae: {  	s6 =	sshll.u32 @p0 s6, $0xE  }
0xaf: {  	s6 =	sadd.s32 @p0 $0x11B8D, s6;
	s7 =	sshll.u32 @p0 s5, $0x11  }
0xb0: {  	s6 =	sor.u32 @p0 s7, s6  }
0xb1: {  	[sflag:s6] =	ssyncadd.remote.s32 @p0 $0x1;
	_ =	sdelay $0x1  }
0xb2: {  	s6 =	simm.s32 @p0 $0x1B8D  }
0xb3: {  	_ =	swait.eq @p0 [sflag:s6], $0x1  }
0xb4: {  	[sflag:s6] =	ssyncadd.s32 @p0 $0xFFFFFFFF  }
0xb5: {  	s7 =	sshll.u32 @!p0 s1, $0xE  }
0xb6: {  	s7 =	sor.u32 @!p0 $0x4000, s7;
	s6 =	simm.s32 @!p0 $0x1B8D  }
0xb7: {  	s5 =	sshll.u32 @!p0 s5, $0x11;
	s7 =	sadd.s32 @!p0 $0x11B8D, s7;
	_ =	swait.eq @!p0 [sflag:s6], $0x1  }
0xb8: {  	s5 =	sor.u32 @!p0 s5, s7;
	[sflag:s6] =	ssyncadd.s32 @!p0 $0xFFFFFFFF  }
0xb9: {  	s25 =	simm.s32 $0x1B8E;
	s24 =	sld [smem:$0x3FFE];
	[sflag:s5] =	ssyncadd.remote.s32 @!p0 $0x1  }
0xba: {  	s26 =	simm.s32 $execute0_lowered;
	[smem:$0x3FD2] =	sst s25  }
0xbb: {  	s6 =	sshll.u32 s26, $0x1;
	_ =	strace $0x8000004C;
	[dreg:$0x1] =	wrdreg $0xFFFFFFFF  }
0xbc: {  	s28 =	simm.s32 $_size_execute0_lowered;
	s4 =	sadd.s32 s4, s6;
	[dreg:$0x0] =	wrdreg $0x0  }
0xbd: {  	s6 =	sshll.u32 s28, $0x1;
	[dreg:$0x2] =	wrdreg s4  }
0xbe: {  	[dreg:$0x3] =	wrdreg s6  }
0xbf: {  	[dreg:$0x4] =	wrdreg $0xC0  }
0xc0: {  	_ =	task [dreg:s22], $0x5FFFF  }
0xc1: {  	[dreg:$0x1] =	wrdreg $0xFFFFFFFF  }
0xc2: {  	[dreg:$0x0] =	wrdreg $0x60  }
0xc3: {  	[dreg:$0x2] =	wrdreg s24  }
0xc4: {  	[dreg:$0x3] =	wrdreg s17  }
0xc5: {  	[dreg:$0x4] =	wrdreg $0x9  }
0xc6: {  	_ =	task.clear_ibuf [dreg:s22], $0x5FFFF;
	_ =	strace $0x9000004C  }
0xc7: {  	s29 =	simm.s32 $0x9;
	_ =	strace $0x8000004E  }
0xc8: {  	_ =	swait.ge [sflag:s29], $0x1  }
0xc9: {  	[sflag:s29] =	ssyncadd.s32 $0xFFFFFFFF  }
0xca: {  	_ =	strace $0x9000004E  }
0xcb: {  	_ =	sfence  }
0xcc: {  	s30 =	sld [smem:$0x0];
	_ =	sdelay $0x2  }
0xcd: {  	s31 =	sshll.u32 s1, $0xD;
	s1 =	sshrl.u32 s1, $0x2  }
0xce: {  	s4 =	sand.u32 $0x4000, s31;
	s1 =	sadd.s32 s1, s30  }
0xcf: {  	s0 =	sor.u32 s4, s0;
	s1 =	sshll.u32 s1, $0x11  }
0xd0: {  	s0 =	sor.u32 s1, s0  }
0xd1: {  	s0 =	sadd.s32 $0x8F2B, s0  }
0xd2: {  	[sflag:s0] =	ssyncadd.remote.s32 $0x1  }
0xd3: {  	_ =	sfence.sel $0xFFFF  }
0xd4: {  	[dreg:$0x0] =	wrdreg $0xFFFFFFFF;
	(pc) =	sbr.abs _section_cstart, $3  }
0xd5: {  	[dreg:$0x1] =	wrdreg $0xFFFFFFFF  }
0xd6: {  	_ =	task.clear_ibuf [dreg:s22], $0x2FFFF;
	_ =	strace $0x9FFFFFFF  }
0xd7: {  	(tm) =	ssettm $0x7FFFFFFF  }
tec
execute0_lowered:
.L_overlay_start_1:
0x0: {  	(tag) =	ssettag $0x1  }
0x1: {  	s8 =	rddreg [dreg:$0x0]  }
0x2: {  	s2 =	rddreg [dreg:$0x1]  }
0x3: {  	s0 =	rddreg [dreg:$0x2];
	s1 =	stileid.u32  }
0x4: {  	s3 =	srdreg.scid;
	_ =	strace $0x8000004D;
	s4 =	simm.s32 $0x1  }
0x5: {  	s7 =	simm.s32 $0x1;
	s9 =	simm.s32 $0x1;
	s10 =	simm.s32 $0x3  }
0x6: {  	s13 =	simm.s32 $0x0;
	s5 =	sand.u32 $0x1, s3;
	s6 =	sshll.u32 s1, $0x1  }
0x7: {  	s12 =	simm.s32 $0x0;
	s3 =	sadd.s32 $0xA10400, s8;
	s5 =	sor.u32 s6, s5  }
.Ltmp0:
0x8: {  	[sflag:s4] =	ssyncpa.u1 $0x0;
	p0 =	slt.u32 s5, $0x9;
	(pc) =	sbr.rel .LBB2_1-.Ltmp0, $4  }
0x9: {  	s6 =	simm.s32 $0x2;
	s7 =	simm.s32 @!p0 $0x0;
	p0 =	sne.s32 s5, $0x8  }
0xa: {  	[sflag:s6] =	ssyncpa.u1 $0x0;
	s5 =	smul.u32 $0x1F40, s5;
	s9 =	simm.s32 @!p0 $0x0  }
0xb: {  	s8 =	sadd.s32 $0x42200, s8;
	[sflag:s10] =	ssyncpa.u1 $0x0;
	s7 =	sadd.s32 s9, s7  }
0xc: {  	vm0 =	vmmov $0xffff;
	s10 =	simm.s32 $0x0;
	s11 =	smov.u32 s5;
	s9 =	sadd.s32 $0x1, s7  }
.LBB2_4:
0xd: {  	v2 =	vnsel vm1, $0x0, v2  }
0xe: {  	vm1 =	vgt.s32 v0, $0x0;
	v2 =	vmin.u32 v2, $0x4E1FF  }
0xf: {  	v0 =	vnsel vm1, $0x0, v0  }
0x10: {  	v0 =	vmin.u32 v0, $0x4E1FF  }
0x11: {  	[tilespmem:s18], [sflag:$0x1] =	stream.indirect_vreg.gather [hbm4b:s3+s10], $0x1, v1, vm0, $0x4038;
	[tilespmem:$0x7D00] =	vst v63  }
0x12: {  	(ifvalue) =	ssetifvalue $0x7FFFFFFF  }
0x13: {  	[tilespmem:s15], [sflag:$0x1] =	stream.indirect_vreg.gather [hbm4b:s3+s10], $0x1, v2, vm0, $0x4038;
	[tilespmem:$0x7D00] =	vst v63  }
0x14: {  	s29 =	sadd.s32 $0x10, s15;
	(ifvalue) =	ssetifvalue $0x7FFFFFFF  }
0x15: {  	[tilespmem:s29], [sflag:$0x1] =	stream.indirect_vreg.gather [hbm4b:s3+s10], $0x1, v0, vm0, $0x4038;
	[tilespmem:$0x7D00] =	vst v63  }
0x16: {  	_ =	swait.ge [sflag:s4], $0x1F40  }
0x17: {  	s30 =	sshrl.u32 s13, $0x3;
	[sflag:s4] =	ssyncset.done $0x0  }
0x18: {  	s31 =	sand.u32 $0x7, s13;
	s15 =	sadd.s32 s8, s30;
	[sflag:s4] =	ssyncadd.s32 $0xFFFFE0C0  }
0x19: {  	[hbm4b:s15+s31] =	stream.linear.scatter [tilespmem:s14], [sflag:$0x3], $0x1F40, $0x38;
	[tilespmem:$0x7D00] =	vst v63  }
.LBB2_5:
0x1a: {  	s15 =	sadd.s32 $0x3E800, s11  }
0x1b: {  	p1 =	sgt.s32 s15, $0x4E1FF  }
0x1c: {  	s15 =	smov.u32 @p1 s5;
	p1 =	sne.s32 s12, s9  }
.Ltmp1:
0x1d: {  	p0 =	slt.u32 s12, $0x2;
	(pc) =	sbr.rel @!p1 .LBB2_6-.Ltmp1, $4  }
0x1e: {  	s14 =	simm.s32 @!p0 $0x3  }
0x1f: {  	_ =	swait.ge @!p0 [sflag:s14], $0x1F40  }
0x20: {  	s16 =	sadd.s32 $0x1, s12;
	s13 =	smov.u32 s11;
	[sflag:s14] =	ssyncset.done @!p0 $0x0  }
0x21: {  	s12 =	smov.u32 s16;
	s11 =	smov.u32 s15;
	[sflag:s14] =	ssyncadd.s32 @!p0 $0xFFFFE0C0  }
.LBB2_1:
0x22: {  	p0 =	sge.u32 s12, s7  }
0x23: {  	s14 =	sxor.u32 @!p0 $0x1, s12  }
0x24: {  	s14 =	smul.u32 @!p0 $0x7D00, s14  }
0x25: {  	s31 =	sadd.s32 $0xFFFFFFFF, s12;
	s15 =	sshrl.u32 @!p0 s11, $0x3  }
0x26: {  	s16 =	sand.u32 @!p0 $0x7, s11;
	s15 =	sadd.s32 @!p0 s2, s15;
	s14 =	sshra.s32 @!p0 s14, $0x2  }
0x27: {  	[tilespmem:s14], [sflag:$0x2] =	stream.linear.gather @!p0 [hbm4b:s15+s16], $0x1F40, $0x38;
	[tilespmem:$0x7D00] =	vst v63  }
0x28: {  	p0 =	sge.u32 s31, s7  }
.Ltmp2:
0x29: {  	_ = 	snop;
	(pc) =	sbr.rel @p0 .LBB2_5-.Ltmp2, $1  }
0x2a: {  	_ =	sdelay $0x3  }
0x2b: {  	s14 =	sand.u32 $0x1, s12  }
0x2c: {  	_ =	swait.ge [sflag:s6], $0x1F40;
	p0 =	seq.s32 s14, $0x1;
	s14 =	simm.s32 $0x1F40  }
0x2d: {  	[sflag:s6] =	ssyncset.done $0x0;
	s14 =	simm.s32 @!p0 $0x0  }
0x2e: {  	[sflag:s6] =	ssyncadd.s32 $0xFFFFE0C0;
	(ifvalue) =	ssetifvalue $0x7FFFFFFF;
	v0 =	vld.msk [tilespmem:s14+$0x0 ss:$0x1], $0xffff;
	_ =	sdelay $0x4  }
0x2f: {  	s15 =	sadd.s32 $0x10, s14;
	vm1 =	vgt.s32 v0, $0x0  }
0x30: {  	v2 =	vld.msk [tilespmem:s15+$0x0 ss:$0x1], $0xffff;
	v1 =	vnsel vm1, $0x0, v0  }
0x31: {  	v1 =	vmin.u32 v1, $0x4E1FF;
	_ =	sdelay $0x2  }
0x32: {  	s17 =	simm.s32 $0x20;
	s14 =	sadd.s32 $0x3E80, s14;
	s16 =	sadd.s32 $0x10, s15  }
0x33: {  	s15 =	sadd.s32 $0x10, s14;
	s18 =	smov.u32 s14;
	v0 =	vld.msk [tilespmem:s16+$0x0 ss:$0x1], $0xffff;
	vm1 =	vgt.s32 v2, $0x0;
	(ifvalue) =	ssetifvalue $0x7FFFFFFF  }
.LBB2_3:
0x34: {  	[tilespmem:s18], [sflag:$0x1] =	stream.indirect_vreg.gather [hbm4b:s3+s10], $0x1, v1, vm0, $0x4038;
	[tilespmem:$0x7D00] =	vst v63  }
0x35: {  	s17 =	sadd.s32 $0x10, s17  }
0x36: {  	v2 =	vnsel vm1, $0x0, v2;
	p0 =	slt.u32 s17, $0x1F30  }
.Ltmp3:
0x37: {  	s18 =	smov.u32 s15;
	v1 =	vmin.u32 v2, $0x4E1FF;
	(pc) =	sbr.rel @p0 .LBB2_3-.Ltmp3, $3  }
0x38: {  	_ =	sdelay $0x1  }
0x39: {  	s16 =	sadd.s32 $0x10, s16  }
0x3a: {  	vm1 =	vgt.s32 v0, $0x0;
	s15 =	sadd.s32 $0x10, s15;
	v2 =	vmov v0;
	(ifvalue) =	ssetifvalue $0x7FFFFFFF;
	v0 =	vld.msk [tilespmem:s16+$0x0 ss:$0x1], $0xffff  }
.Ltmp4:
0x3b: {  	_ = 	snop;
	(pc) =	sbr.rel .LBB2_4-.Ltmp4, $1  }
0x3c: {  	_ =	sdelay $0x3  }
.LBB2_6:
0x3d: {  	_ =	sfence.sel $0x180000  }
0x3e: {  	s2 =	simm.s32 $0x2;
	[bflag:$0x0] =	sbarrier.arrive $0xFFFF  }
0x3f: {  	s30 =	simm.s32 $0x3;
	[sflag:s2] =	ssyncpa.u1 $0x1  }
0x40: {  	s31 =	simm.s32 $0x1;
	[sflag:s30] =	ssyncpa.u1 $0x1  }
0x41: {  	[sflag:s31] =	ssyncpa.u1 $0x1  }
0x42: {  	p0 =	sne.s32 s1, $0x0;
	_ =	strace $0x9000004D  }
0x43: {  	s0 =	sadd.s32 @!p0 $0x100000, s0;
	[bflag:$0x2] =	sbarrier.arrive $0xFFFF  }
0x44: {  	[sflag:s0] =	ssyncadd.tile.s32 @!p0 $0x1;
	_ =	shalt  }
.Lfunc_end2:
_tile_overlayer_lowered:
.L_overlay_start_2:
0x45: {  	(tag) =	ssettag $0x2  }
0x46: {  	s0 =	rddreg [dreg:$0x0];
	s2 =	stileid.u32  }
0x47: {  	s1 =	rddreg [dreg:$0x1];
	p0 =	sne.s32 s2, $0x0  }
0x48: {  	s3 =	rddreg [dreg:$0x2];
	[bflag:$0x3] =	sbarrier.arrive $0xFFFF;
	s2 =	simm.s32 @!p0 $0x1C01  }
0x49: {  	[timem:s3], [sflag:s2] =	dma.local @!p0 [hbm:s0], s1  }
0x4a: {  	s0 =	simm.s32 @!p0 $0x1  }
0x4b: {  	_ =	swait.ge @!p0 [sflag:s0], s1  }
0x4c: {  	s1 =	ssub.s32 @!p0 $0x0, s1;
	[sflag:s0] =	ssyncset.done @!p0 $0x0  }
0x4d: {  	[sflag:s0] =	ssyncadd.s32 @!p0 s1  }
0x4e: {  	[bflag:$0x3] =	sbarrier.arrive $0xFFFF  }
0x4f: {  	_ =	shalt  }

// kernel: gather_offload_async_start.3
scs
__scs_entry_jumppad:
0x0: {  	(pc) =	sbr.rel $0x88, $3  }
0x1: {  	(tag) =	ssettag $0x0;
	lr =	simm.s32 $0x1  }
0x2: {  	[smem:$0x3F80] =	sst lr;
	_ =	strace $0xD0000000  }
0x3: {  	_ = 	snop  }
0x4: {  	_ = 	snop  }
0x5: {  	_ = 	snop  }
0x6: {  	_ = 	snop  }
0x7: {  	_ = 	snop  }
__scs_overlays_trampoline_lowered:
0x8: {  	[smem:$0x3F8F] =	sst s0  }
0x9: {  	[smem:$0x3F90] =	sst s1  }
0xa: {  	[smem:$0x3F91] =	sst s2  }
0xb: {  	[smem:$0x3F92] =	sst s3  }
0xc: {  	[smem:$0x3F93] =	sst s4  }
0xd: {  	[smem:$0x3F94] =	sst s5  }
0xe: {  	[smem:$0x3F95] =	sst s6  }
0xf: {  	[smem:$0x3F96] =	sst s7  }
0x10: {  	[smem:$0x3F97] =	sst s8  }
0x11: {  	[smem:$0x3F98] =	sst s9;
	s0 =	simm.s32 @!p0 $0x0  }
0x12: {  	s1 =	sld [smem:$0x3F7E];
	s0 =	simm.s32 @p0 $0x1  }
0x13: {  	[smem:$0x3F99] =	sst s0;
	s0 =	simm.s32 @!p1 $0x0  }
0x14: {  	s2 =	sld [smem:$0x3F7D];
	s0 =	simm.s32 @p1 $0x1  }
0x15: {  	[smem:$0x3F9A] =	sst s0;
	s0 =	simm.s32 @!p2 $0x0  }
0x16: {  	s3 =	sld [smem:$0x3FDB];
	s0 =	simm.s32 @p2 $0x1  }
0x17: {  	s4 =	simm.s32 $0x1BF5;
	[smem:$0x3F9C] =	sst s0  }
0x18: {  	s0 =	sld [smem:$0x3F7F];
	_ =	swait.ge [sflag:s4], $0x0  }
0x19: {  	s7 =	sld [smem:$0x3F80]  }
0x1a: {  	s8 =	sadd.s32 $0xFFFFE003, lr  }
0x1b: {  	s9 =	sadd.s32 $0xFFFFFEF7, lr;
	s5 =	simm.s32 $0xFFFFFFFF;
	p2 =	slt.u32 s8, $0xFFFFF086  }
0x1c: {  	p1 =	slt.u32 s9, $0xF7A;
	s5 =	simm.s32 @!p2 $0x0  }
0x1d: {  	s5 =	simm.s32 @p1 $0x1;
	p0 =	seq.s32 s7, s2  }
0x1e: {  	s7 =	smul.u32 @!p0 $0xF7A, s2;
	p2 =	seq.s32 @!p0 s5, $0x0  }
0x1f: {  	s9 =	smul.u32 $0xF7A, s1;
	s8 =	simm.s32 @!p0 $0x1BF5;
	p2 =	por !p2, p0  }
0x20: {  	[sflag:s8] =	ssyncset.s32 @!p0 $0xFFFFF086;
	s6 =	sadd.s32 @!p0 s3, s7;
	s7 =	simm.s32 @!p0 $0x108  }
0x21: {  	s3 =	sadd.s32 s3, s9;
	s6 =	sadd.s32 @!p0 $0x88, s6;
	s7 =	simm.s32 @p2 $0x1082  }
0x22: {  	[simem:s7], [sflag:s8] =	dma.local @!p0 [hbm:s6], $0xF7A  }
0x23: {  	s9 =	sor.u32 $0xD0000000, s2;
	s6 =	simm.s32 $0x108;
	_ =	swait.ge @!p0 [sflag:s8], $0x0  }
0x24: {  	s3 =	sadd.s32 $0x88, s3;
	s6 =	simm.s32 @!p1 $0x1082;
	[sflag:s4] =	ssyncset.s32 $0xFFFFF086  }
0x25: {  	[simem:s6], [sflag:s4] =	dma.local [hbm:s3], $0xF7A  }
0x26: {  	[smem:$0x3F80] =	sst s1;
	(tag) =	ssettag s2;
	_ =	strace s9  }
0x27: {  	s1 =	sld [smem:$0x3F90]  }
0x28: {  	s2 =	sld [smem:$0x3F91]  }
0x29: {  	s4 =	sld [smem:$0x3F93]  }
0x2a: {  	p0 =	seq.s32 s5, $0x0;
	s5 =	sld [smem:$0x3F94]  }
0x2b: {  	s6 =	sld [smem:$0x3F95]  }
0x2c: {  	s7 =	sld [smem:$0x3F96]  }
0x2d: {  	s3 =	simm.s32 $0x108;
	s8 =	sld [smem:$0x3F97]  }
0x2e: {  	s3 =	simm.s32 @!p0 $0x1082;
	s9 =	sld [smem:$0x3F98]  }
0x2f: {  	lr =	sadd.s32 s0, s3;
	s0 =	sld [smem:$0x3F8F]  }
0x30: {  	s3 =	sld [smem:$0x3F92]  }
0x31: {  	[smem:$0x3F9B] =	sst s10  }
0x32: {  	s10 =	sld [smem:$0x3F99];
	_ =	sdelay $0x3  }
0x33: {  	p0 =	seq.s32 s10, $0x1;
	s10 =	sld [smem:$0x3F9B];
	_ =	sdelay $0x3  }
0x34: {  	[smem:$0x3F9B] =	sst s10  }
0x35: {  	s10 =	sld [smem:$0x3F9A];
	_ =	sdelay $0x3  }
0x36: {  	p1 =	seq.s32 s10, $0x1;
	s10 =	sld [smem:$0x3F9B];
	_ =	sdelay $0x3  }
0x37: {  	[smem:$0x3F9B] =	sst s10  }
0x38: {  	s10 =	sld [smem:$0x3F9C]  }
0x39: {  	_ = 	snop;
	(pc) =	sbr.ind lr, $3  }
0x3a: {  	_ = 	snop  }
0x3b: {  	_ = 	snop  }
0x3c: {  	p2 =	seq.s32 s10, $0x1;
	s10 =	sld [smem:$0x3F9B]  }
0x3d: {  	_ =	shalt  }
0x3e: {  	_ =	shalt  }
0x3f: {  	_ =	shalt  }
0x40: {  	_ =	shalt  }
0x41: {  	_ =	shalt  }
0x42: {  	_ =	shalt  }
0x43: {  	_ =	shalt  }
0x44: {  	_ =	shalt  }
0x45: {  	_ =	shalt  }
0x46: {  	_ =	shalt  }
0x47: {  	_ =	shalt  }
0x48: {  	_ =	shalt  }
0x49: {  	_ =	shalt  }
0x4a: {  	_ =	shalt  }
0x4b: {  	_ =	shalt  }
0x4c: {  	_ =	shalt  }
0x4d: {  	_ =	shalt  }
0x4e: {  	_ =	shalt  }
0x4f: {  	_ =	shalt  }
0x50: {  	_ =	shalt  }
0x51: {  	_ =	shalt  }
0x52: {  	_ =	shalt  }
0x53: {  	_ =	shalt  }
0x54: {  	_ =	shalt  }
0x55: {  	_ =	shalt  }
0x56: {  	_ =	shalt  }
0x57: {  	_ =	shalt  }
0x58: {  	_ =	shalt  }
0x59: {  	_ =	shalt  }
0x5a: {  	_ =	shalt  }
0x5b: {  	_ =	shalt  }
0x5c: {  	_ =	shalt  }
0x5d: {  	_ =	shalt  }
0x5e: {  	_ =	shalt  }
0x5f: {  	_ =	shalt  }
0x60: {  	_ =	shalt  }
0x61: {  	_ =	shalt  }
0x62: {  	_ =	shalt  }
0x63: {  	_ =	shalt  }
0x64: {  	_ =	shalt  }
0x65: {  	_ =	shalt  }
0x66: {  	_ =	shalt  }
0x67: {  	_ =	shalt  }
0x68: {  	_ =	shalt  }
0x69: {  	_ =	shalt  }
0x6a: {  	_ =	shalt  }
0x6b: {  	_ =	shalt  }
0x6c: {  	_ =	shalt  }
0x6d: {  	_ =	shalt  }
0x6e: {  	_ =	shalt  }
0x6f: {  	_ =	shalt  }
0x70: {  	_ =	shalt  }
0x71: {  	_ =	shalt  }
0x72: {  	_ =	shalt  }
0x73: {  	_ =	shalt  }
0x74: {  	_ =	shalt  }
0x75: {  	_ =	shalt  }
0x76: {  	_ =	shalt  }
0x77: {  	_ =	shalt  }
0x78: {  	_ =	shalt  }
0x79: {  	_ =	shalt  }
0x7a: {  	_ =	shalt  }
0x7b: {  	_ =	shalt  }
0x7c: {  	_ =	shalt  }
0x7d: {  	_ =	shalt  }
0x7e: {  	_ =	shalt  }
0x7f: {  	_ =	shalt  }
0x80: {  	_ =	shalt  }
0x81: {  	_ =	shalt  }
0x82: {  	_ =	shalt  }
0x83: {  	_ =	shalt  }
0x84: {  	_ =	shalt  }
0x85: {  	_ =	shalt  }
0x86: {  	_ =	shalt  }
0x87: {  	_ =	shalt  }
.Lfunc_end0:
.L_simem_size_0:
called_computation.4_lowered:
.L_overlay_start_0:
0x88: {  	s2 =	sld [smem:$0x3FD9]  }
0x89: {  	s3 =	sld [smem:$0x3FFE];
	_ =	sdelay $0x1  }
0x8a: {  	s1 =	srdreg.scid  }
0x8b: {  	s0 =	sand.u32 $0x1, s1  }
0x8c: {  	s14 =	sshll.u32 s0, $0xA;
	s2 =	sadd.s32 s3, s2  }
0x8d: {  	s2 =	sadd.s32 s2, s14  }
0x8e: {  	[smem:$0x3FA7] =	sst s2  }
0x8f: {  	_ = 	snop  }
0x90: {  	s2 =	sld [smem:$0x3FD0];
	_ =	sdelay $0x2  }
0x91: {  	s15 =	simm.s32 $0xB;
	s4 =	simm.s32 $0x10  }
0x92: {  	[smem:s4], [sflag:s15] =	dma.local [hbm:s2], $0x1  }
0x93: {  	_ =	swait.eq [sflag:s15], $0x1  }
0x94: {  	[sflag:s15] =	ssyncset.done $0x0  }
0x95: {  	[sflag:s15] =	ssyncadd.s32 $0xFFFFFFFF  }
0x96: {  	s16 =	sld [smem:$0x10];
	(tm) =	ssettm $0x1  }
0x97: {  	s17 =	sld [smem:$0x3FFB];
	_ =	sdelay $0x3  }
0x98: {  	_ =	strace s17  }
0x99: {  	s3 =	sld [smem:$0x3FFC];
	_ =	sdelay $0x3  }
0x9a: {  	_ =	strace s3  }
0x9b: {  	s3 =	sld [smem:$0x3FFD];
	_ =	sdelay $0x3  }
0x9c: {  	_ =	strace s3  }
0x9d: {  	_ =	strace $0x8FFFFFFF  }
0x9e: {  	s18 =	sld [smem:$0x3FDB];
	_ =	sdelay $0x1  }
0x9f: {  	s19 =	simm.s32 $_scs_section_size  }
0xa0: {  	s5 =	simm.s32 $_size__tile_overlayer_lowered;
	s6 =	simm.s32 $_tile_overlayer_lowered  }
0xa1: {  	s22 =	simm.s32 $0x1BFF;
	s21 =	sshll.u32 s6, $0x1;
	s3 =	sadd.s32 s19, s18  }
0xa2: {  	s7 =	simm.s32 $0x0;
	s20 =	sshll.u32 s5, $0x1;
	s5 =	sadd.s32 s21, s3  }
0xa3: {  	[timem:s7], [sflag:s22] =	dma.local [hbm:s5], s20  }
0xa4: {  	_ =	swait.ge [sflag:s22], s20  }
0xa5: {  	s4 =	ssub.s32 $0x0, s20;
	[sflag:s22] =	ssyncset.done $0x0  }
0xa6: {  	[sflag:s22] =	ssyncadd.s32 s4;
	_ =	sdelay $0x1  }
0xa7: {  	s23 =	simm.s32 $0x1B8B  }
0xa8: {  	_ =	swait.ge [sflag:s23], $0x1  }
0xa9: {  	[sflag:s23] =	ssyncset.done $0x0  }
0xaa: {  	s25 =	simm.s32 $0x1B8E;
	s24 =	sld [smem:$0x3FFE];
	[sflag:s23] =	ssyncadd.s32 $0xFFFFFFFF  }
0xab: {  	s26 =	simm.s32 $execute0_lowered;
	[smem:$0x3FD2] =	sst s25  }
0xac: {  	s5 =	sshll.u32 s26, $0x1;
	_ =	strace $0x80000049;
	[dreg:$0x1] =	wrdreg $0xFFFFFFFF  }
0xad: {  	s28 =	simm.s32 $_size_execute0_lowered;
	s3 =	sadd.s32 s3, s5;
	[dreg:$0x0] =	wrdreg $0x0  }
0xae: {  	s5 =	sshll.u32 s28, $0x1;
	[dreg:$0x2] =	wrdreg s3  }
0xaf: {  	[dreg:$0x3] =	wrdreg s5  }
0xb0: {  	[dreg:$0x4] =	wrdreg $0xC0  }
0xb1: {  	_ =	task [dreg:s7], $0x5FFFF  }
0xb2: {  	[dreg:$0x1] =	wrdreg $0xFFFFFFFF  }
0xb3: {  	[dreg:$0x0] =	wrdreg $0x60  }
0xb4: {  	[dreg:$0x2] =	wrdreg s24  }
0xb5: {  	[dreg:$0x3] =	wrdreg s16  }
0xb6: {  	[dreg:$0x4] =	wrdreg $0xA  }
0xb7: {  	_ =	task.clear_ibuf [dreg:s7], $0x5FFFF;
	_ =	strace $0x90000049  }
0xb8: {  	s29 =	simm.s32 $0xA;
	_ =	strace $0x8000004B  }
0xb9: {  	_ =	swait.ge [sflag:s29], $0x1  }
0xba: {  	[sflag:s29] =	ssyncadd.s32 $0xFFFFFFFF  }
0xbb: {  	_ =	strace $0x9000004B  }
0xbc: {  	_ =	sfence  }
0xbd: {  	s30 =	sld [smem:$0x0];
	_ =	sdelay $0x2  }
0xbe: {  	s31 =	sshll.u32 s1, $0xD;
	s1 =	sshrl.u32 s1, $0x2  }
0xbf: {  	s3 =	sand.u32 $0x4000, s31;
	s1 =	sadd.s32 s1, s30  }
0xc0: {  	s0 =	sor.u32 s3, s0;
	s1 =	sshll.u32 s1, $0x11  }
0xc1: {  	s0 =	sor.u32 s1, s0  }
0xc2: {  	s0 =	sadd.s32 $0x8F2B, s0  }
0xc3: {  	[sflag:s0] =	ssyncadd.remote.s32 $0x1  }
0xc4: {  	_ =	sfence.sel $0xFFFF  }
0xc5: {  	[dreg:$0x0] =	wrdreg $0xFFFFFFFF;
	(pc) =	sbr.abs _section_cstart, $3  }
0xc6: {  	[dreg:$0x1] =	wrdreg $0xFFFFFFFF  }
0xc7: {  	_ =	task.clear_ibuf [dreg:s7], $0x2FFFF;
	_ =	strace $0x9FFFFFFF  }
0xc8: {  	(tm) =	ssettm $0x7FFFFFFF  }
0xc9: {  	_ =	shalt  }
tec
execute0_lowered:
.L_overlay_start_1:
0x0: {  	(tag) =	ssettag $0x1  }
0x1: {  	s8 =	rddreg [dreg:$0x0]  }
0x2: {  	s2 =	rddreg [dreg:$0x1]  }
0x3: {  	s0 =	rddreg [dreg:$0x2];
	s1 =	stileid.u32  }
0x4: {  	s3 =	srdreg.scid;
	_ =	strace $0x8000004A;
	s4 =	simm.s32 $0x1  }
0x5: {  	s7 =	simm.s32 $0x1;
	s9 =	simm.s32 $0x1;
	s10 =	simm.s32 $0x3  }
0x6: {  	s13 =	simm.s32 $0x0;
	s5 =	sand.u32 $0x1, s3;
	s6 =	sshll.u32 s1, $0x1  }
0x7: {  	s12 =	simm.s32 $0x0;
	s3 =	sadd.s32 $0x38400, s8;
	s5 =	sor.u32 s6, s5  }
.Ltmp0:
0x8: {  	[sflag:s4] =	ssyncpa.u1 $0x0;
	p0 =	slt.u32 s5, $0x9;
	(pc) =	sbr.rel .LBB2_1-.Ltmp0, $4  }
0x9: {  	s6 =	simm.s32 $0x2;
	s7 =	simm.s32 @!p0 $0x0;
	p0 =	sne.s32 s5, $0x8  }
0xa: {  	[sflag:s6] =	ssyncpa.u1 $0x0;
	s5 =	smul.u32 $0x1F40, s5;
	s9 =	simm.s32 @!p0 $0x0  }
0xb: {  	s8 =	sadd.s32 $0x2E600, s8;
	[sflag:s10] =	ssyncpa.u1 $0x0;
	s7 =	sadd.s32 s9, s7  }
0xc: {  	vm0 =	vmmov $0xffff;
	s10 =	simm.s32 $0x0;
	s11 =	smov.u32 s5;
	s9 =	sadd.s32 $0x1, s7  }
.LBB2_4:
0xd: {  	v2 =	vnsel vm1, $0x0, v2  }
0xe: {  	vm1 =	vgt.s32 v0, $0x0;
	v2 =	vmin.u32 v2, $0x4E1FF  }
0xf: {  	v0 =	vnsel vm1, $0x0, v0  }
0x10: {  	v0 =	vmin.u32 v0, $0x4E1FF  }
0x11: {  	[tilespmem:s18], [sflag:$0x1] =	stream.indirect_vreg.gather [hbm4b:s3+s10], $0x1, v1, vm0, $0x4038;
	[tilespmem:$0x7D00] =	vst v63  }
0x12: {  	(ifvalue) =	ssetifvalue $0x7FFFFFFF  }
0x13: {  	[tilespmem:s15], [sflag:$0x1] =	stream.indirect_vreg.gather [hbm4b:s3+s10], $0x1, v2, vm0, $0x4038;
	[tilespmem:$0x7D00] =	vst v63  }
0x14: {  	s29 =	sadd.s32 $0x10, s15;
	(ifvalue) =	ssetifvalue $0x7FFFFFFF  }
0x15: {  	[tilespmem:s29], [sflag:$0x1] =	stream.indirect_vreg.gather [hbm4b:s3+s10], $0x1, v0, vm0, $0x4038;
	[tilespmem:$0x7D00] =	vst v63  }
0x16: {  	_ =	swait.ge [sflag:s4], $0x1F40  }
0x17: {  	s30 =	sshrl.u32 s13, $0x3;
	[sflag:s4] =	ssyncset.done $0x0  }
0x18: {  	s31 =	sand.u32 $0x7, s13;
	s15 =	sadd.s32 s8, s30;
	[sflag:s4] =	ssyncadd.s32 $0xFFFFE0C0  }
0x19: {  	[hbm4b:s15+s31] =	stream.linear.scatter [tilespmem:s14], [sflag:$0x3], $0x1F40, $0x38;
	[tilespmem:$0x7D00] =	vst v63  }
.LBB2_5:
0x1a: {  	s15 =	sadd.s32 $0x3E800, s11  }
0x1b: {  	p1 =	sgt.s32 s15, $0x4E1FF  }
0x1c: {  	s15 =	smov.u32 @p1 s5;
	p1 =	sne.s32 s12, s9  }
.Ltmp1:
0x1d: {  	p0 =	slt.u32 s12, $0x2;
	(pc) =	sbr.rel @!p1 .LBB2_6-.Ltmp1, $4  }
0x1e: {  	s14 =	simm.s32 @!p0 $0x3  }
0x1f: {  	_ =	swait.ge @!p0 [sflag:s14], $0x1F40  }
0x20: {  	s16 =	sadd.s32 $0x1, s12;
	s13 =	smov.u32 s11;
	[sflag:s14] =	ssyncset.done @!p0 $0x0  }
0x21: {  	s12 =	smov.u32 s16;
	s11 =	smov.u32 s15;
	[sflag:s14] =	ssyncadd.s32 @!p0 $0xFFFFE0C0  }
.LBB2_1:
0x22: {  	p0 =	sge.u32 s12, s7  }
0x23: {  	s14 =	sxor.u32 @!p0 $0x1, s12  }
0x24: {  	s14 =	smul.u32 @!p0 $0x7D00, s14  }
0x25: {  	s31 =	sadd.s32 $0xFFFFFFFF, s12;
	s15 =	sshrl.u32 @!p0 s11, $0x3  }
0x26: {  	s16 =	sand.u32 @!p0 $0x7, s11;
	s15 =	sadd.s32 @!p0 s2, s15;
	s14 =	sshra.s32 @!p0 s14, $0x2  }
0x27: {  	[tilespmem:s14], [sflag:$0x2] =	stream.linear.gather @!p0 [hbm4b:s15+s16], $0x1F40, $0x38;
	[tilespmem:$0x7D00] =	vst v63  }
0x28: {  	p0 =	sge.u32 s31, s7  }
.Ltmp2:
0x29: {  	_ = 	snop;
	(pc) =	sbr.rel @p0 .LBB2_5-.Ltmp2, $1  }
0x2a: {  	_ =	sdelay $0x3  }
0x2b: {  	s14 =	sand.u32 $0x1, s12  }
0x2c: {  	_ =	swait.ge [sflag:s6], $0x1F40;
	p0 =	seq.s32 s14, $0x1;
	s14 =	simm.s32 $0x1F40  }
0x2d: {  	[sflag:s6] =	ssyncset.done $0x0;
	s14 =	simm.s32 @!p0 $0x0  }
0x2e: {  	[sflag:s6] =	ssyncadd.s32 $0xFFFFE0C0;
	(ifvalue) =	ssetifvalue $0x7FFFFFFF;
	v0 =	vld.msk [tilespmem:s14+$0x0 ss:$0x1], $0xffff;
	_ =	sdelay $0x4  }
0x2f: {  	s15 =	sadd.s32 $0x10, s14;
	vm1 =	vgt.s32 v0, $0x0  }
0x30: {  	v2 =	vld.msk [tilespmem:s15+$0x0 ss:$0x1], $0xffff;
	v1 =	vnsel vm1, $0x0, v0  }
0x31: {  	v1 =	vmin.u32 v1, $0x4E1FF;
	_ =	sdelay $0x2  }
0x32: {  	s17 =	simm.s32 $0x20;
	s14 =	sadd.s32 $0x3E80, s14;
	s16 =	sadd.s32 $0x10, s15  }
0x33: {  	s15 =	sadd.s32 $0x10, s14;
	s18 =	smov.u32 s14;
	v0 =	vld.msk [tilespmem:s16+$0x0 ss:$0x1], $0xffff;
	vm1 =	vgt.s32 v2, $0x0;
	(ifvalue) =	ssetifvalue $0x7FFFFFFF  }
.LBB2_3:
0x34: {  	[tilespmem:s18], [sflag:$0x1] =	stream.indirect_vreg.gather [hbm4b:s3+s10], $0x1, v1, vm0, $0x4038;
	[tilespmem:$0x7D00] =	vst v63  }
0x35: {  	s17 =	sadd.s32 $0x10, s17  }
0x36: {  	v2 =	vnsel vm1, $0x0, v2;
	p0 =	slt.u32 s17, $0x1F30  }
.Ltmp3:
0x37: {  	s18 =	smov.u32 s15;
	v1 =	vmin.u32 v2, $0x4E1FF;
	(pc) =	sbr.rel @p0 .LBB2_3-.Ltmp3, $3  }
0x38: {  	_ =	sdelay $0x1  }
0x39: {  	s16 =	sadd.s32 $0x10, s16  }
0x3a: {  	vm1 =	vgt.s32 v0, $0x0;
	s15 =	sadd.s32 $0x10, s15;
	v2 =	vmov v0;
	(ifvalue) =	ssetifvalue $0x7FFFFFFF;
	v0 =	vld.msk [tilespmem:s16+$0x0 ss:$0x1], $0xffff  }
.Ltmp4:
0x3b: {  	_ = 	snop;
	(pc) =	sbr.rel .LBB2_4-.Ltmp4, $1  }
0x3c: {  	_ =	sdelay $0x3  }
.LBB2_6:
0x3d: {  	_ =	sfence.sel $0x180000  }
0x3e: {  	s2 =	simm.s32 $0x2;
	[bflag:$0x0] =	sbarrier.arrive $0xFFFF  }
0x3f: {  	s30 =	simm.s32 $0x3;
	[sflag:s2] =	ssyncpa.u1 $0x1  }
0x40: {  	s31 =	simm.s32 $0x1;
	[sflag:s30] =	ssyncpa.u1 $0x1  }
0x41: {  	[sflag:s31] =	ssyncpa.u1 $0x1  }
0x42: {  	p0 =	sne.s32 s1, $0x0;
	_ =	strace $0x9000004A  }
0x43: {  	s0 =	sadd.s32 @!p0 $0x100000, s0;
	[bflag:$0x2] =	sbarrier.arrive $0xFFFF  }
0x44: {  	[sflag:s0] =	ssyncadd.tile.s32 @!p0 $0x1;
	_ =	shalt  }
.Lfunc_end2:
_tile_overlayer_lowered:
.L_overlay_start_2:
0x45: {  	(tag) =	ssettag $0x2  }
0x46: {  	s0 =	rddreg [dreg:$0x0];
	s2 =	stileid.u32  }
0x47: {  	s1 =	rddreg [dreg:$0x1];
	p0 =	sne.s32 s2, $0x0  }
0x48: {  	s3 =	rddreg [dreg:$0x2];
	[bflag:$0x3] =	sbarrier.arrive $0xFFFF;
	s2 =	simm.s32 @!p0 $0x1C01  }
0x49: {  	[timem:s3], [sflag:s2] =	dma.local @!p0 [hbm:s0], s1  }
0x4a: {  	s0 =	simm.s32 @!p0 $0x1  }
0x4b: {  	_ =	swait.ge @!p0 [sflag:s0], s1  }
0x4c: {  	s1 =	ssub.s32 @!p0 $0x0, s1;
	[sflag:s0] =	ssyncset.done @!p0 $0x0  }
0x4d: {  	[sflag:s0] =	ssyncadd.s32 @!p0 s1  }
0x4e: {  	[bflag:$0x3] =	sbarrier.arrive $0xFFFF  }
0x4f: {  	_ =	shalt  }

// kernel: gather_offload_async_start
scs
__scs_entry_jumppad:
0x0: {  	(pc) =	sbr.rel $0x88, $3  }
0x1: {  	(tag) =	ssettag $0x0;
	lr =	simm.s32 $0x1  }
0x2: {  	[smem:$0x3F80] =	sst lr;
	_ =	strace $0xD0000000  }
0x3: {  	_ = 	snop  }
0x4: {  	_ = 	snop  }
0x5: {  	_ = 	snop  }
0x6: {  	_ = 	snop  }
0x7: {  	_ = 	snop  }
__scs_overlays_trampoline_lowered:
0x8: {  	[smem:$0x3F8F] =	sst s0  }
0x9: {  	[smem:$0x3F90] =	sst s1  }
0xa: {  	[smem:$0x3F91] =	sst s2  }
0xb: {  	[smem:$0x3F92] =	sst s3  }
0xc: {  	[smem:$0x3F93] =	sst s4  }
0xd: {  	[smem:$0x3F94] =	sst s5  }
0xe: {  	[smem:$0x3F95] =	sst s6  }
0xf: {  	[smem:$0x3F96] =	sst s7  }
0x10: {  	[smem:$0x3F97] =	sst s8  }
0x11: {  	[smem:$0x3F98] =	sst s9;
	s0 =	simm.s32 @!p0 $0x0  }
0x12: {  	s1 =	sld [smem:$0x3F7E];
	s0 =	simm.s32 @p0 $0x1  }
0x13: {  	[smem:$0x3F99] =	sst s0;
	s0 =	simm.s32 @!p1 $0x0  }
0x14: {  	s2 =	sld [smem:$0x3F7D];
	s0 =	simm.s32 @p1 $0x1  }
0x15: {  	[smem:$0x3F9A] =	sst s0;
	s0 =	simm.s32 @!p2 $0x0  }
0x16: {  	s3 =	sld [smem:$0x3FDB];
	s0 =	simm.s32 @p2 $0x1  }
0x17: {  	s4 =	simm.s32 $0x1BF5;
	[smem:$0x3F9C] =	sst s0  }
0x18: {  	s0 =	sld [smem:$0x3F7F];
	_ =	swait.ge [sflag:s4], $0x0  }
0x19: {  	s7 =	sld [smem:$0x3F80]  }
0x1a: {  	s8 =	sadd.s32 $0xFFFFE003, lr  }
0x1b: {  	s9 =	sadd.s32 $0xFFFFFEF7, lr;
	s5 =	simm.s32 $0xFFFFFFFF;
	p2 =	slt.u32 s8, $0xFFFFF086  }
0x1c: {  	p1 =	slt.u32 s9, $0xF7A;
	s5 =	simm.s32 @!p2 $0x0  }
0x1d: {  	s5 =	simm.s32 @p1 $0x1;
	p0 =	seq.s32 s7, s2  }
0x1e: {  	s7 =	smul.u32 @!p0 $0xF7A, s2;
	p2 =	seq.s32 @!p0 s5, $0x0  }
0x1f: {  	s9 =	smul.u32 $0xF7A, s1;
	s8 =	simm.s32 @!p0 $0x1BF5;
	p2 =	por !p2, p0  }
0x20: {  	[sflag:s8] =	ssyncset.s32 @!p0 $0xFFFFF086;
	s6 =	sadd.s32 @!p0 s3, s7;
	s7 =	simm.s32 @!p0 $0x108  }
0x21: {  	s3 =	sadd.s32 s3, s9;
	s6 =	sadd.s32 @!p0 $0x88, s6;
	s7 =	simm.s32 @p2 $0x1082  }
0x22: {  	[simem:s7], [sflag:s8] =	dma.local @!p0 [hbm:s6], $0xF7A  }
0x23: {  	s9 =	sor.u32 $0xD0000000, s2;
	s6 =	simm.s32 $0x108;
	_ =	swait.ge @!p0 [sflag:s8], $0x0  }
0x24: {  	s3 =	sadd.s32 $0x88, s3;
	s6 =	simm.s32 @!p1 $0x1082;
	[sflag:s4] =	ssyncset.s32 $0xFFFFF086  }
0x25: {  	[simem:s6], [sflag:s4] =	dma.local [hbm:s3], $0xF7A  }
0x26: {  	[smem:$0x3F80] =	sst s1;
	(tag) =	ssettag s2;
	_ =	strace s9  }
0x27: {  	s1 =	sld [smem:$0x3F90]  }
0x28: {  	s2 =	sld [smem:$0x3F91]  }
0x29: {  	s4 =	sld [smem:$0x3F93]  }
0x2a: {  	p0 =	seq.s32 s5, $0x0;
	s5 =	sld [smem:$0x3F94]  }
0x2b: {  	s6 =	sld [smem:$0x3F95]  }
0x2c: {  	s7 =	sld [smem:$0x3F96]  }
0x2d: {  	s3 =	simm.s32 $0x108;
	s8 =	sld [smem:$0x3F97]  }
0x2e: {  	s3 =	simm.s32 @!p0 $0x1082;
	s9 =	sld [smem:$0x3F98]  }
0x2f: {  	lr =	sadd.s32 s0, s3;
	s0 =	sld [smem:$0x3F8F]  }
0x30: {  	s3 =	sld [smem:$0x3F92]  }
0x31: {  	[smem:$0x3F9B] =	sst s10  }
0x32: {  	s10 =	sld [smem:$0x3F99];
	_ =	sdelay $0x3  }
0x33: {  	p0 =	seq.s32 s10, $0x1;
	s10 =	sld [smem:$0x3F9B];
	_ =	sdelay $0x3  }
0x34: {  	[smem:$0x3F9B] =	sst s10  }
0x35: {  	s10 =	sld [smem:$0x3F9A];
	_ =	sdelay $0x3  }
0x36: {  	p1 =	seq.s32 s10, $0x1;
	s10 =	sld [smem:$0x3F9B];
	_ =	sdelay $0x3  }
0x37: {  	[smem:$0x3F9B] =	sst s10  }
0x38: {  	s10 =	sld [smem:$0x3F9C]  }
0x39: {  	_ = 	snop;
	(pc) =	sbr.ind lr, $3  }
0x3a: {  	_ = 	snop  }
0x3b: {  	_ = 	snop  }
0x3c: {  	p2 =	seq.s32 s10, $0x1;
	s10 =	sld [smem:$0x3F9B]  }
0x3d: {  	_ =	shalt  }
0x3e: {  	_ =	shalt  }
0x3f: {  	_ =	shalt  }
0x40: {  	_ =	shalt  }
0x41: {  	_ =	shalt  }
0x42: {  	_ =	shalt  }
0x43: {  	_ =	shalt  }
0x44: {  	_ =	shalt  }
0x45: {  	_ =	shalt  }
0x46: {  	_ =	shalt  }
0x47: {  	_ =	shalt  }
0x48: {  	_ =	shalt  }
0x49: {  	_ =	shalt  }
0x4a: {  	_ =	shalt  }
0x4b: {  	_ =	shalt  }
0x4c: {  	_ =	shalt  }
0x4d: {  	_ =	shalt  }
0x4e: {  	_ =	shalt  }
0x4f: {  	_ =	shalt  }
0x50: {  	_ =	shalt  }
0x51: {  	_ =	shalt  }
0x52: {  	_ =	shalt  }
0x53: {  	_ =	shalt  }
0x54: {  	_ =	shalt  }
0x55: {  	_ =	shalt  }
0x56: {  	_ =	shalt  }
0x57: {  	_ =	shalt  }
0x58: {  	_ =	shalt  }
0x59: {  	_ =	shalt  }
0x5a: {  	_ =	shalt  }
0x5b: {  	_ =	shalt  }
0x5c: {  	_ =	shalt  }
0x5d: {  	_ =	shalt  }
0x5e: {  	_ =	shalt  }
0x5f: {  	_ =	shalt  }
0x60: {  	_ =	shalt  }
0x61: {  	_ =	shalt  }
0x62: {  	_ =	shalt  }
0x63: {  	_ =	shalt  }
0x64: {  	_ =	shalt  }
0x65: {  	_ =	shalt  }
0x66: {  	_ =	shalt  }
0x67: {  	_ =	shalt  }
0x68: {  	_ =	shalt  }
0x69: {  	_ =	shalt  }
0x6a: {  	_ =	shalt  }
0x6b: {  	_ =	shalt  }
0x6c: {  	_ =	shalt  }
0x6d: {  	_ =	shalt  }
0x6e: {  	_ =	shalt  }
0x6f: {  	_ =	shalt  }
0x70: {  	_ =	shalt  }
0x71: {  	_ =	shalt  }
0x72: {  	_ =	shalt  }
0x73: {  	_ =	shalt  }
0x74: {  	_ =	shalt  }
0x75: {  	_ =	shalt  }
0x76: {  	_ =	shalt  }
0x77: {  	_ =	shalt  }
0x78: {  	_ =	shalt  }
0x79: {  	_ =	shalt  }
0x7a: {  	_ =	shalt  }
0x7b: {  	_ =	shalt  }
0x7c: {  	_ =	shalt  }
0x7d: {  	_ =	shalt  }
0x7e: {  	_ =	shalt  }
0x7f: {  	_ =	shalt  }
0x80: {  	_ =	shalt  }
0x81: {  	_ =	shalt  }
0x82: {  	_ =	shalt  }
0x83: {  	_ =	shalt  }
0x84: {  	_ =	shalt  }
0x85: {  	_ =	shalt  }
0x86: {  	_ =	shalt  }
0x87: {  	_ =	shalt  }
.Lfunc_end0:
.L_simem_size_0:
called_computation.1_lowered:
.L_overlay_start_0:
0x88: {  	s2 =	sld [smem:$0x3FD9]  }
0x89: {  	s3 =	sld [smem:$0x3FFE];
	_ =	sdelay $0x1  }
0x8a: {  	s1 =	srdreg.scid  }
0x8b: {  	s0 =	sand.u32 $0x1, s1  }
0x8c: {  	s16 =	sshll.u32 s0, $0xA;
	s2 =	sadd.s32 s3, s2  }
0x8d: {  	s2 =	sadd.s32 s2, s16  }
0x8e: {  	[smem:$0x3FA7] =	sst s2  }
0x8f: {  	_ = 	snop  }
0x90: {  	(tm) =	ssettm $0x1  }
0x91: {  	s17 =	sld [smem:$0x3FFB];
	_ =	sdelay $0x3  }
0x92: {  	_ =	strace s17  }
0x93: {  	s2 =	sld [smem:$0x3FFC];
	_ =	sdelay $0x3  }
0x94: {  	_ =	strace s2  }
0x95: {  	s2 =	sld [smem:$0x3FFD];
	_ =	sdelay $0x3  }
0x96: {  	_ =	strace s2  }
0x97: {  	_ =	strace $0x8FFFFFFF  }
0x98: {  	s18 =	sld [smem:$0x3FDB];
	_ =	sdelay $0x1  }
0x99: {  	s19 =	simm.s32 $_scs_section_size  }
0x9a: {  	s4 =	simm.s32 $_size__tile_overlayer_lowered;
	s5 =	simm.s32 $_tile_overlayer_lowered  }
0x9b: {  	s22 =	simm.s32 $0x1BFF;
	s21 =	sshll.u32 s5, $0x1;
	s2 =	sadd.s32 s19, s18  }
0x9c: {  	s6 =	simm.s32 $0x0;
	s20 =	sshll.u32 s4, $0x1;
	s4 =	sadd.s32 s21, s2  }
0x9d: {  	[timem:s6], [sflag:s22] =	dma.local [hbm:s4], s20  }
0x9e: {  	_ =	swait.ge [sflag:s22], s20  }
0x9f: {  	s3 =	ssub.s32 $0x0, s20;
	[sflag:s22] =	ssyncset.done $0x0  }
0xa0: {  	[sflag:s22] =	ssyncadd.s32 s3;
	_ =	sdelay $0x1  }
0xa1: {  	s23 =	simm.s32 $0x1B8B  }
0xa2: {  	_ =	swait.ge [sflag:s23], $0x1  }
0xa3: {  	[sflag:s23] =	ssyncset.done $0x0  }
0xa4: {  	s25 =	simm.s32 $0x1B8E;
	s24 =	sld [smem:$0x3FFE];
	[sflag:s23] =	ssyncadd.s32 $0xFFFFFFFF  }
0xa5: {  	s26 =	simm.s32 $execute0_lowered;
	[smem:$0x3FD2] =	sst s25  }
0xa6: {  	s4 =	sshll.u32 s26, $0x1;
	_ =	strace $0x80000058;
	[dreg:$0x1] =	wrdreg $0xFFFFFFFF  }
0xa7: {  	s28 =	simm.s32 $_size_execute0_lowered;
	s2 =	sadd.s32 s2, s4;
	[dreg:$0x0] =	wrdreg $0x0  }
0xa8: {  	s4 =	sshll.u32 s28, $0x1;
	[dreg:$0x2] =	wrdreg s2  }
0xa9: {  	[dreg:$0x3] =	wrdreg s4  }
0xaa: {  	[dreg:$0x4] =	wrdreg $0xC0  }
0xab: {  	_ =	task [dreg:s6], $0x5FFFF  }
0xac: {  	[dreg:$0x1] =	wrdreg $0xFFFFFFFF  }
0xad: {  	[dreg:$0x0] =	wrdreg $0x60  }
0xae: {  	[dreg:$0x2] =	wrdreg s24  }
0xaf: {  	[dreg:$0x3] =	wrdreg $0x9  }
0xb0: {  	_ =	task.clear_ibuf [dreg:s6], $0x4FFFF;
	_ =	strace $0x90000058  }
0xb1: {  	s29 =	simm.s32 $0x9;
	_ =	strace $0x8000005A  }
0xb2: {  	_ =	swait.ge [sflag:s29], $0x1  }
0xb3: {  	[sflag:s29] =	ssyncadd.s32 $0xFFFFFFFF  }
0xb4: {  	_ =	strace $0x9000005A  }
0xb5: {  	_ =	sfence  }
0xb6: {  	s30 =	sld [smem:$0x0];
	_ =	sdelay $0x2  }
0xb7: {  	s31 =	sshll.u32 s1, $0xD;
	s1 =	sshrl.u32 s1, $0x2  }
0xb8: {  	s3 =	sand.u32 $0x4000, s31;
	s1 =	sadd.s32 s1, s30  }
0xb9: {  	s0 =	sor.u32 s3, s0;
	s1 =	sshll.u32 s1, $0x11  }
0xba: {  	s0 =	sor.u32 s1, s0  }
0xbb: {  	s0 =	sadd.s32 $0x8F2B, s0  }
0xbc: {  	[sflag:s0] =	ssyncadd.remote.s32 $0x1  }
0xbd: {  	_ =	sfence.sel $0xFFFF  }
0xbe: {  	[dreg:$0x0] =	wrdreg $0xFFFFFFFF;
	(pc) =	sbr.abs _section_cstart, $3  }
0xbf: {  	[dreg:$0x1] =	wrdreg $0xFFFFFFFF  }
0xc0: {  	_ =	task.clear_ibuf [dreg:s6], $0x2FFFF;
	_ =	strace $0x9FFFFFFF  }
0xc1: {  	(tm) =	ssettm $0x7FFFFFFF  }
tec
execute0_lowered:
.L_overlay_start_1:
0x0: {  	(tag) =	ssettag $0x1  }
0x1: {  	s8 =	rddreg [dreg:$0x0]  }
0x2: {  	s0 =	rddreg [dreg:$0x1];
	_ =	strace $0x80000059;
	s1 =	stileid.u32  }
0x3: {  	s3 =	srdreg.scid;
	s4 =	simm.s32 $0x1;
	s7 =	simm.s32 $0x1  }
0x4: {  	s9 =	simm.s32 $0x1;
	s10 =	simm.s32 $0x3;
	s13 =	simm.s32 $0x0  }
0x5: {  	s12 =	simm.s32 $0x0;
	s5 =	sand.u32 $0x1, s3;
	s6 =	sshll.u32 s1, $0x1  }
0x6: {  	s2 =	sadd.s32 $0xA10400, s8;
	s3 =	sadd.s32 $0x6E00, s8;
	s5 =	sor.u32 s6, s5  }
.Ltmp0:
0x7: {  	[sflag:s4] =	ssyncpa.u1 $0x0;
	p0 =	slt.u32 s5, $0x9;
	(pc) =	sbr.rel .LBB2_1-.Ltmp0, $4  }
0x8: {  	s6 =	simm.s32 $0x2;
	s7 =	simm.s32 @!p0 $0x0;
	p0 =	sne.s32 s5, $0x8  }
0x9: {  	[sflag:s6] =	ssyncpa.u1 $0x0;
	s5 =	smul.u32 $0x1F40, s5;
	s9 =	simm.s32 @!p0 $0x0  }
0xa: {  	s8 =	sadd.s32 $0x10C00, s8;
	[sflag:s10] =	ssyncpa.u1 $0x0;
	s7 =	sadd.s32 s9, s7  }
0xb: {  	vm0 =	vmmov $0xffff;
	s10 =	simm.s32 $0x0;
	s11 =	smov.u32 s5;
	s9 =	sadd.s32 $0x1, s7  }
.LBB2_4:
0xc: {  	v2 =	vnsel vm1, $0x0, v2  }
0xd: {  	vm1 =	vgt.s32 v0, $0x0;
	v2 =	vmin.u32 v2, $0x4E1FF  }
0xe: {  	v0 =	vnsel vm1, $0x0, v0  }
0xf: {  	v0 =	vmin.u32 v0, $0x4E1FF  }
0x10: {  	[tilespmem:s18], [sflag:$0x1] =	stream.indirect_vreg.gather [hbm4b:s2+s10], $0x1, v1, vm0, $0x4038;
	[tilespmem:$0x7D00] =	vst v63  }
0x11: {  	(ifvalue) =	ssetifvalue $0x7FFFFFFF  }
0x12: {  	[tilespmem:s15], [sflag:$0x1] =	stream.indirect_vreg.gather [hbm4b:s2+s10], $0x1, v2, vm0, $0x4038;
	[tilespmem:$0x7D00] =	vst v63  }
0x13: {  	s29 =	sadd.s32 $0x10, s15;
	(ifvalue) =	ssetifvalue $0x7FFFFFFF  }
0x14: {  	[tilespmem:s29], [sflag:$0x1] =	stream.indirect_vreg.gather [hbm4b:s2+s10], $0x1, v0, vm0, $0x4038;
	[tilespmem:$0x7D00] =	vst v63  }
0x15: {  	_ =	swait.ge [sflag:s4], $0x1F40  }
0x16: {  	s30 =	sshrl.u32 s13, $0x3;
	[sflag:s4] =	ssyncset.done $0x0  }
0x17: {  	s31 =	sand.u32 $0x7, s13;
	s15 =	sadd.s32 s8, s30;
	[sflag:s4] =	ssyncadd.s32 $0xFFFFE0C0  }
0x18: {  	[hbm4b:s15+s31] =	stream.linear.scatter [tilespmem:s14], [sflag:$0x3], $0x1F40, $0x38;
	[tilespmem:$0x7D00] =	vst v63  }
.LBB2_5:
0x19: {  	s15 =	sadd.s32 $0x3E800, s11  }
0x1a: {  	p1 =	sgt.s32 s15, $0x4E1FF  }
0x1b: {  	s15 =	smov.u32 @p1 s5;
	p1 =	sne.s32 s12, s9  }
.Ltmp1:
0x1c: {  	p0 =	slt.u32 s12, $0x2;
	(pc) =	sbr.rel @!p1 .LBB2_6-.Ltmp1, $4  }
0x1d: {  	s14 =	simm.s32 @!p0 $0x3  }
0x1e: {  	_ =	swait.ge @!p0 [sflag:s14], $0x1F40  }
0x1f: {  	s16 =	sadd.s32 $0x1, s12;
	s13 =	smov.u32 s11;
	[sflag:s14] =	ssyncset.done @!p0 $0x0  }
0x20: {  	s12 =	smov.u32 s16;
	s11 =	smov.u32 s15;
	[sflag:s14] =	ssyncadd.s32 @!p0 $0xFFFFE0C0  }
.LBB2_1:
0x21: {  	p0 =	sge.u32 s12, s7  }
0x22: {  	s14 =	sxor.u32 @!p0 $0x1, s12  }
0x23: {  	s14 =	smul.u32 @!p0 $0x7D00, s14  }
0x24: {  	s31 =	sadd.s32 $0xFFFFFFFF, s12;
	s15 =	sshrl.u32 @!p0 s11, $0x3  }
0x25: {  	s16 =	sand.u32 @!p0 $0x7, s11;
	s15 =	sadd.s32 @!p0 s3, s15;
	s14 =	sshra.s32 @!p0 s14, $0x2  }
0x26: {  	[tilespmem:s14], [sflag:$0x2] =	stream.linear.gather @!p0 [hbm4b:s15+s16], $0x1F40, $0x38;
	[tilespmem:$0x7D00] =	vst v63  }
0x27: {  	p0 =	sge.u32 s31, s7  }
.Ltmp2:
0x28: {  	_ = 	snop;
	(pc) =	sbr.rel @p0 .LBB2_5-.Ltmp2, $1  }
0x29: {  	_ =	sdelay $0x3  }
0x2a: {  	s14 =	sand.u32 $0x1, s12  }
0x2b: {  	_ =	swait.ge [sflag:s6], $0x1F40;
	p0 =	seq.s32 s14, $0x1;
	s14 =	simm.s32 $0x1F40  }
0x2c: {  	[sflag:s6] =	ssyncset.done $0x0;
	s14 =	simm.s32 @!p0 $0x0  }
0x2d: {  	[sflag:s6] =	ssyncadd.s32 $0xFFFFE0C0;
	(ifvalue) =	ssetifvalue $0x7FFFFFFF;
	v0 =	vld.msk [tilespmem:s14+$0x0 ss:$0x1], $0xffff;
	_ =	sdelay $0x4  }
0x2e: {  	s15 =	sadd.s32 $0x10, s14;
	vm1 =	vgt.s32 v0, $0x0  }
0x2f: {  	v2 =	vld.msk [tilespmem:s15+$0x0 ss:$0x1], $0xffff;
	v1 =	vnsel vm1, $0x0, v0  }
0x30: {  	v1 =	vmin.u32 v1, $0x4E1FF;
	_ =	sdelay $0x2  }
0x31: {  	s17 =	simm.s32 $0x20;
	s14 =	sadd.s32 $0x3E80, s14;
	s16 =	sadd.s32 $0x10, s15  }
0x32: {  	s15 =	sadd.s32 $0x10, s14;
	s18 =	smov.u32 s14;
	v0 =	vld.msk [tilespmem:s16+$0x0 ss:$0x1], $0xffff;
	vm1 =	vgt.s32 v2, $0x0;
	(ifvalue) =	ssetifvalue $0x7FFFFFFF  }
.LBB2_3:
0x33: {  	[tilespmem:s18], [sflag:$0x1] =	stream.indirect_vreg.gather [hbm4b:s2+s10], $0x1, v1, vm0, $0x4038;
	[tilespmem:$0x7D00] =	vst v63  }
0x34: {  	s17 =	sadd.s32 $0x10, s17  }
0x35: {  	v2 =	vnsel vm1, $0x0, v2;
	p0 =	slt.u32 s17, $0x1F30  }
.Ltmp3:
0x36: {  	s18 =	smov.u32 s15;
	v1 =	vmin.u32 v2, $0x4E1FF;
	(pc) =	sbr.rel @p0 .LBB2_3-.Ltmp3, $3  }
0x37: {  	_ =	sdelay $0x1  }
0x38: {  	s16 =	sadd.s32 $0x10, s16  }
0x39: {  	vm1 =	vgt.s32 v0, $0x0;
	s15 =	sadd.s32 $0x10, s15;
	v2 =	vmov v0;
	(ifvalue) =	ssetifvalue $0x7FFFFFFF;
	v0 =	vld.msk [tilespmem:s16+$0x0 ss:$0x1], $0xffff  }
.Ltmp4:
0x3a: {  	_ = 	snop;
	(pc) =	sbr.rel .LBB2_4-.Ltmp4, $1  }
0x3b: {  	_ =	sdelay $0x3  }
.LBB2_6:
0x3c: {  	_ =	sfence.sel $0x180000  }
0x3d: {  	s2 =	simm.s32 $0x2;
	[bflag:$0x0] =	sbarrier.arrive $0xFFFF  }
0x3e: {  	s30 =	simm.s32 $0x3;
	[sflag:s2] =	ssyncpa.u1 $0x1  }
0x3f: {  	s31 =	simm.s32 $0x1;
	[sflag:s30] =	ssyncpa.u1 $0x1  }
0x40: {  	[sflag:s31] =	ssyncpa.u1 $0x1  }
0x41: {  	p0 =	sne.s32 s1, $0x0;
	_ =	strace $0x90000059  }
0x42: {  	s0 =	sadd.s32 @!p0 $0x100000, s0;
	[bflag:$0x2] =	sbarrier.arrive $0xFFFF  }
0x43: {  	[sflag:s0] =	ssyncadd.tile.s32 @!p0 $0x1;
	_ =	shalt  }
.Lfunc_end2:
_tile_overlayer_lowered:
.L_overlay_start_2:
0x44: {  	(tag) =	ssettag $0x2  }
0x45: {  	s0 =	rddreg [dreg:$0x0];
	s2 =	stileid.u32  }
0x46: {  	s1 =	rddreg [dreg:$0x1];
	p0 =	sne.s32 s2, $0x0  }
0x47: {  	s3 =	rddreg [dreg:$0x2];
	[bflag:$0x3] =	sbarrier.arrive $0xFFFF;
	s2 =	simm.s32 @!p0 $0x1C01  }
0x48: {  	[timem:s3], [sflag:s2] =	dma.local @!p0 [hbm:s0], s1  }
0x49: {  	s0 =	simm.s32 @!p0 $0x1  }
0x4a: {  	_ =	swait.ge @!p0 [sflag:s0], s1  }
0x4b: {  	s1 =	ssub.s32 @!p0 $0x0, s1;
	[sflag:s0] =	ssyncset.done @!p0 $0x0  }
0x4c: {  	[sflag:s0] =	ssyncadd.s32 @!p0 s1  }
0x4d: {  	[bflag:$0x3] =	sbarrier.arrive $0xFFFF  }
0x4e: {  	_ =	shalt  }

// kernel: kernel.10.cloned.1.call-start
scs
__scs_entry_jumppad:
0x0: {  	(pc) =	sbr.rel $0x88, $3  }
0x1: {  	(tag) =	ssettag $0x0;
	lr =	simm.s32 $0x1  }
0x2: {  	[smem:$0x3F80] =	sst lr;
	_ =	strace $0xD0000000  }
0x3: {  	_ = 	snop  }
0x4: {  	_ = 	snop  }
0x5: {  	_ = 	snop  }
0x6: {  	_ = 	snop  }
0x7: {  	_ = 	snop  }
__scs_overlays_trampoline_lowered:
0x8: {  	[smem:$0x3F8F] =	sst s0  }
0x9: {  	[smem:$0x3F90] =	sst s1  }
0xa: {  	[smem:$0x3F91] =	sst s2  }
0xb: {  	[smem:$0x3F92] =	sst s3  }
0xc: {  	[smem:$0x3F93] =	sst s4  }
0xd: {  	[smem:$0x3F94] =	sst s5  }
0xe: {  	[smem:$0x3F95] =	sst s6  }
0xf: {  	[smem:$0x3F96] =	sst s7  }
0x10: {  	[smem:$0x3F97] =	sst s8  }
0x11: {  	[smem:$0x3F98] =	sst s9;
	s0 =	simm.s32 @!p0 $0x0  }
0x12: {  	s1 =	sld [smem:$0x3F7E];
	s0 =	simm.s32 @p0 $0x1  }
0x13: {  	[smem:$0x3F99] =	sst s0;
	s0 =	simm.s32 @!p1 $0x0  }
0x14: {  	s2 =	sld [smem:$0x3F7D];
	s0 =	simm.s32 @p1 $0x1  }
0x15: {  	[smem:$0x3F9A] =	sst s0;
	s0 =	simm.s32 @!p2 $0x0  }
0x16: {  	s3 =	sld [smem:$0x3FDB];
	s0 =	simm.s32 @p2 $0x1  }
0x17: {  	s4 =	simm.s32 $0x1BF5;
	[smem:$0x3F9C] =	sst s0  }
0x18: {  	s0 =	sld [smem:$0x3F7F];
	_ =	swait.ge [sflag:s4], $0x0  }
0x19: {  	s7 =	sld [smem:$0x3F80]  }
0x1a: {  	s8 =	sadd.s32 $0xFFFFE003, lr  }
0x1b: {  	s9 =	sadd.s32 $0xFFFFFEF7, lr;
	s5 =	simm.s32 $0xFFFFFFFF;
	p2 =	slt.u32 s8, $0xFFFFF086  }
0x1c: {  	p1 =	slt.u32 s9, $0xF7A;
	s5 =	simm.s32 @!p2 $0x0  }
0x1d: {  	s5 =	simm.s32 @p1 $0x1;
	p0 =	seq.s32 s7, s2  }
0x1e: {  	s7 =	smul.u32 @!p0 $0xF7A, s2;
	p2 =	seq.s32 @!p0 s5, $0x0  }
0x1f: {  	s9 =	smul.u32 $0xF7A, s1;
	s8 =	simm.s32 @!p0 $0x1BF5;
	p2 =	por !p2, p0  }
0x20: {  	[sflag:s8] =	ssyncset.s32 @!p0 $0xFFFFF086;
	s6 =	sadd.s32 @!p0 s3, s7;
	s7 =	simm.s32 @!p0 $0x108  }
0x21: {  	s3 =	sadd.s32 s3, s9;
	s6 =	sadd.s32 @!p0 $0x88, s6;
	s7 =	simm.s32 @p2 $0x1082  }
0x22: {  	[simem:s7], [sflag:s8] =	dma.local @!p0 [hbm:s6], $0xF7A  }
0x23: {  	s9 =	sor.u32 $0xD0000000, s2;
	s6 =	simm.s32 $0x108;
	_ =	swait.ge @!p0 [sflag:s8], $0x0  }
0x24: {  	s3 =	sadd.s32 $0x88, s3;
	s6 =	simm.s32 @!p1 $0x1082;
	[sflag:s4] =	ssyncset.s32 $0xFFFFF086  }
0x25: {  	[simem:s6], [sflag:s4] =	dma.local [hbm:s3], $0xF7A  }
0x26: {  	[smem:$0x3F80] =	sst s1;
	(tag) =	ssettag s2;
	_ =	strace s9  }
0x27: {  	s1 =	sld [smem:$0x3F90]  }
0x28: {  	s2 =	sld [smem:$0x3F91]  }
0x29: {  	s4 =	sld [smem:$0x3F93]  }
0x2a: {  	p0 =	seq.s32 s5, $0x0;
	s5 =	sld [smem:$0x3F94]  }
0x2b: {  	s6 =	sld [smem:$0x3F95]  }
0x2c: {  	s7 =	sld [smem:$0x3F96]  }
0x2d: {  	s3 =	simm.s32 $0x108;
	s8 =	sld [smem:$0x3F97]  }
0x2e: {  	s3 =	simm.s32 @!p0 $0x1082;
	s9 =	sld [smem:$0x3F98]  }
0x2f: {  	lr =	sadd.s32 s0, s3;
	s0 =	sld [smem:$0x3F8F]  }
0x30: {  	s3 =	sld [smem:$0x3F92]  }
0x31: {  	[smem:$0x3F9B] =	sst s10  }
0x32: {  	s10 =	sld [smem:$0x3F99];
	_ =	sdelay $0x3  }
0x33: {  	p0 =	seq.s32 s10, $0x1;
	s10 =	sld [smem:$0x3F9B];
	_ =	sdelay $0x3  }
0x34: {  	[smem:$0x3F9B] =	sst s10  }
0x35: {  	s10 =	sld [smem:$0x3F9A];
	_ =	sdelay $0x3  }
0x36: {  	p1 =	seq.s32 s10, $0x1;
	s10 =	sld [smem:$0x3F9B];
	_ =	sdelay $0x3  }
0x37: {  	[smem:$0x3F9B] =	sst s10  }
0x38: {  	s10 =	sld [smem:$0x3F9C]  }
0x39: {  	_ = 	snop;
	(pc) =	sbr.ind lr, $3  }
0x3a: {  	_ = 	snop  }
0x3b: {  	_ = 	snop  }
0x3c: {  	p2 =	seq.s32 s10, $0x1;
	s10 =	sld [smem:$0x3F9B]  }
0x3d: {  	_ =	shalt  }
0x3e: {  	_ =	shalt  }
0x3f: {  	_ =	shalt  }
0x40: {  	_ =	shalt  }
0x41: {  	_ =	shalt  }
0x42: {  	_ =	shalt  }
0x43: {  	_ =	shalt  }
0x44: {  	_ =	shalt  }
0x45: {  	_ =	shalt  }
0x46: {  	_ =	shalt  }
0x47: {  	_ =	shalt  }
0x48: {  	_ =	shalt  }
0x49: {  	_ =	shalt  }
0x4a: {  	_ =	shalt  }
0x4b: {  	_ =	shalt  }
0x4c: {  	_ =	shalt  }
0x4d: {  	_ =	shalt  }
0x4e: {  	_ =	shalt  }
0x4f: {  	_ =	shalt  }
0x50: {  	_ =	shalt  }
0x51: {  	_ =	shalt  }
0x52: {  	_ =	shalt  }
0x53: {  	_ =	shalt  }
0x54: {  	_ =	shalt  }
0x55: {  	_ =	shalt  }
0x56: {  	_ =	shalt  }
0x57: {  	_ =	shalt  }
0x58: {  	_ =	shalt  }
0x59: {  	_ =	shalt  }
0x5a: {  	_ =	shalt  }
0x5b: {  	_ =	shalt  }
0x5c: {  	_ =	shalt  }
0x5d: {  	_ =	shalt  }
0x5e: {  	_ =	shalt  }
0x5f: {  	_ =	shalt  }
0x60: {  	_ =	shalt  }
0x61: {  	_ =	shalt  }
0x62: {  	_ =	shalt  }
0x63: {  	_ =	shalt  }
0x64: {  	_ =	shalt  }
0x65: {  	_ =	shalt  }
0x66: {  	_ =	shalt  }
0x67: {  	_ =	shalt  }
0x68: {  	_ =	shalt  }
0x69: {  	_ =	shalt  }
0x6a: {  	_ =	shalt  }
0x6b: {  	_ =	shalt  }
0x6c: {  	_ =	shalt  }
0x6d: {  	_ =	shalt  }
0x6e: {  	_ =	shalt  }
0x6f: {  	_ =	shalt  }
0x70: {  	_ =	shalt  }
0x71: {  	_ =	shalt  }
0x72: {  	_ =	shalt  }
0x73: {  	_ =	shalt  }
0x74: {  	_ =	shalt  }
0x75: {  	_ =	shalt  }
0x76: {  	_ =	shalt  }
0x77: {  	_ =	shalt  }
0x78: {  	_ =	shalt  }
0x79: {  	_ =	shalt  }
0x7a: {  	_ =	shalt  }
0x7b: {  	_ =	shalt  }
0x7c: {  	_ =	shalt  }
0x7d: {  	_ =	shalt  }
0x7e: {  	_ =	shalt  }
0x7f: {  	_ =	shalt  }
0x80: {  	_ =	shalt  }
0x81: {  	_ =	shalt  }
0x82: {  	_ =	shalt  }
0x83: {  	_ =	shalt  }
0x84: {  	_ =	shalt  }
0x85: {  	_ =	shalt  }
0x86: {  	_ =	shalt  }
0x87: {  	_ =	shalt  }
.Lfunc_end0:
.L_simem_size_0:
called_computation.6_lowered:
.L_overlay_start_0:
0x88: {  	s2 =	sld [smem:$0x3FD9]  }
0x89: {  	s3 =	sld [smem:$0x3FFE];
	_ =	sdelay $0x1  }
0x8a: {  	s1 =	srdreg.scid  }
0x8b: {  	s0 =	sand.u32 $0x1, s1  }
0x8c: {  	s16 =	sshll.u32 s0, $0xA;
	s2 =	sadd.s32 s3, s2  }
0x8d: {  	s2 =	sadd.s32 s2, s16  }
0x8e: {  	[smem:$0x3FA7] =	sst s2  }
0x8f: {  	_ = 	snop  }
0x90: {  	(tm) =	ssettm $0x1  }
0x91: {  	s17 =	sld [smem:$0x3FFB];
	_ =	sdelay $0x3  }
0x92: {  	_ =	strace s17  }
0x93: {  	s2 =	sld [smem:$0x3FFC];
	_ =	sdelay $0x3  }
0x94: {  	_ =	strace s2  }
0x95: {  	s2 =	sld [smem:$0x3FFD];
	_ =	sdelay $0x3  }
0x96: {  	_ =	strace s2  }
0x97: {  	_ =	strace $0x8FFFFFFF  }
0x98: {  	s18 =	sld [smem:$0x3FDB];
	_ =	sdelay $0x1  }
0x99: {  	s19 =	simm.s32 $_scs_section_size  }
0x9a: {  	s4 =	simm.s32 $_size__tile_overlayer_lowered;
	s5 =	simm.s32 $_tile_overlayer_lowered  }
0x9b: {  	s22 =	simm.s32 $0x1BFF;
	s21 =	sshll.u32 s5, $0x1;
	s2 =	sadd.s32 s19, s18  }
0x9c: {  	s6 =	simm.s32 $0x0;
	s20 =	sshll.u32 s4, $0x1;
	s4 =	sadd.s32 s21, s2  }
0x9d: {  	[timem:s6], [sflag:s22] =	dma.local [hbm:s4], s20  }
0x9e: {  	_ =	swait.ge [sflag:s22], s20  }
0x9f: {  	s3 =	ssub.s32 $0x0, s20;
	[sflag:s22] =	ssyncset.done $0x0  }
0xa0: {  	[sflag:s22] =	ssyncadd.s32 s3;
	_ =	sdelay $0x1  }
0xa1: {  	s23 =	simm.s32 $0x1B8B  }
0xa2: {  	_ =	swait.ge [sflag:s23], $0x1  }
0xa3: {  	[sflag:s23] =	ssyncset.done $0x0  }
0xa4: {  	s25 =	simm.s32 $0x1B8E;
	s24 =	sld [smem:$0x3FFE];
	[sflag:s23] =	ssyncadd.s32 $0xFFFFFFFF  }
0xa5: {  	s26 =	simm.s32 $execute0_lowered;
	[smem:$0x3FD2] =	sst s25  }
0xa6: {  	s4 =	sshll.u32 s26, $0x1;
	_ =	strace $0x80000052;
	[dreg:$0x1] =	wrdreg $0xFFFFFFFF  }
0xa7: {  	s28 =	simm.s32 $_size_execute0_lowered;
	s2 =	sadd.s32 s2, s4;
	[dreg:$0x0] =	wrdreg $0x0  }
0xa8: {  	s4 =	sshll.u32 s28, $0x1;
	[dreg:$0x2] =	wrdreg s2  }
0xa9: {  	[dreg:$0x3] =	wrdreg s4  }
0xaa: {  	[dreg:$0x4] =	wrdreg $0xC0  }
0xab: {  	_ =	task [dreg:s6], $0x5FFFF  }
0xac: {  	[dreg:$0x1] =	wrdreg $0xFFFFFFFF  }
0xad: {  	[dreg:$0x0] =	wrdreg $0x60  }
0xae: {  	[dreg:$0x2] =	wrdreg s24  }
0xaf: {  	[dreg:$0x3] =	wrdreg $0x49000  }
0xb0: {  	[dreg:$0x4] =	wrdreg $0xE9000  }
0xb1: {  	[dreg:$0x5] =	wrdreg $0xA  }
0xb2: {  	_ =	task.clear_ibuf [dreg:s6], $0x6FFFF;
	_ =	strace $0x90000052  }
0xb3: {  	s29 =	simm.s32 $0xA;
	_ =	strace $0x80000054  }
0xb4: {  	_ =	swait.ge [sflag:s29], $0x1  }
0xb5: {  	[sflag:s29] =	ssyncadd.s32 $0xFFFFFFFF  }
0xb6: {  	_ =	strace $0x90000054  }
0xb7: {  	_ =	sfence  }
0xb8: {  	s30 =	sld [smem:$0x0];
	_ =	sdelay $0x2  }
0xb9: {  	s31 =	sshll.u32 s1, $0xD;
	s1 =	sshrl.u32 s1, $0x2  }
0xba: {  	s3 =	sand.u32 $0x4000, s31;
	s1 =	sadd.s32 s1, s30  }
0xbb: {  	s0 =	sor.u32 s3, s0;
	s1 =	sshll.u32 s1, $0x11  }
0xbc: {  	s0 =	sor.u32 s1, s0  }
0xbd: {  	s0 =	sadd.s32 $0x8F2B, s0  }
0xbe: {  	[sflag:s0] =	ssyncadd.remote.s32 $0x1  }
0xbf: {  	_ =	sfence.sel $0xFFFF  }
0xc0: {  	[dreg:$0x0] =	wrdreg $0xFFFFFFFF;
	(pc) =	sbr.abs _section_cstart, $3  }
0xc1: {  	[dreg:$0x1] =	wrdreg $0xFFFFFFFF  }
0xc2: {  	_ =	task.clear_ibuf [dreg:s6], $0x2FFFF;
	_ =	strace $0x9FFFFFFF  }
0xc3: {  	(tm) =	ssettm $0x7FFFFFFF  }
tec
execute0_lowered:
.L_overlay_start_1:
0x0: {  	(tag) =	ssettag $0x1  }
0x1: {  	s5 =	rddreg [dreg:$0x0]  }
0x2: {  	s1 =	rddreg [dreg:$0x1]  }
0x3: {  	s2 =	rddreg [dreg:$0x2];
	s3 =	simm.s32 $0x0  }
0x4: {  	s6 =	srdreg.scid;
	s22 =	simm.s32 $0x2;
	s23 =	simm.s32 $0x1  }
0x5: {  	s25 =	simm.s32 $0x100;
	s26 =	simm.s32 $0x0;
	[smem:$0x7FF] =	sst s3  }
0x6: {  	s4 =	sadd.s32 $0x2E600, s5;
	s8 =	sand.u32 $0x1, s6;
	s6 =	sadd.s32 $0x1AA00, s5  }
0x7: {  	s7 =	sadd.s32 $0x24800, s5;
	s18 =	sadd.s32 $0xCAA00, s5;
	s5 =	stileid.u32  }
0x8: {  	_ =	strace $0x80000053;
	s9 =	ssub.s32 $0x2, s8;
	s24 =	smul.u32 $0x1388, s8  }
0x9: {  	s15 =	sshll.u32 s5, $0xE;
	s16 =	smul.u32 $0xA0000, s8;
	s21 =	sor.u32 $0x20, s5  }
0xa: {  	s10 =	sshrl.u32 s9, $0x1;
	s17 =	sor.u32 $0x40000, s15;
	s19 =	sshll.u32 s21, $0xE  }
0xb: {  	p0 =	sgt.u32 s21, $0x27;
	s21 =	simm.s32 $0x900;
	s9 =	ssub.s32 s9, s10  }
0xc: {  	s10 =	sadd.s32 s15, s2;
	s11 =	sadd.s32 s17, s1;
	s12 =	sadd.s32 s17, s2  }
0xd: {  	s13 =	sadd.s32 s19, s1;
	s14 =	sadd.s32 s19, s2;
	s17 =	sadd.s32 s16, s17  }
.Ltmp0:
0xe: {  	v1 =	vmov s24;
	s24 =	simm.s32 $0x80;
	s8 =	smax.u32 s9, $0x1;
	(pc) =	sbr.rel .LBB2_1-.Ltmp0, $4  }
0xf: {  	s9 =	sadd.s32 s15, s1;
	s15 =	sadd.s32 s16, s15;
	s16 =	sadd.s32 s16, s19  }
0x10: {  	s17 =	sshrl.u32 s17, $0x3;
	s15 =	sshrl.u32 s15, $0x3;
	s19 =	sshrl.u32 s16, $0x3  }
0x11: {  	v0 =	vimm.f32 $0.0e+00;
	vm0 =	vcmask $0x300;
	s17 =	sadd.s32 s18, s17;
	s15 =	sadd.s32 s18, s15;
	s18 =	sadd.s32 s18, s19  }
0x12: {  	v2 =	vsel vm0, $0x3F800000, v0;
	s19 =	sadd.s32 $0x28000, s17;
	s16 =	sadd.s32 $0x28000, s15;
	s20 =	sadd.s32 $0x28000, s18  }
.LBB2_11:
0x13: {  	s0 =	sshll.u32 s5, $0x6  }
0x14: {  	[bflag:$0x0] =	sbarrier.arrive $0xFFFF;
	s29 =	sshrl.u32 s9, $0x3;
	s28 =	sor.u32 $0x1C02, s0  }
0x15: {  	[hbm:s15], [sflag:s28] =	dma.local [spmem:s29], $0x800  }
0x16: {  	_ =	swait.ge [sflag:s22], $0x800  }
0x17: {  	[sflag:s22] =	ssyncset.done $0x0  }
0x18: {  	s31 =	sshrl.u32 s10, $0x3;
	s0 =	sor.u32 $0x1C01, s0;
	[sflag:s22] =	ssyncadd.s32 $0xFFFFF800  }
0x19: {  	[hbm:s16], [sflag:s0] =	dma.local [spmem:s31], $0x800  }
0x1a: {  	_ =	swait.ge [sflag:s23], $0x800  }
0x1b: {  	[sflag:s23] =	ssyncset.done $0x0  }
0x1c: {  	s30 =	sshrl.u32 s11, $0x3;
	[sflag:s23] =	ssyncadd.s32 $0xFFFFF800  }
0x1d: {  	[hbm:s17], [sflag:s28] =	dma.local [spmem:s30], $0x800  }
0x1e: {  	_ =	swait.ge [sflag:s22], $0x800  }
0x1f: {  	[sflag:s22] =	ssyncset.done $0x0  }
0x20: {  	s31 =	sshrl.u32 s12, $0x3;
	[sflag:s22] =	ssyncadd.s32 $0xFFFFF800  }
0x21: {  	[hbm:s19], [sflag:s0] =	dma.local [spmem:s31], $0x800  }
0x22: {  	_ =	swait.ge [sflag:s23], $0x800  }
0x23: {  	[sflag:s23] =	ssyncset.done $0x0  }
0x24: {  	s29 =	sshrl.u32 @!p0 s13, $0x3;
	[sflag:s23] =	ssyncadd.s32 $0xFFFFF800  }
0x25: {  	[hbm:s18], [sflag:s28] =	dma.local @!p0 [spmem:s29], $0x800  }
0x26: {  	s28 =	simm.s32 @!p0 $0x2  }
0x27: {  	_ =	swait.ge @!p0 [sflag:s28], $0x800  }
0x28: {  	s26 =	sadd.s32 $0x1, s26;
	[sflag:s28] =	ssyncset.done @!p0 $0x0  }
0x29: {  	p1 =	sne.s32 s26, s8;
	[sflag:s28] =	ssyncadd.s32 @!p0 $0xFFFFF800;
	s28 =	sshrl.u32 @!p0 s14, $0x3  }
0x2a: {  	[hbm:s20], [sflag:s0] =	dma.local @!p0 [spmem:s28], $0x800  }
.Ltmp1:
0x2b: {  	_ = 	snop;
	(pc) =	sbr.rel @!p1 .LBB2_12-.Ltmp1, $4  }
0x2c: {  	s0 =	simm.s32 @!p0 $0x1  }
0x2d: {  	_ =	swait.ge @!p0 [sflag:s0], $0x800  }
0x2e: {  	[sflag:s0] =	ssyncset.done @!p0 $0x0  }
0x2f: {  	[sflag:s0] =	ssyncadd.s32 @!p0 $0xFFFFF800  }
.LBB2_1:
0x30: {  	s28 =	simm.s32 $0x0;
	s29 =	simm.s32 $0x200  }
.LBB2_2:
0x31: {  	p1 =	sne.s32 s29, $0xFE00;
	[tilespmem:s28+$0x970] =	vst v0  }
0x32: {  	[tilespmem:s28+$0x900] =	vst v0  }
0x33: {  	[tilespmem:s28+$0x910] =	vst v0  }
.Ltmp2:
0x34: {  	[tilespmem:s28+$0x920] =	vst v0;
	(pc) =	sbr.rel @p1 .LBB2_2-.Ltmp2, $4  }
0x35: {  	[tilespmem:s28+$0x930] =	vst v0  }
0x36: {  	[tilespmem:s28+$0x940] =	vst v0  }
0x37: {  	[tilespmem:s28+$0x950] =	vst v0  }
0x38: {  	[tilespmem:s28+$0x960] =	vst v0;
	s28 =	sshra.s32 s29, $0x2;
	s29 =	sadd.s32 $0x200, s29  }
0x39: {  	[tilespmem:s28+$0x970] =	vst v0  }
0x3a: {  	[tilespmem:s28+$0x900] =	vst v0  }
0x3b: {  	[tilespmem:s28+$0x910] =	vst v0  }
0x3c: {  	[tilespmem:s28+$0x920] =	vst v0  }
0x3d: {  	[tilespmem:s28+$0x930] =	vst v0  }
0x3e: {  	[tilespmem:s28+$0x940] =	vst v0  }
0x3f: {  	[tilespmem:s28+$0x950] =	vst v0  }
0x40: {  	[tilespmem:s28+$0x960] =	vst v0  }
0x41: {  	[spmem:s9] =	stream.linear.scatter [tilespmem:s21], [sflag:$0x2], $0x4000, $0x38;
	[tilespmem:$0x18900] =	vst v63  }
0x42: {  	_ =	swait.ge [sflag:s22], $0x4000  }
0x43: {  	[sflag:s22] =	ssyncset.done $0x0  }
0x44: {  	[sflag:s22] =	ssyncadd.s32 $0xFFFFC000  }
0x45: {  	[spmem:s10] =	stream.linear.scatter [tilespmem:s21], [sflag:$0x1], $0x4000, $0x38;
	[tilespmem:$0x18900] =	vst v63  }
0x46: {  	_ =	swait.ge [sflag:s23], $0x4000  }
0x47: {  	[sflag:s23] =	ssyncset.done $0x0  }
0x48: {  	[sflag:s23] =	ssyncadd.s32 $0xFFFFC000  }
0x49: {  	[spmem:s11] =	stream.linear.scatter [tilespmem:s21], [sflag:$0x2], $0x4000, $0x38;
	[tilespmem:$0x18900] =	vst v63  }
0x4a: {  	_ =	swait.ge [sflag:s22], $0x4000  }
0x4b: {  	[sflag:s22] =	ssyncset.done $0x0  }
0x4c: {  	[sflag:s22] =	ssyncadd.s32 $0xFFFFC000  }
0x4d: {  	[spmem:s12] =	stream.linear.scatter [tilespmem:s21], [sflag:$0x1], $0x4000, $0x38;
	[tilespmem:$0x18900] =	vst v63  }
0x4e: {  	_ =	swait.ge [sflag:s23], $0x4000  }
0x4f: {  	[sflag:s23] =	ssyncset.done $0x0  }
0x50: {  	s28 =	simm.s32 @!p0 $0x900;
	s29 =	simm.s32 @!p0 $0x2;
	[sflag:s23] =	ssyncadd.s32 $0xFFFFC000  }
0x51: {  	[spmem:s13] =	stream.linear.scatter @!p0 [tilespmem:s28], [sflag:$0x2], $0x4000, $0x38;
	[tilespmem:$0x18900] =	vst v63  }
0x52: {  	_ =	swait.ge @!p0 [sflag:s29], $0x4000  }
0x53: {  	[sflag:s29] =	ssyncset.done @!p0 $0x0  }
0x54: {  	[sflag:s29] =	ssyncadd.s32 @!p0 $0xFFFFC000  }
0x55: {  	[spmem:s14] =	stream.linear.scatter @!p0 [tilespmem:s28], [sflag:$0x1], $0x4000, $0x38;
	[tilespmem:$0x18900] =	vst v63  }
0x56: {  	s28 =	simm.s32 @!p0 $0x1  }
0x57: {  	_ =	swait.ge @!p0 [sflag:s28], $0x4000  }
0x58: {  	[sflag:s28] =	ssyncset.done @!p0 $0x0  }
0x59: {  	s29 =	simm.s32 $0x0;
	[sflag:s28] =	ssyncadd.s32 @!p0 $0xFFFFC000;
	s28 =	simm.s32 $0x200  }
.LBB2_4:
0x5a: {  	p1 =	sne.s32 s28, $0xFE00;
	[tilespmem:s29+$0x910] =	vst v2;
	s29 =	smov.u32 s28;
	s28 =	sadd.s32 $0x200, s28  }
.Ltmp3:
0x5b: {  	(pc) =	sbr.rel @p1 .LBB2_4-.Ltmp3, $2  }
0x5c: {  	_ =	sdelay $0x2  }
0x5d: {  	s29 =	sshra.s32 s29, $0x2  }
.Ltmp4:
0x5e: {  	(pc) =	sbr.rel .LBB2_6-.Ltmp4, $4  }
0x5f: {  	_ = 	snop  }
0x60: {  	[tilespmem:s29+$0x910] =	vst v2  }
0x61: {  	[bflag:$0x0] =	sbarrier.arrive $0xFFFF  }
0x62: {  	s28 =	simm.s32 $0x0  }
.LBB2_10:
0x63: {  	s28 =	sadd.s32 $0x1, s28  }
0x64: {  	p1 =	sne.s32 s28, $0x9D  }
.Ltmp5:
0x65: {  	_ = 	snop;
	(pc) =	sbr.rel @!p1 .LBB2_11-.Ltmp5, $1  }
0x66: {  	_ =	sdelay $0x3  }
.LBB2_6:
0x67: {  	s29 =	sshll.u32 s28, $0x4  }
0x68: {  	s29 =	sor.u32 s5, s29  }
0x69: {  	p1 =	sgt.u32 s29, $0x9C3  }
.Ltmp6:
0x6a: {  	_ = 	snop;
	(pc) =	sbr.rel @p1 .LBB2_10-.Ltmp6, $1  }
0x6b: {  	_ =	sdelay $0x3  }
0x6c: {  	s30 =	sshll.u32 s29, $0x4  }
0x6d: {  	s0 =	simm.s32 $0x0;
	s31 =	sadd.s32 s6, s30  }
0x6e: {  	[tilespmem:s0], [sflag:$0x2] =	stream.linear.gather [hbm4b:s31+s0], $0x80, $0x38;
	[tilespmem:$0x18900] =	vst v63  }
0x6f: {  	_ =	swait.ge [sflag:s22], $0x80  }
0x70: {  	[sflag:s22] =	ssyncset.done $0x0  }
0x71: {  	s30 =	sadd.s32 s7, s30;
	[sflag:s22] =	ssyncadd.s32 $0xFFFFFF80  }
0x72: {  	[tilespmem:s24], [sflag:$0x2] =	stream.linear.gather [hbm4b:s30+s0], $0x80, $0x38;
	[tilespmem:$0x18900] =	vst v63  }
0x73: {  	_ =	swait.ge [sflag:s22], $0x80  }
0x74: {  	s29 =	sshll.u32 s29, $0x8;
	[sflag:s22] =	ssyncset.done $0x0  }
0x75: {  	s29 =	sadd.s32 s4, s29;
	[sflag:s22] =	ssyncadd.s32 $0xFFFFFF80  }
0x76: {  	[tilespmem:s25], [sflag:$0x2] =	stream.linear.gather [hbm4b:s29+s0], $0x800, $0x38;
	[tilespmem:$0x18900] =	vst v63  }
0x77: {  	_ =	swait.ge [sflag:s22], $0x800  }
0x78: {  	[sflag:s22] =	ssyncset.done $0x0  }
0x79: {  	s31 =	simm.s32 $0x0;
	[sflag:s22] =	ssyncadd.s32 $0xFFFFF800  }
0x7a: {  	v3 =	vld [tilespmem:s31+$0x100];
	_ =	sdelay $0x3  }
0x7b: {  	s30 =	simm.s32 $0x40;
	s29 =	simm.s32 $0x900  }
.LBB2_8:
0x7c: {  	s0 =	sshra.s32 s30, $0x2;
	p1 =	sne.s32 s30, $0x1FC0;
	s30 =	sadd.s32 $0x40, s30;
	[tilespmem:s29+$0x0] =	vst v3  }
.Ltmp7:
0x7d: {  	v3 =	vld [tilespmem:s0+$0x100];
	(pc) =	sbr.rel @p1 .LBB2_8-.Ltmp7, $2  }
0x7e: {  	_ =	sdelay $0x2  }
0x7f: {  	s29 =	sadd.s32 $0x80, s29  }
0x80: {  	[tilespmem:s29+$0x0] =	vst v3  }
0x81: {  	v3 =	vld [tilespmem:$0x0]  }
0x82: {  	v4 =	vld [tilespmem:$0x80]  }
0x83: {  	v5 =	vld [tilespmem:$0x10]  }
0x84: {  	v6 =	vld [tilespmem:$0x90]  }
0x85: {  	v7 =	vld [tilespmem:$0x20]  }
0x86: {  	v8 =	vld [tilespmem:$0xA0];
	v3 =	vsub.s32 v3, v1  }
0x87: {  	v9 =	vld [tilespmem:$0x30];
	v4 =	vsub.s32 v4, v1;
	v3 =	vmin.u32 v3, $0x1388  }
0x88: {  	v42 =	vld [tilespmem:$0xB0];
	v41 =	vsub.s32 v5, v1;
	[tilespmem:$0x0] =	vst v3;
	v3 =	vmin.u32 v4, $0x1388  }
0x89: {  	v44 =	vld [tilespmem:$0x40];
	v43 =	vsub.s32 v6, v1;
	[tilespmem:$0x80] =	vst v3;
	v3 =	vmin.u32 v41, $0x1388  }
0x8a: {  	v46 =	vld [tilespmem:$0xC0];
	v45 =	vsub.s32 v7, v1;
	[tilespmem:$0x10] =	vst v3;
	v3 =	vmin.u32 v43, $0x1388  }
0x8b: {  	v48 =	vld [tilespmem:$0x50];
	v47 =	vsub.s32 v8, v1;
	[tilespmem:$0x90] =	vst v3;
	v3 =	vmin.u32 v45, $0x1388  }
0x8c: {  	v50 =	vld [tilespmem:$0xD0];
	v49 =	vsub.s32 v9, v1;
	[tilespmem:$0x20] =	vst v3;
	v3 =	vmin.u32 v47, $0x1388  }
0x8d: {  	v52 =	vld [tilespmem:$0x60];
	v51 =	vsub.s32 v42, v1;
	[tilespmem:$0xA0] =	vst v3;
	v3 =	vmin.u32 v49, $0x1388  }
0x8e: {  	v54 =	vld [tilespmem:$0xE0];
	v53 =	vsub.s32 v44, v1;
	[tilespmem:$0x30] =	vst v3;
	v3 =	vmin.u32 v51, $0x1388  }
0x8f: {  	v56 =	vld [tilespmem:$0x70];
	v55 =	vsub.s32 v46, v1;
	[tilespmem:$0xB0] =	vst v3;
	v3 =	vmin.u32 v53, $0x1388  }
0x90: {  	v58 =	vld [tilespmem:$0xF0];
	v57 =	vsub.s32 v48, v1;
	[tilespmem:$0x40] =	vst v3;
	v3 =	vmin.u32 v55, $0x1388  }
0x91: {  	v59 =	vsub.s32 v50, v1;
	[tilespmem:$0xC0] =	vst v3;
	v3 =	vmin.u32 v57, $0x1388  }
0x92: {  	v60 =	vsub.s32 v52, v1;
	[tilespmem:$0x50] =	vst v3;
	v3 =	vmin.u32 v59, $0x1388  }
0x93: {  	v61 =	vsub.s32 v54, v1;
	[tilespmem:$0xD0] =	vst v3;
	v3 =	vmin.u32 v60, $0x1388  }
0x94: {  	v62 =	vsub.s32 v56, v1;
	[tilespmem:$0x60] =	vst v3;
	v3 =	vmin.u32 v61, $0x1388  }
0x95: {  	v63 =	vsub.s32 v58, v1;
	[tilespmem:$0xE0] =	vst v3;
	v3 =	vmin.u32 v62, $0x1388  }
0x96: {  	[tilespmem:$0x70] =	vst v3;
	v3 =	vmin.u32 v63, $0x1388  }
0x97: {  	[tilespmem:$0xF0] =	vst v3  }
0x98: {  	[spmem:s1] =	stream.indirect.scatter.add.f32 [tilespmem:s21], [sflag:$0x2], $0x80, s3, s24, $0xb8;
	[tilespmem:$0x18900] =	vst v63  }
0x99: {  	_ =	swait.ge [sflag:s22], $0x4000  }
0x9a: {  	[sflag:s22] =	ssyncset.done $0x0  }
.Ltmp8:
0x9b: {  	[sflag:s22] =	ssyncadd.s32 $0xFFFFC000;
	(pc) =	sbr.rel .LBB2_10-.Ltmp8, $4  }
0x9c: {  	[spmem:s2] =	stream.indirect.scatter.add.f32 [tilespmem:s21], [sflag:$0x1], $0x80, s24, s24, $0xb8;
	[tilespmem:$0x18900] =	vst v63  }
0x9d: {  	_ =	swait.ge [sflag:s23], $0x4000  }
0x9e: {  	[sflag:s23] =	ssyncset.done $0x0  }
0x9f: {  	[sflag:s23] =	ssyncadd.s32 $0xFFFFC000  }
.LBB2_12:
0xa0: {  	_ =	sfence.sel $0x180000  }
0xa1: {  	[bflag:$0x0] =	sbarrier.arrive $0xFFFF  }
0xa2: {  	_ =	strace $0x90000053  }
0xa3: {  	[bflag:$0x2] =	sbarrier.arrive $0xFFFF  }
0xa4: {  	p0 =	sne.s32 s5, $0x0;
	s0 =	rddreg [dreg:$0x3]  }
0xa5: {  	s0 =	sadd.s32 @!p0 $0x100000, s0  }
0xa6: {  	[sflag:s0] =	ssyncadd.tile.s32 @!p0 $0x1;
	_ =	shalt  }
.Lfunc_end2:
_tile_overlayer_lowered:
.L_overlay_start_2:
0xa7: {  	(tag) =	ssettag $0x2  }
0xa8: {  	s0 =	rddreg [dreg:$0x0];
	s2 =	stileid.u32  }
0xa9: {  	s1 =	rddreg [dreg:$0x1];
	p0 =	sne.s32 s2, $0x0  }
0xaa: {  	s3 =	rddreg [dreg:$0x2];
	[bflag:$0x3] =	sbarrier.arrive $0xFFFF;
	s2 =	simm.s32 @!p0 $0x1C01  }
0xab: {  	[timem:s3], [sflag:s2] =	dma.local @!p0 [hbm:s0], s1  }
0xac: {  	s0 =	simm.s32 @!p0 $0x1  }
0xad: {  	_ =	swait.ge @!p0 [sflag:s0], s1  }
0xae: {  	s1 =	ssub.s32 @!p0 $0x0, s1;
	[sflag:s0] =	ssyncset.done @!p0 $0x0  }
0xaf: {  	[sflag:s0] =	ssyncadd.s32 @!p0 s1  }
0xb0: {  	[bflag:$0x3] =	sbarrier.arrive $0xFFFF  }
0xb1: {  	_ =	shalt  }

// kernel: kernel.7.cloned.1.call-start
scs
__scs_entry_jumppad:
0x0: {  	(pc) =	sbr.rel $0x88, $3  }
0x1: {  	(tag) =	ssettag $0x0;
	lr =	simm.s32 $0x1  }
0x2: {  	[smem:$0x3F80] =	sst lr;
	_ =	strace $0xD0000000  }
0x3: {  	_ = 	snop  }
0x4: {  	_ = 	snop  }
0x5: {  	_ = 	snop  }
0x6: {  	_ = 	snop  }
0x7: {  	_ = 	snop  }
__scs_overlays_trampoline_lowered:
0x8: {  	[smem:$0x3F8F] =	sst s0  }
0x9: {  	[smem:$0x3F90] =	sst s1  }
0xa: {  	[smem:$0x3F91] =	sst s2  }
0xb: {  	[smem:$0x3F92] =	sst s3  }
0xc: {  	[smem:$0x3F93] =	sst s4  }
0xd: {  	[smem:$0x3F94] =	sst s5  }
0xe: {  	[smem:$0x3F95] =	sst s6  }
0xf: {  	[smem:$0x3F96] =	sst s7  }
0x10: {  	[smem:$0x3F97] =	sst s8  }
0x11: {  	[smem:$0x3F98] =	sst s9;
	s0 =	simm.s32 @!p0 $0x0  }
0x12: {  	s1 =	sld [smem:$0x3F7E];
	s0 =	simm.s32 @p0 $0x1  }
0x13: {  	[smem:$0x3F99] =	sst s0;
	s0 =	simm.s32 @!p1 $0x0  }
0x14: {  	s2 =	sld [smem:$0x3F7D];
	s0 =	simm.s32 @p1 $0x1  }
0x15: {  	[smem:$0x3F9A] =	sst s0;
	s0 =	simm.s32 @!p2 $0x0  }
0x16: {  	s3 =	sld [smem:$0x3FDB];
	s0 =	simm.s32 @p2 $0x1  }
0x17: {  	s4 =	simm.s32 $0x1BF5;
	[smem:$0x3F9C] =	sst s0  }
0x18: {  	s0 =	sld [smem:$0x3F7F];
	_ =	swait.ge [sflag:s4], $0x0  }
0x19: {  	s7 =	sld [smem:$0x3F80]  }
0x1a: {  	s8 =	sadd.s32 $0xFFFFE003, lr  }
0x1b: {  	s9 =	sadd.s32 $0xFFFFFEF7, lr;
	s5 =	simm.s32 $0xFFFFFFFF;
	p2 =	slt.u32 s8, $0xFFFFF086  }
0x1c: {  	p1 =	slt.u32 s9, $0xF7A;
	s5 =	simm.s32 @!p2 $0x0  }
0x1d: {  	s5 =	simm.s32 @p1 $0x1;
	p0 =	seq.s32 s7, s2  }
0x1e: {  	s7 =	smul.u32 @!p0 $0xF7A, s2;
	p2 =	seq.s32 @!p0 s5, $0x0  }
0x1f: {  	s9 =	smul.u32 $0xF7A, s1;
	s8 =	simm.s32 @!p0 $0x1BF5;
	p2 =	por !p2, p0  }
0x20: {  	[sflag:s8] =	ssyncset.s32 @!p0 $0xFFFFF086;
	s6 =	sadd.s32 @!p0 s3, s7;
	s7 =	simm.s32 @!p0 $0x108  }
0x21: {  	s3 =	sadd.s32 s3, s9;
	s6 =	sadd.s32 @!p0 $0x88, s6;
	s7 =	simm.s32 @p2 $0x1082  }
0x22: {  	[simem:s7], [sflag:s8] =	dma.local @!p0 [hbm:s6], $0xF7A  }
0x23: {  	s9 =	sor.u32 $0xD0000000, s2;
	s6 =	simm.s32 $0x108;
	_ =	swait.ge @!p0 [sflag:s8], $0x0  }
0x24: {  	s3 =	sadd.s32 $0x88, s3;
	s6 =	simm.s32 @!p1 $0x1082;
	[sflag:s4] =	ssyncset.s32 $0xFFFFF086  }
0x25: {  	[simem:s6], [sflag:s4] =	dma.local [hbm:s3], $0xF7A  }
0x26: {  	[smem:$0x3F80] =	sst s1;
	(tag) =	ssettag s2;
	_ =	strace s9  }
0x27: {  	s1 =	sld [smem:$0x3F90]  }
0x28: {  	s2 =	sld [smem:$0x3F91]  }
0x29: {  	s4 =	sld [smem:$0x3F93]  }
0x2a: {  	p0 =	seq.s32 s5, $0x0;
	s5 =	sld [smem:$0x3F94]  }
0x2b: {  	s6 =	sld [smem:$0x3F95]  }
0x2c: {  	s7 =	sld [smem:$0x3F96]  }
0x2d: {  	s3 =	simm.s32 $0x108;
	s8 =	sld [smem:$0x3F97]  }
0x2e: {  	s3 =	simm.s32 @!p0 $0x1082;
	s9 =	sld [smem:$0x3F98]  }
0x2f: {  	lr =	sadd.s32 s0, s3;
	s0 =	sld [smem:$0x3F8F]  }
0x30: {  	s3 =	sld [smem:$0x3F92]  }
0x31: {  	[smem:$0x3F9B] =	sst s10  }
0x32: {  	s10 =	sld [smem:$0x3F99];
	_ =	sdelay $0x3  }
0x33: {  	p0 =	seq.s32 s10, $0x1;
	s10 =	sld [smem:$0x3F9B];
	_ =	sdelay $0x3  }
0x34: {  	[smem:$0x3F9B] =	sst s10  }
0x35: {  	s10 =	sld [smem:$0x3F9A];
	_ =	sdelay $0x3  }
0x36: {  	p1 =	seq.s32 s10, $0x1;
	s10 =	sld [smem:$0x3F9B];
	_ =	sdelay $0x3  }
0x37: {  	[smem:$0x3F9B] =	sst s10  }
0x38: {  	s10 =	sld [smem:$0x3F9C]  }
0x39: {  	_ = 	snop;
	(pc) =	sbr.ind lr, $3  }
0x3a: {  	_ = 	snop  }
0x3b: {  	_ = 	snop  }
0x3c: {  	p2 =	seq.s32 s10, $0x1;
	s10 =	sld [smem:$0x3F9B]  }
0x3d: {  	_ =	shalt  }
0x3e: {  	_ =	shalt  }
0x3f: {  	_ =	shalt  }
0x40: {  	_ =	shalt  }
0x41: {  	_ =	shalt  }
0x42: {  	_ =	shalt  }
0x43: {  	_ =	shalt  }
0x44: {  	_ =	shalt  }
0x45: {  	_ =	shalt  }
0x46: {  	_ =	shalt  }
0x47: {  	_ =	shalt  }
0x48: {  	_ =	shalt  }
0x49: {  	_ =	shalt  }
0x4a: {  	_ =	shalt  }
0x4b: {  	_ =	shalt  }
0x4c: {  	_ =	shalt  }
0x4d: {  	_ =	shalt  }
0x4e: {  	_ =	shalt  }
0x4f: {  	_ =	shalt  }
0x50: {  	_ =	shalt  }
0x51: {  	_ =	shalt  }
0x52: {  	_ =	shalt  }
0x53: {  	_ =	shalt  }
0x54: {  	_ =	shalt  }
0x55: {  	_ =	shalt  }
0x56: {  	_ =	shalt  }
0x57: {  	_ =	shalt  }
0x58: {  	_ =	shalt  }
0x59: {  	_ =	shalt  }
0x5a: {  	_ =	shalt  }
0x5b: {  	_ =	shalt  }
0x5c: {  	_ =	shalt  }
0x5d: {  	_ =	shalt  }
0x5e: {  	_ =	shalt  }
0x5f: {  	_ =	shalt  }
0x60: {  	_ =	shalt  }
0x61: {  	_ =	shalt  }
0x62: {  	_ =	shalt  }
0x63: {  	_ =	shalt  }
0x64: {  	_ =	shalt  }
0x65: {  	_ =	shalt  }
0x66: {  	_ =	shalt  }
0x67: {  	_ =	shalt  }
0x68: {  	_ =	shalt  }
0x69: {  	_ =	shalt  }
0x6a: {  	_ =	shalt  }
0x6b: {  	_ =	shalt  }
0x6c: {  	_ =	shalt  }
0x6d: {  	_ =	shalt  }
0x6e: {  	_ =	shalt  }
0x6f: {  	_ =	shalt  }
0x70: {  	_ =	shalt  }
0x71: {  	_ =	shalt  }
0x72: {  	_ =	shalt  }
0x73: {  	_ =	shalt  }
0x74: {  	_ =	shalt  }
0x75: {  	_ =	shalt  }
0x76: {  	_ =	shalt  }
0x77: {  	_ =	shalt  }
0x78: {  	_ =	shalt  }
0x79: {  	_ =	shalt  }
0x7a: {  	_ =	shalt  }
0x7b: {  	_ =	shalt  }
0x7c: {  	_ =	shalt  }
0x7d: {  	_ =	shalt  }
0x7e: {  	_ =	shalt  }
0x7f: {  	_ =	shalt  }
0x80: {  	_ =	shalt  }
0x81: {  	_ =	shalt  }
0x82: {  	_ =	shalt  }
0x83: {  	_ =	shalt  }
0x84: {  	_ =	shalt  }
0x85: {  	_ =	shalt  }
0x86: {  	_ =	shalt  }
0x87: {  	_ =	shalt  }
.Lfunc_end0:
.L_simem_size_0:
called_computation.5_lowered:
.L_overlay_start_0:
0x88: {  	s2 =	sld [smem:$0x3FD9]  }
0x89: {  	s3 =	sld [smem:$0x3FFE];
	_ =	sdelay $0x1  }
0x8a: {  	s1 =	srdreg.scid  }
0x8b: {  	s0 =	sand.u32 $0x1, s1  }
0x8c: {  	s15 =	sshll.u32 s0, $0xA;
	s2 =	sadd.s32 s3, s2  }
0x8d: {  	s2 =	sadd.s32 s2, s15  }
0x8e: {  	[smem:$0x3FA7] =	sst s2  }
0x8f: {  	_ = 	snop  }
0x90: {  	s2 =	sld [smem:$0x3FD0];
	_ =	sdelay $0x2  }
0x91: {  	s16 =	simm.s32 $0xB;
	s4 =	simm.s32 $0x10  }
0x92: {  	[smem:s4], [sflag:s16] =	dma.local [hbm:s2], $0x1  }
0x93: {  	_ =	swait.eq [sflag:s16], $0x1  }
0x94: {  	[sflag:s16] =	ssyncset.done $0x0  }
0x95: {  	[sflag:s16] =	ssyncadd.s32 $0xFFFFFFFF  }
0x96: {  	s17 =	sld [smem:$0x11];
	(tm) =	ssettm $0x1  }
0x97: {  	s18 =	sld [smem:$0x3FFB];
	_ =	sdelay $0x3  }
0x98: {  	_ =	strace s18  }
0x99: {  	s2 =	sld [smem:$0x3FFC];
	_ =	sdelay $0x3  }
0x9a: {  	_ =	strace s2  }
0x9b: {  	s2 =	sld [smem:$0x3FFD];
	_ =	sdelay $0x3  }
0x9c: {  	_ =	strace s2  }
0x9d: {  	_ =	strace $0x8FFFFFFF  }
0x9e: {  	s19 =	sld [smem:$0x3FDB];
	_ =	sdelay $0x1  }
0x9f: {  	s20 =	simm.s32 $_scs_section_size  }
0xa0: {  	s5 =	simm.s32 $_size__tile_overlayer_lowered;
	s6 =	simm.s32 $_tile_overlayer_lowered  }
0xa1: {  	s7 =	simm.s32 $0x1BFF;
	s21 =	sshll.u32 s6, $0x1;
	s4 =	sadd.s32 s20, s19  }
0xa2: {  	s22 =	simm.s32 $0x0;
	s5 =	sshll.u32 s5, $0x1;
	s6 =	sadd.s32 s21, s4  }
0xa3: {  	[timem:s22], [sflag:s7] =	dma.local [hbm:s6], s5  }
0xa4: {  	_ =	swait.ge [sflag:s7], s5  }
0xa5: {  	s5 =	ssub.s32 $0x0, s5;
	[sflag:s7] =	ssyncset.done $0x0  }
0xa6: {  	[sflag:s7] =	ssyncadd.s32 s5;
	_ =	sdelay $0x1  }
0xa7: {  	s23 =	simm.s32 $0x1B8B  }
0xa8: {  	_ =	swait.ge [sflag:s23], $0x1  }
0xa9: {  	[sflag:s23] =	ssyncset.done $0x0  }
0xaa: {  	[sflag:s23] =	ssyncadd.s32 $0xFFFFFFFF  }
0xab: {  	s5 =	sld [smem:$0x0]  }
0xac: {  	s6 =	sand.u32 $0xFFFFFFFE, s1  }
0xad: {  	p0 =	sne.s32 s1, s6  }
0xae: {  	s6 =	sshll.u32 @p0 s6, $0xE  }
0xaf: {  	s6 =	sadd.s32 @p0 $0x11B8D, s6;
	s7 =	sshll.u32 @p0 s5, $0x11  }
0xb0: {  	s6 =	sor.u32 @p0 s7, s6  }
0xb1: {  	[sflag:s6] =	ssyncadd.remote.s32 @p0 $0x1;
	_ =	sdelay $0x1  }
0xb2: {  	s6 =	simm.s32 @p0 $0x1B8D  }
0xb3: {  	_ =	swait.eq @p0 [sflag:s6], $0x1  }
0xb4: {  	[sflag:s6] =	ssyncadd.s32 @p0 $0xFFFFFFFF  }
0xb5: {  	s7 =	sshll.u32 @!p0 s1, $0xE  }
0xb6: {  	s7 =	sor.u32 @!p0 $0x4000, s7;
	s6 =	simm.s32 @!p0 $0x1B8D  }
0xb7: {  	s5 =	sshll.u32 @!p0 s5, $0x11;
	s7 =	sadd.s32 @!p0 $0x11B8D, s7;
	_ =	swait.eq @!p0 [sflag:s6], $0x1  }
0xb8: {  	s5 =	sor.u32 @!p0 s5, s7;
	[sflag:s6] =	ssyncadd.s32 @!p0 $0xFFFFFFFF  }
0xb9: {  	s25 =	simm.s32 $0x1B8E;
	s24 =	sld [smem:$0x3FFE];
	[sflag:s5] =	ssyncadd.remote.s32 @!p0 $0x1  }
0xba: {  	s26 =	simm.s32 $execute0_lowered;
	[smem:$0x3FD2] =	sst s25  }
0xbb: {  	s6 =	sshll.u32 s26, $0x1;
	_ =	strace $0x8000004F;
	[dreg:$0x1] =	wrdreg $0xFFFFFFFF  }
0xbc: {  	s28 =	simm.s32 $_size_execute0_lowered;
	s4 =	sadd.s32 s4, s6;
	[dreg:$0x0] =	wrdreg $0x0  }
0xbd: {  	s6 =	sshll.u32 s28, $0x1;
	[dreg:$0x2] =	wrdreg s4  }
0xbe: {  	[dreg:$0x3] =	wrdreg s6  }
0xbf: {  	[dreg:$0x4] =	wrdreg $0xC0  }
0xc0: {  	_ =	task [dreg:s22], $0x5FFFF  }
0xc1: {  	[dreg:$0x1] =	wrdreg $0xFFFFFFFF  }
0xc2: {  	[dreg:$0x0] =	wrdreg $0x60  }
0xc3: {  	[dreg:$0x2] =	wrdreg s24  }
0xc4: {  	[dreg:$0x3] =	wrdreg s17  }
0xc5: {  	[dreg:$0x4] =	wrdreg $0xA  }
0xc6: {  	_ =	task.clear_ibuf [dreg:s22], $0x5FFFF;
	_ =	strace $0x9000004F  }
0xc7: {  	s29 =	simm.s32 $0xA;
	_ =	strace $0x80000051  }
0xc8: {  	_ =	swait.ge [sflag:s29], $0x1  }
0xc9: {  	[sflag:s29] =	ssyncadd.s32 $0xFFFFFFFF  }
0xca: {  	_ =	strace $0x90000051  }
0xcb: {  	_ =	sfence  }
0xcc: {  	s30 =	sld [smem:$0x0];
	_ =	sdelay $0x2  }
0xcd: {  	s31 =	sshll.u32 s1, $0xD;
	s1 =	sshrl.u32 s1, $0x2  }
0xce: {  	s4 =	sand.u32 $0x4000, s31;
	s1 =	sadd.s32 s1, s30  }
0xcf: {  	s0 =	sor.u32 s4, s0;
	s1 =	sshll.u32 s1, $0x11  }
0xd0: {  	s0 =	sor.u32 s1, s0  }
0xd1: {  	s0 =	sadd.s32 $0x8F2B, s0  }
0xd2: {  	[sflag:s0] =	ssyncadd.remote.s32 $0x1  }
0xd3: {  	_ =	sfence.sel $0xFFFF  }
0xd4: {  	[dreg:$0x0] =	wrdreg $0xFFFFFFFF;
	(pc) =	sbr.abs _section_cstart, $3  }
0xd5: {  	[dreg:$0x1] =	wrdreg $0xFFFFFFFF  }
0xd6: {  	_ =	task.clear_ibuf [dreg:s22], $0x2FFFF;
	_ =	strace $0x9FFFFFFF  }
0xd7: {  	(tm) =	ssettm $0x7FFFFFFF  }
tec
execute0_lowered:
.L_overlay_start_1:
0x0: {  	(tag) =	ssettag $0x1  }
0x1: {  	s5 =	rddreg [dreg:$0x0]  }
0x2: {  	s2 =	rddreg [dreg:$0x1];
	s3 =	simm.s32 $0x0  }
0x3: {  	[smem:$0x7FF] =	sst s3;
	s7 =	sadd.s32 $0x52E400, s5  }
0x4: {  	s15 =	simm.s32 $0x80;
	_ =	strace $0x80000050;
	[dreg:$0x3] =	wrdreg s7  }
0x5: {  	s16 =	simm.s32 $0x980;
	[dreg:$0x7] =	wrdreg s15  }
0x6: {  	s17 =	simm.s32 $0xD80;
	[dreg:$0x8] =	wrdreg s16  }
0x7: {  	s18 =	simm.s32 $0x1580;
	[dreg:$0x9] =	wrdreg s17  }
0x8: {  	s19 =	simm.s32 $0x1980;
	[dreg:$0xa] =	wrdreg s18  }
0x9: {  	s20 =	simm.s32 $0x2180;
	[dreg:$0xb] =	wrdreg s19  }
0xa: {  	s21 =	simm.s32 $0x2580;
	[dreg:$0xc] =	wrdreg s20  }
0xb: {  	s22 =	simm.s32 $0x2D80;
	[dreg:$0xd] =	wrdreg s21  }
0xc: {  	s23 =	simm.s32 $0x3180;
	[dreg:$0xe] =	wrdreg s22  }
0xd: {  	s24 =	simm.s32 $0x3980;
	[dreg:$0xf] =	wrdreg s23  }
0xe: {  	s25 =	simm.s32 $0x3D80;
	[dreg:$0x10] =	wrdreg s24  }
0xf: {  	s0 =	stileid.u32;
	s26 =	simm.s32 $0x4580;
	[dreg:$0x11] =	wrdreg s25  }
0x10: {  	s29 =	simm.s32 $0x4980;
	s4 =	smul.u32 $0x14, s0;
	[dreg:$0x12] =	wrdreg s26  }
0x11: {  	s31 =	simm.s32 $0x5180;
	s30 =	smul.u32 $0x1E00, s0;
	[dreg:$0x13] =	wrdreg s29  }
0x12: {  	s8 =	smul.u32 $0xA00, s0;
	s0 =	simm.s32 $0x5580;
	[dreg:$0x14] =	wrdreg s31  }
0x13: {  	s12 =	simm.s32 $0x6980;
	[dreg:$0x15] =	wrdreg s0  }
0x14: {  	s7 =	simm.s32 $0x5D80;
	[dreg:$0x18] =	wrdreg s12  }
0x15: {  	s15 =	simm.s32 $0x7580;
	[dreg:$0x16] =	wrdreg s7  }
0x16: {  	s16 =	simm.s32 $0x8180;
	[dreg:$0x1a] =	wrdreg s15  }
0x17: {  	s17 =	simm.s32 $0x8580;
	[dreg:$0x1b] =	wrdreg s16  }
0x18: {  	s1 =	srdreg.scid;
	s18 =	simm.s32 $0x8D80;
	[dreg:$0x1c] =	wrdreg s17  }
0x19: {  	s28 =	simm.s32 $0x0;
	s20 =	simm.s32 $0x9180;
	[dreg:$0x1d] =	wrdreg s18  }
0x1a: {  	s1 =	sand.u32 $0x1, s1;
	s21 =	simm.s32 $0x9980;
	[dreg:$0x1e] =	wrdreg s20  }
0x1b: {  	s6 =	smul.u32 $0xA, s1;
	s22 =	simm.s32 $0x9D80;
	[dreg:$0x1f] =	wrdreg s21  }
0x1c: {  	s11 =	ssub.s32 $0x2, s1;
	s23 =	simm.s32 $0xA580;
	[smem:$0x7F6] =	sst s22  }
0x1d: {  	s24 =	simm.s32 $0xA980;
	s25 =	simm.s32 $0xB180;
	[smem:$0x7F7] =	sst s23  }
0x1e: {  	s26 =	simm.s32 $0xB580;
	s29 =	simm.s32 $0xBD80;
	[smem:$0x7F8] =	sst s24  }
0x1f: {  	s12 =	simm.s32 $0x100;
	s31 =	simm.s32 $0xC980;
	[smem:$0x7F9] =	sst s25  }
0x20: {  	s4 =	sadd.s32 s4, s5;
	s9 =	sadd.s32 s30, s5;
	[smem:$0x7FA] =	sst s26  }
0x21: {  	s10 =	sadd.s32 s8, s5;
	s8 =	simm.s32 $0x6180;
	[smem:$0x7FB] =	sst s29  }
0x22: {  	s13 =	sshrl.u32 s11, $0x1;
	s30 =	simm.s32 $0xC180;
	[smem:$0x7FD] =	sst s31  }
0x23: {  	s15 =	simm.s32 $0xCD80;
	s16 =	simm.s32 $0xD580;
	s17 =	simm.s32 $0xD980  }
0x24: {  	s18 =	simm.s32 $0xE180;
	s20 =	simm.s32 $0xED80;
	s21 =	simm.s32 $0x50  }
0x25: {  	s22 =	simm.s32 $0xF180;
	s23 =	simm.s32 $0x1;
	s24 =	simm.s32 $0x2  }
0x26: {  	s25 =	simm.s32 $0x3;
	s26 =	simm.s32 $0x4;
	s4 =	sadd.s32 s6, s4  }
0x27: {  	[dreg:$0x17] =	wrdreg s8;
	s7 =	ssub.s32 s11, s13;
	s11 =	smul.u32 $0xF00, s1  }
0x28: {  	s1 =	smul.u32 $0x500, s1;
	[smem:$0x7FC] =	sst s30;
	s6 =	sadd.s32 $0x1AA00, s4  }
0x29: {  	s13 =	simm.s32 $0x180;
	s14 =	sadd.s32 $0x24800, s4;
	[dreg:$0x4] =	wrdreg s6  }
0x2a: {  	s4 =	sadd.s32 $0x2E600, s4;
	s19 =	smax.u32 s7, $0x1;
	[dreg:$0x5] =	wrdreg s14  }
0x2b: {  	[dreg:$0x6] =	wrdreg s4;
	s4 =	sadd.s32 $0xA1A200, s5;
	s14 =	simm.s32 $0x6D80  }
0x2c: {  	s5 =	sadd.s32 $0xA1A300, s5;
	s6 =	sadd.s32 $0x100, s2;
	[smem:$0x7F5] =	sst s19  }
0x2d: {  	v2 =	vlaneseq.u32;
	s9 =	sadd.s32 s11, s9;
	s1 =	sadd.s32 s1, s10;
	s19 =	simm.s32 $0xE580  }
0x2e: {  	vm0 =	vmmov $0xffff;
	vm1 =	vmmov $0xff;
	v1 =	vshrl.u32 v2, $0x3;
	s11 =	simm.s32 $0x5;
	s8 =	sadd.s32 $0xA8F600, s9;
	s9 =	sadd.s32 $0x1935600, s9  }
0x2f: {  	v0 =	vand.u32 $0x7, v2;
	v2 =	vor.u32 $0x8, v2;
	v1 =	vmul.u32 $0x8, v1;
	[dreg:$0x19] =	wrdreg s14;
	s10 =	sadd.s32 $0x27DB600, s1;
	s14 =	simm.s32 $0x7980  }
.LBB2_1:
0x30: {  	s29 =	smov.u32 s10  }
0x31: {  	s30 =	smov.u32 s9;
	s31 =	smov.u32 s8;
	s1 =	simm.s32 $0x0  }
.LBB2_2:
0x32: {  	s0 =	rddreg [dreg:$0x4]  }
0x33: {  	s0 =	sadd.s32 s1, s0  }
0x34: {  	[tilespmem:s3], [sflag:$0x5] =	stream.linear.gather [hbm4b:s0+s3], $0x50, $0x38;
	[tilespmem:$0x11980] =	vst v63  }
0x35: {  	_ =	swait.ge [sflag:s11], $0x50  }
0x36: {  	s0 =	rddreg [dreg:$0x5];
	[sflag:s11] =	ssyncset.done $0x0  }
0x37: {  	s7 =	rddreg [dreg:$0x7];
	[sflag:s11] =	ssyncadd.s32 $0xFFFFFFB0;
	s0 =	sadd.s32 s1, s0  }
0x38: {  	[tilespmem:s7], [sflag:$0x5] =	stream.linear.gather [hbm4b:s0+s3], $0x50, $0x38;
	[tilespmem:$0x11980] =	vst v63  }
0x39: {  	_ =	swait.ge [sflag:s11], $0x50  }
0x3a: {  	s7 =	rddreg [dreg:$0x6];
	[sflag:s11] =	ssyncset.done $0x0  }
0x3b: {  	[sflag:s11] =	ssyncadd.s32 $0xFFFFFFB0;
	s0 =	sadd.s32 s1, s7  }
0x3c: {  	[tilespmem:s12], [sflag:$0x5] =	stream.linear.gather [hbm4b:s0+s3], $0x50, $0x38;
	[tilespmem:$0x11980] =	vst v63  }
0x3d: {  	_ =	swait.ge [sflag:s11], $0x50  }
0x3e: {  	[sflag:s11] =	ssyncset.done $0x0  }
0x3f: {  	[sflag:s11] =	ssyncadd.s32 $0xFFFFFFB0  }
0x40: {  	v3 =	vld [tilespmem:$0x0];
	_ =	sdelay $0x4  }
0x41: {  	v4 =	vshrl.u32 v3, $0x3  }
0x42: {  	v4 =	vmul.u32 $0x18, v4  }
0x43: {  	v3 =	vand.u32 $0x7, v3  }
0x44: {  	v3 =	vor.u32 v3, v4  }
0x45: {  	v4 =	vperm.xlane v3, v0;
	_ =	sdelay $0x1  }
0x46: {  	v4 =	vadd.s32 v1, v4;
	_ =	sdelay $0x1  }
0x47: {  	v3 =	vperm.xlane v3, v2;
	_ =	sdelay $0x1  }
0x48: {  	v3 =	vadd.s32 v1, v3  }
0x49: {  	[tilespmem:s13], [sflag:$0x1] =	stream.indirect_vreg.gather [hbm4b:s4+s3], $0x80, v4, vm0, $0xb8;
	[tilespmem:$0x11980] =	vst v63  }
0x4a: {  	s0 =	rddreg [dreg:$0x8]  }
0x4b: {  	[tilespmem:s0], [sflag:$0x1] =	stream.indirect_vreg.gather [hbm4b:s5+s3], $0x80, v4, vm1, $0xb8;
	[tilespmem:$0x11980] =	vst v63  }
0x4c: {  	s7 =	rddreg [dreg:$0x9]  }
0x4d: {  	[tilespmem:s7], [sflag:$0x1] =	stream.indirect_vreg.gather [hbm4b:s4+s3], $0x80, v3, vm0, $0xb8;
	[tilespmem:$0x11980] =	vst v63  }
0x4e: {  	s0 =	rddreg [dreg:$0xa]  }
0x4f: {  	[tilespmem:s0], [sflag:$0x1] =	stream.indirect_vreg.gather [hbm4b:s5+s3], $0x80, v3, vm1, $0xb8;
	[tilespmem:$0x11980] =	vst v63  }
0x50: {  	v3 =	vld [tilespmem:$0x10];
	_ =	sdelay $0x4  }
0x51: {  	v55 =	vshrl.u32 v3, $0x3  }
0x52: {  	v4 =	vmul.u32 $0x18, v55  }
0x53: {  	v3 =	vand.u32 $0x7, v3  }
0x54: {  	v3 =	vor.u32 v3, v4  }
0x55: {  	v4 =	vperm.xlane v3, v0;
	_ =	sdelay $0x1  }
0x56: {  	v4 =	vadd.s32 v1, v4;
	_ =	sdelay $0x1  }
0x57: {  	v3 =	vperm.xlane v3, v2;
	_ =	sdelay $0x1  }
0x58: {  	s0 =	rddreg [dreg:$0xb];
	v3 =	vadd.s32 v1, v3  }
0x59: {  	[tilespmem:s0], [sflag:$0x1] =	stream.indirect_vreg.gather [hbm4b:s4+s3], $0x80, v4, vm0, $0xb8;
	[tilespmem:$0x11980] =	vst v63  }
0x5a: {  	s7 =	rddreg [dreg:$0xc]  }
0x5b: {  	[tilespmem:s7], [sflag:$0x1] =	stream.indirect_vreg.gather [hbm4b:s5+s3], $0x80, v4, vm1, $0xb8;
	[tilespmem:$0x11980] =	vst v63  }
0x5c: {  	s0 =	rddreg [dreg:$0xd]  }
0x5d: {  	[tilespmem:s0], [sflag:$0x1] =	stream.indirect_vreg.gather [hbm4b:s4+s3], $0x80, v3, vm0, $0xb8;
	[tilespmem:$0x11980] =	vst v63  }
0x5e: {  	s7 =	rddreg [dreg:$0xe]  }
0x5f: {  	[tilespmem:s7], [sflag:$0x1] =	stream.indirect_vreg.gather [hbm4b:s5+s3], $0x80, v3, vm1, $0xb8;
	[tilespmem:$0x11980] =	vst v63  }
0x60: {  	v3 =	vld [tilespmem:$0x20];
	_ =	sdelay $0x4  }
0x61: {  	v56 =	vshrl.u32 v3, $0x3  }
0x62: {  	v4 =	vmul.u32 $0x18, v56  }
0x63: {  	v3 =	vand.u32 $0x7, v3  }
0x64: {  	v3 =	vor.u32 v3, v4  }
0x65: {  	v4 =	vperm.xlane v3, v0;
	_ =	sdelay $0x1  }
0x66: {  	v4 =	vadd.s32 v1, v4;
	_ =	sdelay $0x1  }
0x67: {  	v3 =	vperm.xlane v3, v2;
	_ =	sdelay $0x1  }
0x68: {  	s0 =	rddreg [dreg:$0xf];
	v3 =	vadd.s32 v1, v3  }
0x69: {  	[tilespmem:s0], [sflag:$0x1] =	stream.indirect_vreg.gather [hbm4b:s4+s3], $0x80, v4, vm0, $0xb8;
	[tilespmem:$0x11980] =	vst v63  }
0x6a: {  	s7 =	rddreg [dreg:$0x10]  }
0x6b: {  	[tilespmem:s7], [sflag:$0x1] =	stream.indirect_vreg.gather [hbm4b:s5+s3], $0x80, v4, vm1, $0xb8;
	[tilespmem:$0x11980] =	vst v63  }
0x6c: {  	s0 =	rddreg [dreg:$0x11]  }
0x6d: {  	[tilespmem:s0], [sflag:$0x1] =	stream.indirect_vreg.gather [hbm4b:s4+s3], $0x80, v3, vm0, $0xb8;
	[tilespmem:$0x11980] =	vst v63  }
0x6e: {  	s7 =	rddreg [dreg:$0x12]  }
0x6f: {  	[tilespmem:s7], [sflag:$0x1] =	stream.indirect_vreg.gather [hbm4b:s5+s3], $0x80, v3, vm1, $0xb8;
	[tilespmem:$0x11980] =	vst v63  }
0x70: {  	v3 =	vld [tilespmem:$0x30];
	_ =	sdelay $0x4  }
0x71: {  	v57 =	vshrl.u32 v3, $0x3  }
0x72: {  	v4 =	vmul.u32 $0x18, v57  }
0x73: {  	v3 =	vand.u32 $0x7, v3  }
0x74: {  	v3 =	vor.u32 v3, v4  }
0x75: {  	v4 =	vperm.xlane v3, v0;
	_ =	sdelay $0x1  }
0x76: {  	v4 =	vadd.s32 v1, v4;
	_ =	sdelay $0x1  }
0x77: {  	v3 =	vperm.xlane v3, v2;
	_ =	sdelay $0x1  }
0x78: {  	s0 =	rddreg [dreg:$0x13];
	v3 =	vadd.s32 v1, v3  }
0x79: {  	[tilespmem:s0], [sflag:$0x1] =	stream.indirect_vreg.gather [hbm4b:s4+s3], $0x80, v4, vm0, $0xb8;
	[tilespmem:$0x11980] =	vst v63  }
0x7a: {  	s7 =	rddreg [dreg:$0x14]  }
0x7b: {  	[tilespmem:s7], [sflag:$0x1] =	stream.indirect_vreg.gather [hbm4b:s5+s3], $0x80, v4, vm1, $0xb8;
	[tilespmem:$0x11980] =	vst v63  }
0x7c: {  	s0 =	rddreg [dreg:$0x15]  }
0x7d: {  	[tilespmem:s0], [sflag:$0x1] =	stream.indirect_vreg.gather [hbm4b:s4+s3], $0x80, v3, vm0, $0xb8;
	[tilespmem:$0x11980] =	vst v63  }
0x7e: {  	s7 =	rddreg [dreg:$0x16]  }
0x7f: {  	[tilespmem:s7], [sflag:$0x1] =	stream.indirect_vreg.gather [hbm4b:s5+s3], $0x80, v3, vm1, $0xb8;
	[tilespmem:$0x11980] =	vst v63  }
0x80: {  	v3 =	vld [tilespmem:$0x40];
	_ =	sdelay $0x4  }
0x81: {  	v58 =	vshrl.u32 v3, $0x3  }
0x82: {  	v4 =	vmul.u32 $0x18, v58  }
0x83: {  	v3 =	vand.u32 $0x7, v3  }
0x84: {  	v3 =	vor.u32 v3, v4  }
0x85: {  	v4 =	vperm.xlane v3, v0;
	_ =	sdelay $0x1  }
0x86: {  	v4 =	vadd.s32 v1, v4;
	_ =	sdelay $0x1  }
0x87: {  	v3 =	vperm.xlane v3, v2;
	_ =	sdelay $0x1  }
0x88: {  	s0 =	rddreg [dreg:$0x17];
	v3 =	vadd.s32 v1, v3  }
0x89: {  	[tilespmem:s0], [sflag:$0x1] =	stream.indirect_vreg.gather [hbm4b:s4+s3], $0x80, v4, vm0, $0xb8;
	[tilespmem:$0x11980] =	vst v63  }
0x8a: {  	s7 =	rddreg [dreg:$0x18]  }
0x8b: {  	[tilespmem:s7], [sflag:$0x1] =	stream.indirect_vreg.gather [hbm4b:s5+s3], $0x80, v4, vm1, $0xb8;
	[tilespmem:$0x11980] =	vst v63  }
0x8c: {  	s0 =	rddreg [dreg:$0x19]  }
0x8d: {  	[tilespmem:s0], [sflag:$0x1] =	stream.indirect_vreg.gather [hbm4b:s4+s3], $0x80, v3, vm0, $0xb8;
	[tilespmem:$0x11980] =	vst v63  }
0x8e: {  	s7 =	rddreg [dreg:$0x1a]  }
0x8f: {  	[tilespmem:s7], [sflag:$0x1] =	stream.indirect_vreg.gather [hbm4b:s5+s3], $0x80, v3, vm1, $0xb8;
	[tilespmem:$0x11980] =	vst v63  }
0x90: {  	v3 =	vld [tilespmem:$0x80];
	_ =	sdelay $0x4  }
0x91: {  	v59 =	vshrl.u32 v3, $0x3  }
0x92: {  	v4 =	vmul.u32 $0x18, v59  }
0x93: {  	v3 =	vand.u32 $0x7, v3  }
0x94: {  	v3 =	vor.u32 v3, v4  }
0x95: {  	v4 =	vperm.xlane v3, v0;
	_ =	sdelay $0x1  }
0x96: {  	v4 =	vadd.s32 v1, v4;
	_ =	sdelay $0x1  }
0x97: {  	v3 =	vperm.xlane v3, v2;
	_ =	sdelay $0x1  }
0x98: {  	v3 =	vadd.s32 v1, v3  }
0x99: {  	[tilespmem:s14], [sflag:$0x2] =	stream.indirect_vreg.gather [hbm4b:s2+s3], $0x80, v4, vm0, $0xb8;
	[tilespmem:$0x11980] =	vst v63  }
0x9a: {  	s0 =	rddreg [dreg:$0x1b]  }
0x9b: {  	[tilespmem:s0], [sflag:$0x2] =	stream.indirect_vreg.gather [hbm4b:s6+s3], $0x80, v4, vm1, $0xb8;
	[tilespmem:$0x11980] =	vst v63  }
0x9c: {  	s7 =	rddreg [dreg:$0x1c]  }
0x9d: {  	[tilespmem:s7], [sflag:$0x2] =	stream.indirect_vreg.gather [hbm4b:s2+s3], $0x80, v3, vm0, $0xb8;
	[tilespmem:$0x11980] =	vst v63  }
0x9e: {  	s0 =	rddreg [dreg:$0x1d]  }
0x9f: {  	[tilespmem:s0], [sflag:$0x2] =	stream.indirect_vreg.gather [hbm4b:s6+s3], $0x80, v3, vm1, $0xb8;
	[tilespmem:$0x11980] =	vst v63  }
0xa0: {  	v3 =	vld [tilespmem:$0x90];
	_ =	sdelay $0x4  }
0xa1: {  	v60 =	vshrl.u32 v3, $0x3  }
0xa2: {  	v4 =	vmul.u32 $0x18, v60  }
0xa3: {  	v3 =	vand.u32 $0x7, v3  }
0xa4: {  	v3 =	vor.u32 v3, v4  }
0xa5: {  	v4 =	vperm.xlane v3, v0;
	_ =	sdelay $0x1  }
0xa6: {  	v4 =	vadd.s32 v1, v4;
	_ =	sdelay $0x1  }
0xa7: {  	v3 =	vperm.xlane v3, v2  }
0xa8: {  	s7 =	rddreg [dreg:$0x1f]  }
0xa9: {  	s0 =	rddreg [dreg:$0x1e];
	v3 =	vadd.s32 v1, v3  }
0xaa: {  	[tilespmem:s0], [sflag:$0x2] =	stream.indirect_vreg.gather [hbm4b:s2+s3], $0x80, v4, vm0, $0xb8;
	[tilespmem:$0x11980] =	vst v63  }
0xab: {  	s0 =	sld [smem:$0x7F6]  }
0xac: {  	[tilespmem:s7], [sflag:$0x2] =	stream.indirect_vreg.gather [hbm4b:s6+s3], $0x80, v4, vm1, $0xb8;
	[tilespmem:$0x11980] =	vst v63  }
0xad: {  	s7 =	sld [smem:$0x7F7]  }
0xae: {  	[tilespmem:s0], [sflag:$0x2] =	stream.indirect_vreg.gather [hbm4b:s2+s3], $0x80, v3, vm0, $0xb8;
	[tilespmem:$0x11980] =	vst v63  }
0xaf: {  	_ = 	snop  }
0xb0: {  	[tilespmem:s7], [sflag:$0x2] =	stream.indirect_vreg.gather [hbm4b:s6+s3], $0x80, v3, vm1, $0xb8;
	[tilespmem:$0x11980] =	vst v63  }
0xb1: {  	v3 =	vld [tilespmem:$0xA0];
	_ =	sdelay $0x4  }
0xb2: {  	v61 =	vshrl.u32 v3, $0x3  }
0xb3: {  	v4 =	vmul.u32 $0x18, v61  }
0xb4: {  	v3 =	vand.u32 $0x7, v3  }
0xb5: {  	v3 =	vor.u32 v3, v4  }
0xb6: {  	v4 =	vperm.xlane v3, v0;
	_ =	sdelay $0x1  }
0xb7: {  	v4 =	vadd.s32 v1, v4;
	_ =	sdelay $0x1  }
0xb8: {  	s0 =	sld [smem:$0x7F8];
	v3 =	vperm.xlane v3, v2;
	_ =	sdelay $0x1  }
0xb9: {  	s7 =	sld [smem:$0x7F9];
	v3 =	vadd.s32 v1, v3  }
0xba: {  	[tilespmem:s0], [sflag:$0x2] =	stream.indirect_vreg.gather [hbm4b:s2+s3], $0x80, v4, vm0, $0xb8;
	[tilespmem:$0x11980] =	vst v63  }
0xbb: {  	s0 =	sld [smem:$0x7FA]  }
0xbc: {  	[tilespmem:s7], [sflag:$0x2] =	stream.indirect_vreg.gather [hbm4b:s6+s3], $0x80, v4, vm1, $0xb8;
	[tilespmem:$0x11980] =	vst v63  }
0xbd: {  	s7 =	sld [smem:$0x7FB]  }
0xbe: {  	[tilespmem:s0], [sflag:$0x2] =	stream.indirect_vreg.gather [hbm4b:s2+s3], $0x80, v3, vm0, $0xb8;
	[tilespmem:$0x11980] =	vst v63  }
0xbf: {  	_ = 	snop  }
0xc0: {  	[tilespmem:s7], [sflag:$0x2] =	stream.indirect_vreg.gather [hbm4b:s6+s3], $0x80, v3, vm1, $0xb8;
	[tilespmem:$0x11980] =	vst v63  }
0xc1: {  	v3 =	vld [tilespmem:$0xB0];
	_ =	sdelay $0x4  }
0xc2: {  	v62 =	vshrl.u32 v3, $0x3  }
0xc3: {  	v4 =	vmul.u32 $0x18, v62  }
0xc4: {  	v3 =	vand.u32 $0x7, v3  }
0xc5: {  	v3 =	vor.u32 v3, v4  }
0xc6: {  	v4 =	vperm.xlane v3, v0;
	_ =	sdelay $0x1  }
0xc7: {  	v4 =	vadd.s32 v1, v4;
	_ =	sdelay $0x1  }
0xc8: {  	s0 =	sld [smem:$0x7FC];
	v3 =	vperm.xlane v3, v2;
	_ =	sdelay $0x1  }
0xc9: {  	s7 =	sld [smem:$0x7FD];
	v3 =	vadd.s32 v1, v3  }
0xca: {  	[tilespmem:s0], [sflag:$0x2] =	stream.indirect_vreg.gather [hbm4b:s2+s3], $0x80, v4, vm0, $0xb8;
	[tilespmem:$0x11980] =	vst v63  }
0xcb: {  	_ = 	snop  }
0xcc: {  	[tilespmem:s7], [sflag:$0x2] =	stream.indirect_vreg.gather [hbm4b:s6+s3], $0x80, v4, vm1, $0xb8;
	[tilespmem:$0x11980] =	vst v63  }
0xcd: {  	_ = 	snop  }
0xce: {  	[tilespmem:s15], [sflag:$0x2] =	stream.indirect_vreg.gather [hbm4b:s2+s3], $0x80, v3, vm0, $0xb8;
	[tilespmem:$0x11980] =	vst v63  }
0xcf: {  	_ = 	snop  }
0xd0: {  	[tilespmem:s16], [sflag:$0x2] =	stream.indirect_vreg.gather [hbm4b:s6+s3], $0x80, v3, vm1, $0xb8;
	[tilespmem:$0x11980] =	vst v63  }
0xd1: {  	v3 =	vld [tilespmem:$0xC0];
	_ =	sdelay $0x4  }
0xd2: {  	v63 =	vshrl.u32 v3, $0x3  }
0xd3: {  	v4 =	vmul.u32 $0x18, v63  }
0xd4: {  	v3 =	vand.u32 $0x7, v3  }
0xd5: {  	v3 =	vor.u32 v3, v4  }
0xd6: {  	v4 =	vperm.xlane v3, v0;
	_ =	sdelay $0x1  }
0xd7: {  	v4 =	vadd.s32 v1, v4;
	_ =	sdelay $0x1  }
0xd8: {  	v3 =	vperm.xlane v3, v2;
	_ =	sdelay $0x1  }
0xd9: {  	v3 =	vadd.s32 v1, v3  }
0xda: {  	[tilespmem:s17], [sflag:$0x2] =	stream.indirect_vreg.gather [hbm4b:s2+s3], $0x80, v4, vm0, $0xb8;
	[tilespmem:$0x11980] =	vst v63  }
0xdb: {  	_ = 	snop  }
0xdc: {  	[tilespmem:s18], [sflag:$0x2] =	stream.indirect_vreg.gather [hbm4b:s6+s3], $0x80, v4, vm1, $0xb8;
	[tilespmem:$0x11980] =	vst v63  }
0xdd: {  	_ = 	snop  }
0xde: {  	[tilespmem:s19], [sflag:$0x2] =	stream.indirect_vreg.gather [hbm4b:s2+s3], $0x80, v3, vm0, $0xb8;
	[tilespmem:$0x11980] =	vst v63  }
0xdf: {  	_ = 	snop  }
0xe0: {  	[tilespmem:s20], [sflag:$0x2] =	stream.indirect_vreg.gather [hbm4b:s6+s3], $0x80, v3, vm1, $0xb8;
	[tilespmem:$0x11980] =	vst v63  }
0xe1: {  	s7 =	rddreg [dreg:$0x3]  }
0xe2: {  	[tilespmem:s22], [sflag:$0x3] =	stream.indirect.gather [hbm4b:s7+s21], $0x80, s12, s21, $0xb8;
	[tilespmem:$0x11980] =	vst v63  }
0xe3: {  	_ =	swait.ge [sflag:s23], $0x7800  }
0xe4: {  	[sflag:s23] =	ssyncset.done $0x0  }
0xe5: {  	[sflag:s23] =	ssyncadd.s32 $0xFFFF8800  }
0xe6: {  	_ =	swait.ge [sflag:s24], $0x7800  }
0xe7: {  	[sflag:s24] =	ssyncset.done $0x0  }
0xe8: {  	[sflag:s24] =	ssyncadd.s32 $0xFFFF8800  }
0xe9: {  	_ =	swait.ge [sflag:s25], $0x2800  }
0xea: {  	[sflag:s25] =	ssyncset.done $0x0  }
0xeb: {  	[sflag:s25] =	ssyncadd.s32 $0xFFFFD800  }
0xec: {  	[hbm4b:s31+s3] =	stream.linear.scatter [tilespmem:s13], [sflag:$0x5], $0x7800, $0x38;
	[tilespmem:$0x11980] =	vst v63  }
0xed: {  	_ =	swait.ge [sflag:s11], $0x7800  }
0xee: {  	[sflag:s11] =	ssyncset.done $0x0  }
0xef: {  	[sflag:s11] =	ssyncadd.s32 $0xFFFF8800  }
0xf0: {  	[hbm4b:s30+s3] =	stream.linear.scatter [tilespmem:s14], [sflag:$0x5], $0x7800, $0x38;
	[tilespmem:$0x11980] =	vst v63  }
0xf1: {  	_ =	swait.ge [sflag:s11], $0x7800  }
0xf2: {  	p0 =	sne.s32 s1, $0x9B00;
	[sflag:s11] =	ssyncset.done $0x0  }
.Ltmp0:
0xf3: {  	[sflag:s11] =	ssyncadd.s32 $0xFFFF8800;
	(pc) =	sbr.rel @p0 .LBB2_2-.Ltmp0, $4  }
0xf4: {  	[hbm4b:s29+s3] =	stream.linear.scatter [tilespmem:s22], [sflag:$0x4], $0x2800, $0x38;
	[tilespmem:$0x11980] =	vst v63  }
0xf5: {  	_ =	swait.ge [sflag:s26], $0x2800  }
0xf6: {  	s1 =	sadd.s32 $0x140, s1;
	s31 =	sadd.s32 $0x1E000, s31;
	[sflag:s26] =	ssyncset.done $0x0  }
0xf7: {  	s30 =	sadd.s32 $0x1E000, s30;
	s29 =	sadd.s32 $0xA000, s29;
	[sflag:s26] =	ssyncadd.s32 $0xFFFFD800  }
0xf8: {  	s0 =	sld [smem:$0x7F5];
	_ =	sdelay $0x1  }
0xf9: {  	s28 =	sadd.s32 $0x1, s28  }
0xfa: {  	p0 =	sne.s32 s28, s0  }
.Ltmp1:
0xfb: {  	_ = 	snop;
	(pc) =	sbr.rel @p0 .LBB2_1-.Ltmp1, $1  }
0xfc: {  	_ =	sdelay $0x3  }
0xfd: {  	_ =	sfence.sel $0x180000  }
0xfe: {  	[bflag:$0x0] =	sbarrier.arrive $0xFFFF  }
0xff: {  	_ =	strace $0x90000050  }
0x100: {  	s0 =	stileid.u32;
	[bflag:$0x2] =	sbarrier.arrive $0xFFFF  }
0x101: {  	p0 =	sne.s32 s0, $0x0;
	s0 =	rddreg [dreg:$0x2]  }
0x102: {  	s0 =	sadd.s32 @!p0 $0x100000, s0  }
0x103: {  	[sflag:s0] =	ssyncadd.tile.s32 @!p0 $0x1;
	_ =	shalt  }
.Lfunc_end2:
_tile_overlayer_lowered:
.L_overlay_start_2:
0x104: {  	(tag) =	ssettag $0x2  }
0x105: {  	s0 =	rddreg [dreg:$0x0];
	s2 =	stileid.u32  }
0x106: {  	s1 =	rddreg [dreg:$0x1];
	p0 =	sne.s32 s2, $0x0  }
0x107: {  	s3 =	rddreg [dreg:$0x2];
	[bflag:$0x3] =	sbarrier.arrive $0xFFFF;
	s2 =	simm.s32 @!p0 $0x1C04  }
0x108: {  	[timem:s3], [sflag:s2] =	dma.local @!p0 [hbm:s0], s1  }
0x109: {  	s0 =	simm.s32 @!p0 $0x4  }
0x10a: {  	_ =	swait.ge @!p0 [sflag:s0], s1  }
0x10b: {  	s1 =	ssub.s32 @!p0 $0x0, s1;
	[sflag:s0] =	ssyncset.done @!p0 $0x0  }
0x10c: {  	[sflag:s0] =	ssyncadd.s32 @!p0 s1  }
0x10d: {  	[bflag:$0x3] =	sbarrier.arrive $0xFFFF  }
0x10e: {  	_ =	shalt  }

// kernel: scatter_offload_async_start
scs
__scs_entry_jumppad:
0x0: {  	(pc) =	sbr.rel $0x88, $3  }
0x1: {  	(tag) =	ssettag $0x0;
	lr =	simm.s32 $0x1  }
0x2: {  	[smem:$0x3F80] =	sst lr;
	_ =	strace $0xD0000000  }
0x3: {  	_ = 	snop  }
0x4: {  	_ = 	snop  }
0x5: {  	_ = 	snop  }
0x6: {  	_ = 	snop  }
0x7: {  	_ = 	snop  }
__scs_overlays_trampoline_lowered:
0x8: {  	[smem:$0x3F8F] =	sst s0  }
0x9: {  	[smem:$0x3F90] =	sst s1  }
0xa: {  	[smem:$0x3F91] =	sst s2  }
0xb: {  	[smem:$0x3F92] =	sst s3  }
0xc: {  	[smem:$0x3F93] =	sst s4  }
0xd: {  	[smem:$0x3F94] =	sst s5  }
0xe: {  	[smem:$0x3F95] =	sst s6  }
0xf: {  	[smem:$0x3F96] =	sst s7  }
0x10: {  	[smem:$0x3F97] =	sst s8  }
0x11: {  	[smem:$0x3F98] =	sst s9;
	s0 =	simm.s32 @!p0 $0x0  }
0x12: {  	s1 =	sld [smem:$0x3F7E];
	s0 =	simm.s32 @p0 $0x1  }
0x13: {  	[smem:$0x3F99] =	sst s0;
	s0 =	simm.s32 @!p1 $0x0  }
0x14: {  	s2 =	sld [smem:$0x3F7D];
	s0 =	simm.s32 @p1 $0x1  }
0x15: {  	[smem:$0x3F9A] =	sst s0;
	s0 =	simm.s32 @!p2 $0x0  }
0x16: {  	s3 =	sld [smem:$0x3FDB];
	s0 =	simm.s32 @p2 $0x1  }
0x17: {  	s4 =	simm.s32 $0x1BF5;
	[smem:$0x3F9C] =	sst s0  }
0x18: {  	s0 =	sld [smem:$0x3F7F];
	_ =	swait.ge [sflag:s4], $0x0  }
0x19: {  	s7 =	sld [smem:$0x3F80]  }
0x1a: {  	s8 =	sadd.s32 $0xFFFFE003, lr  }
0x1b: {  	s9 =	sadd.s32 $0xFFFFFEF7, lr;
	s5 =	simm.s32 $0xFFFFFFFF;
	p2 =	slt.u32 s8, $0xFFFFF086  }
0x1c: {  	p1 =	slt.u32 s9, $0xF7A;
	s5 =	simm.s32 @!p2 $0x0  }
0x1d: {  	s5 =	simm.s32 @p1 $0x1;
	p0 =	seq.s32 s7, s2  }
0x1e: {  	s7 =	smul.u32 @!p0 $0xF7A, s2;
	p2 =	seq.s32 @!p0 s5, $0x0  }
0x1f: {  	s9 =	smul.u32 $0xF7A, s1;
	s8 =	simm.s32 @!p0 $0x1BF5;
	p2 =	por !p2, p0  }
0x20: {  	[sflag:s8] =	ssyncset.s32 @!p0 $0xFFFFF086;
	s6 =	sadd.s32 @!p0 s3, s7;
	s7 =	simm.s32 @!p0 $0x108  }
0x21: {  	s3 =	sadd.s32 s3, s9;
	s6 =	sadd.s32 @!p0 $0x88, s6;
	s7 =	simm.s32 @p2 $0x1082  }
0x22: {  	[simem:s7], [sflag:s8] =	dma.local @!p0 [hbm:s6], $0xF7A  }
0x23: {  	s9 =	sor.u32 $0xD0000000, s2;
	s6 =	simm.s32 $0x108;
	_ =	swait.ge @!p0 [sflag:s8], $0x0  }
0x24: {  	s3 =	sadd.s32 $0x88, s3;
	s6 =	simm.s32 @!p1 $0x1082;
	[sflag:s4] =	ssyncset.s32 $0xFFFFF086  }
0x25: {  	[simem:s6], [sflag:s4] =	dma.local [hbm:s3], $0xF7A  }
0x26: {  	[smem:$0x3F80] =	sst s1;
	(tag) =	ssettag s2;
	_ =	strace s9  }
0x27: {  	s1 =	sld [smem:$0x3F90]  }
0x28: {  	s2 =	sld [smem:$0x3F91]  }
0x29: {  	s4 =	sld [smem:$0x3F93]  }
0x2a: {  	p0 =	seq.s32 s5, $0x0;
	s5 =	sld [smem:$0x3F94]  }
0x2b: {  	s6 =	sld [smem:$0x3F95]  }
0x2c: {  	s7 =	sld [smem:$0x3F96]  }
0x2d: {  	s3 =	simm.s32 $0x108;
	s8 =	sld [smem:$0x3F97]  }
0x2e: {  	s3 =	simm.s32 @!p0 $0x1082;
	s9 =	sld [smem:$0x3F98]  }
0x2f: {  	lr =	sadd.s32 s0, s3;
	s0 =	sld [smem:$0x3F8F]  }
0x30: {  	s3 =	sld [smem:$0x3F92]  }
0x31: {  	[smem:$0x3F9B] =	sst s10  }
0x32: {  	s10 =	sld [smem:$0x3F99];
	_ =	sdelay $0x3  }
0x33: {  	p0 =	seq.s32 s10, $0x1;
	s10 =	sld [smem:$0x3F9B];
	_ =	sdelay $0x3  }
0x34: {  	[smem:$0x3F9B] =	sst s10  }
0x35: {  	s10 =	sld [smem:$0x3F9A];
	_ =	sdelay $0x3  }
0x36: {  	p1 =	seq.s32 s10, $0x1;
	s10 =	sld [smem:$0x3F9B];
	_ =	sdelay $0x3  }
0x37: {  	[smem:$0x3F9B] =	sst s10  }
0x38: {  	s10 =	sld [smem:$0x3F9C]  }
0x39: {  	_ = 	snop;
	(pc) =	sbr.ind lr, $3  }
0x3a: {  	_ = 	snop  }
0x3b: {  	_ = 	snop  }
0x3c: {  	p2 =	seq.s32 s10, $0x1;
	s10 =	sld [smem:$0x3F9B]  }
0x3d: {  	_ =	shalt  }
0x3e: {  	_ =	shalt  }
0x3f: {  	_ =	shalt  }
0x40: {  	_ =	shalt  }
0x41: {  	_ =	shalt  }
0x42: {  	_ =	shalt  }
0x43: {  	_ =	shalt  }
0x44: {  	_ =	shalt  }
0x45: {  	_ =	shalt  }
0x46: {  	_ =	shalt  }
0x47: {  	_ =	shalt  }
0x48: {  	_ =	shalt  }
0x49: {  	_ =	shalt  }
0x4a: {  	_ =	shalt  }
0x4b: {  	_ =	shalt  }
0x4c: {  	_ =	shalt  }
0x4d: {  	_ =	shalt  }
0x4e: {  	_ =	shalt  }
0x4f: {  	_ =	shalt  }
0x50: {  	_ =	shalt  }
0x51: {  	_ =	shalt  }
0x52: {  	_ =	shalt  }
0x53: {  	_ =	shalt  }
0x54: {  	_ =	shalt  }
0x55: {  	_ =	shalt  }
0x56: {  	_ =	shalt  }
0x57: {  	_ =	shalt  }
0x58: {  	_ =	shalt  }
0x59: {  	_ =	shalt  }
0x5a: {  	_ =	shalt  }
0x5b: {  	_ =	shalt  }
0x5c: {  	_ =	shalt  }
0x5d: {  	_ =	shalt  }
0x5e: {  	_ =	shalt  }
0x5f: {  	_ =	shalt  }
0x60: {  	_ =	shalt  }
0x61: {  	_ =	shalt  }
0x62: {  	_ =	shalt  }
0x63: {  	_ =	shalt  }
0x64: {  	_ =	shalt  }
0x65: {  	_ =	shalt  }
0x66: {  	_ =	shalt  }
0x67: {  	_ =	shalt  }
0x68: {  	_ =	shalt  }
0x69: {  	_ =	shalt  }
0x6a: {  	_ =	shalt  }
0x6b: {  	_ =	shalt  }
0x6c: {  	_ =	shalt  }
0x6d: {  	_ =	shalt  }
0x6e: {  	_ =	shalt  }
0x6f: {  	_ =	shalt  }
0x70: {  	_ =	shalt  }
0x71: {  	_ =	shalt  }
0x72: {  	_ =	shalt  }
0x73: {  	_ =	shalt  }
0x74: {  	_ =	shalt  }
0x75: {  	_ =	shalt  }
0x76: {  	_ =	shalt  }
0x77: {  	_ =	shalt  }
0x78: {  	_ =	shalt  }
0x79: {  	_ =	shalt  }
0x7a: {  	_ =	shalt  }
0x7b: {  	_ =	shalt  }
0x7c: {  	_ =	shalt  }
0x7d: {  	_ =	shalt  }
0x7e: {  	_ =	shalt  }
0x7f: {  	_ =	shalt  }
0x80: {  	_ =	shalt  }
0x81: {  	_ =	shalt  }
0x82: {  	_ =	shalt  }
0x83: {  	_ =	shalt  }
0x84: {  	_ =	shalt  }
0x85: {  	_ =	shalt  }
0x86: {  	_ =	shalt  }
0x87: {  	_ =	shalt  }
.Lfunc_end0:
.L_simem_size_0:
called_computation_lowered:
.L_overlay_start_0:
0x88: {  	s2 =	sld [smem:$0x3FD9]  }
0x89: {  	s3 =	sld [smem:$0x3FFE];
	_ =	sdelay $0x1  }
0x8a: {  	s1 =	srdreg.scid  }
0x8b: {  	s0 =	sand.u32 $0x1, s1  }
0x8c: {  	s15 =	sshll.u32 s0, $0xA;
	s2 =	sadd.s32 s3, s2  }
0x8d: {  	s2 =	sadd.s32 s2, s15  }
0x8e: {  	[smem:$0x3FA7] =	sst s2  }
0x8f: {  	_ = 	snop  }
0x90: {  	s2 =	sld [smem:$0x3FD0];
	_ =	sdelay $0x2  }
0x91: {  	s16 =	simm.s32 $0xB;
	s4 =	simm.s32 $0x10  }
0x92: {  	[smem:s4], [sflag:s16] =	dma.local [hbm:s2], $0x1  }
0x93: {  	_ =	swait.eq [sflag:s16], $0x1  }
0x94: {  	[sflag:s16] =	ssyncset.done $0x0  }
0x95: {  	[sflag:s16] =	ssyncadd.s32 $0xFFFFFFFF  }
0x96: {  	s17 =	sld [smem:$0x10];
	(tm) =	ssettm $0x1  }
0x97: {  	s18 =	sld [smem:$0x3FFB];
	_ =	sdelay $0x3  }
0x98: {  	_ =	strace s18  }
0x99: {  	s2 =	sld [smem:$0x3FFC];
	_ =	sdelay $0x3  }
0x9a: {  	_ =	strace s2  }
0x9b: {  	s2 =	sld [smem:$0x3FFD];
	_ =	sdelay $0x3  }
0x9c: {  	_ =	strace s2  }
0x9d: {  	_ =	strace $0x8FFFFFFF  }
0x9e: {  	s19 =	sld [smem:$0x3FDB];
	_ =	sdelay $0x1  }
0x9f: {  	s20 =	simm.s32 $_scs_section_size  }
0xa0: {  	s5 =	simm.s32 $_size__tile_overlayer_lowered;
	s6 =	simm.s32 $_tile_overlayer_lowered  }
0xa1: {  	s7 =	simm.s32 $0x1BFF;
	s21 =	sshll.u32 s6, $0x1;
	s4 =	sadd.s32 s20, s19  }
0xa2: {  	s22 =	simm.s32 $0x0;
	s5 =	sshll.u32 s5, $0x1;
	s6 =	sadd.s32 s21, s4  }
0xa3: {  	[timem:s22], [sflag:s7] =	dma.local [hbm:s6], s5  }
0xa4: {  	_ =	swait.ge [sflag:s7], s5  }
0xa5: {  	s5 =	ssub.s32 $0x0, s5;
	[sflag:s7] =	ssyncset.done $0x0  }
0xa6: {  	[sflag:s7] =	ssyncadd.s32 s5;
	_ =	sdelay $0x1  }
0xa7: {  	s23 =	simm.s32 $0x1B8B  }
0xa8: {  	_ =	swait.ge [sflag:s23], $0x1  }
0xa9: {  	[sflag:s23] =	ssyncset.done $0x0  }
0xaa: {  	[sflag:s23] =	ssyncadd.s32 $0xFFFFFFFF  }
0xab: {  	s5 =	sld [smem:$0x0]  }
0xac: {  	s6 =	sand.u32 $0xFFFFFFFE, s1  }
0xad: {  	p0 =	sne.s32 s1, s6  }
0xae: {  	s6 =	sshll.u32 @p0 s6, $0xE  }
0xaf: {  	s6 =	sadd.s32 @p0 $0x11B8D, s6;
	s7 =	sshll.u32 @p0 s5, $0x11  }
0xb0: {  	s6 =	sor.u32 @p0 s7, s6  }
0xb1: {  	[sflag:s6] =	ssyncadd.remote.s32 @p0 $0x1;
	_ =	sdelay $0x1  }
0xb2: {  	s6 =	simm.s32 @p0 $0x1B8D  }
0xb3: {  	_ =	swait.eq @p0 [sflag:s6], $0x1  }
0xb4: {  	[sflag:s6] =	ssyncadd.s32 @p0 $0xFFFFFFFF  }
0xb5: {  	s7 =	sshll.u32 @!p0 s1, $0xE  }
0xb6: {  	s7 =	sor.u32 @!p0 $0x4000, s7;
	s6 =	simm.s32 @!p0 $0x1B8D  }
0xb7: {  	s8 =	sshll.u32 @!p0 s5, $0x11;
	s7 =	sadd.s32 @!p0 $0x11B8D, s7;
	_ =	swait.eq @!p0 [sflag:s6], $0x1  }
0xb8: {  	[sflag:s6] =	ssyncadd.s32 @!p0 $0xFFFFFFFF;
	s6 =	sor.u32 @!p0 s8, s7  }
0xb9: {  	s25 =	simm.s32 $0x1B8E;
	s24 =	sld [smem:$0x3FFE];
	[sflag:s6] =	ssyncadd.remote.s32 @!p0 $0x1  }
0xba: {  	s26 =	simm.s32 $execute0_lowered;
	[smem:$0x3FD2] =	sst s25  }
0xbb: {  	s7 =	sshll.u32 s26, $0x1;
	_ =	strace $0x80000055;
	[dreg:$0x1] =	wrdreg $0xFFFFFFFF  }
0xbc: {  	s28 =	simm.s32 $_size_execute0_lowered;
	s4 =	sadd.s32 s4, s7;
	[dreg:$0x0] =	wrdreg $0x0  }
0xbd: {  	s7 =	sshll.u32 s28, $0x1;
	[dreg:$0x2] =	wrdreg s4  }
0xbe: {  	[dreg:$0x3] =	wrdreg s7  }
0xbf: {  	[dreg:$0x4] =	wrdreg $0xC0  }
0xc0: {  	_ =	task [dreg:s22], $0x5FFFF  }
0xc1: {  	[dreg:$0x1] =	wrdreg $0xFFFFFFFF  }
0xc2: {  	[dreg:$0x0] =	wrdreg $0x60  }
0xc3: {  	[dreg:$0x2] =	wrdreg s17  }
0xc4: {  	[dreg:$0x3] =	wrdreg s24  }
0xc5: {  	[dreg:$0x4] =	wrdreg s1  }
0xc6: {  	[dreg:$0x5] =	wrdreg s5  }
0xc7: {  	[dreg:$0x6] =	wrdreg $0x9  }
0xc8: {  	_ =	task.clear_ibuf [dreg:s22], $0x7FFFF;
	_ =	strace $0x90000055  }
0xc9: {  	s29 =	simm.s32 $0x9;
	_ =	strace $0x80000057  }
0xca: {  	_ =	swait.ge [sflag:s29], $0x1  }
0xcb: {  	[sflag:s29] =	ssyncadd.s32 $0xFFFFFFFF  }
0xcc: {  	_ =	strace $0x90000057  }
0xcd: {  	_ =	sfence  }
0xce: {  	s30 =	sld [smem:$0x0];
	_ =	sdelay $0x2  }
0xcf: {  	s31 =	sshll.u32 s1, $0xD;
	s1 =	sshrl.u32 s1, $0x2  }
0xd0: {  	s4 =	sand.u32 $0x4000, s31;
	s1 =	sadd.s32 s1, s30  }
0xd1: {  	s0 =	sor.u32 s4, s0;
	s1 =	sshll.u32 s1, $0x11  }
0xd2: {  	s0 =	sor.u32 s1, s0  }
0xd3: {  	s0 =	sadd.s32 $0x8F2B, s0  }
0xd4: {  	[sflag:s0] =	ssyncadd.remote.s32 $0x1  }
0xd5: {  	_ =	sfence.sel $0xFFFF  }
0xd6: {  	[dreg:$0x0] =	wrdreg $0xFFFFFFFF;
	(pc) =	sbr.abs _section_cstart, $3  }
0xd7: {  	[dreg:$0x1] =	wrdreg $0xFFFFFFFF  }
0xd8: {  	_ =	task.clear_ibuf [dreg:s22], $0x2FFFF;
	_ =	strace $0x9FFFFFFF  }
0xd9: {  	(tm) =	ssettm $0x7FFFFFFF  }
tec
execute0_lowered:
.L_overlay_start_1:
0x0: {  	(tag) =	ssettag $0x1  }
0x1: {  	s1 =	rddreg [dreg:$0x0]  }
0x2: {  	s2 =	rddreg [dreg:$0x1]  }
0x3: {  	s3 =	rddreg [dreg:$0x2];
	_ =	strace $0x80000056;
	s0 =	simm.s32 $0x1  }
0x4: {  	v0 =	vimm.s32 $0x0;
	[sflag:s0] =	ssyncpa.u1 $0x0;
	s0 =	simm.s32 $0x108  }
0x5: {  	[tilespmem:s0+$0x70] =	vst v0  }
0x6: {  	[tilespmem:s0+$0x60] =	vst v0  }
0x7: {  	[tilespmem:s0+$0x50] =	vst v0  }
0x8: {  	[tilespmem:s0+$0x40] =	vst v0  }
0x9: {  	[tilespmem:s0+$0x30] =	vst v0  }
0xa: {  	s15 =	sadd.s32 $0x6E00, s2;
	s6 =	sadd.s32 $0x32D7E00, s2;
	[tilespmem:s0+$0x20] =	vst v0  }
0xb: {  	s14 =	sadd.s32 $0x10C00, s2;
	s5 =	sand.u32 $0x1, s3;
	s3 =	simm.s32 $0x40;
	[tilespmem:s0+$0x10] =	vst v0  }
.LBB2_1:
0xc: {  	s3 =	sadd.s32 $0x40, s3;
	[tilespmem:s0+$0x0] =	vst v0;
	s0 =	sadd.s32 $0x80, s0  }
0xd: {  	p0 =	slt.u32 s3, $0x3C40;
	[tilespmem:s0+$0x70] =	vst v0  }
0xe: {  	[tilespmem:s0+$0x60] =	vst v0  }
.Ltmp0:
0xf: {  	[tilespmem:s0+$0x50] =	vst v0;
	(pc) =	sbr.rel @p0 .LBB2_1-.Ltmp0, $4  }
0x10: {  	[tilespmem:s0+$0x40] =	vst v0  }
0x11: {  	[tilespmem:s0+$0x30] =	vst v0  }
0x12: {  	[tilespmem:s0+$0x20] =	vst v0  }
0x13: {  	[tilespmem:s0+$0x10] =	vst v0  }
0x14: {  	s9 =	stileid.u32  }
0x15: {  	s2 =	smul.u32 $0x29, s9  }
0x16: {  	s3 =	smin.u32 s9, $0xB  }
0x17: {  	s2 =	sadd.s32 s3, s2  }
0x18: {  	p0 =	slt.u32 s9, $0xB;
	s7 =	smul.u32 $0xF0, s2;
	s2 =	simm.s32 $0x2760  }
0x19: {  	s2 =	simm.s32 @!p0 $0x2670  }
0x1a: {  	s2 =	sadd.s32 s2, s7  }
0x1b: {  	s8 =	smin.u32 s2, $0x27100  }
0x1c: {  	s2 =	ssub.s32 s8, s7  }
0x1d: {  	p0 =	sgt.s32 s2, $0x0  }
0x1e: {  	s29 =	simm.s32 $0x2;
	s10 =	simm.s32 $0x9;
	s2 =	simm.s32 @!p0 $0x0  }
0x1f: {  	s4 =	simm.s32 $0xA;
	s11 =	simm.s32 $0xB;
	s28 =	smulhi.u32 $0x88888889, s2  }
0x20: {  	[dreg:$0x5] =	wrdreg s5;
	s31 =	smul.u32 $0x4E20, s5;
	s12 =	simm.s32 $0x1  }
0x21: {  	s22 =	simm.s32 $0x0;
	s18 =	simm.s32 $0xC;
	s30 =	sshrl.u32 s28, $0x7  }
0x22: {  	s20 =	simm.s32 $0x0;
	s21 =	simm.s32 $0x0;
	s3 =	smul.u32 $0xF0, s30  }
.Ltmp1:
0x23: {  	[tilespmem:s0+$0x0] =	vst v0;
	v0 =	vimm.s32 $0xFFFFFFFF;
	[sflag:s29] =	ssyncpa.u1 $0x0;
	s16 =	sshll.u32 s9, $0x8;
	(pc) =	sbr.rel .LBB2_3-.Ltmp1, $4  }
0x24: {  	[tilespmem:$0xF208] =	vst v0;
	[sflag:s10] =	ssyncpa.u1 $0x0;
	p0 =	sne.s32 s2, s3;
	s2 =	simm.s32 $0x1  }
0x25: {  	s14 =	sadd.s32 s31, s14;
	[sflag:s4] =	ssyncpa.u1 $0x0;
	s2 =	simm.s32 @!p0 $0x0  }
0x26: {  	s15 =	sadd.s32 s31, s15;
	[sflag:s11] =	ssyncpa.u1 $0x0;
	s13 =	sadd.s32 s2, s30  }
0x27: {  	v0 =	vlaneseq.u32;
	s19 =	smov.u32 s7;
	p0 =	por $0x0, $0x0;
	s17 =	sadd.s32 $0x1, s13  }
.LBB2_18:
0x28: {  	s0 =	sshrl.u32 s31, $0x2  }
.LBB2_20:
0x29: {  	_ =	swait.ge [sflag:s18], s0  }
0x2a: {  	s31 =	ssub.s32 $0x0, s0;
	v1 =	vmov s24;
	vm0 =	veq.s32 v0, $0x0;
	[sflag:s18] =	ssyncset.done $0x0  }
0x2b: {  	vm15 =	veq.s32 v0, $0x2;
	v1 =	vsel vm0, s30, v1;
	[sflag:s18] =	ssyncadd.s32 s31  }
0x2c: {  	v1 =	vsel vm15, s22, v1;
	[sflag:s18] =	ssyncpa.u1 $0x1  }
0x2d: {  	[tilespmem:$0xF208] =	vst v1  }
.LBB2_21:
0x2e: {  	s0 =	sadd.s32 $0xF0, s19  }
0x2f: {  	s2 =	smov.u32 s7;
	p1 =	slt.s32 s0, s8  }
0x30: {  	s2 =	smov.u32 @p1 s0;
	p1 =	sne.s32 s21, s17  }
.Ltmp2:
0x31: {  	_ = 	snop;
	(pc) =	sbr.rel @!p1 .LBB2_22-.Ltmp2, $3  }
0x32: {  	_ =	sdelay $0x1  }
0x33: {  	s22 =	smov.u32 s20;
	s31 =	sadd.s32 $0x1, s21;
	s20 =	smov.u32 s19  }
0x34: {  	p0 =	por !p0, !p0;
	s21 =	smov.u32 s31;
	s19 =	smov.u32 s2  }
.LBB2_3:
0x35: {  	p1 =	sge.u32 s21, s13  }
0x36: {  	s0 =	smulhi.u32 @!p1 $0xAAAAAAAB, s21  }
0x37: {  	s2 =	smov.u32 s19;
	p2 =	sgt.s32 @!p1 s19, $0x27010  }
0x38: {  	s3 =	sshra.s32 @!p1 s19, $0x1F;
	p2 =	por !p2, p1;
	s0 =	sshrl.u32 @!p1 s0, $0x1  }
0x39: {  	s3 =	sand.u32 @!p1 s3, s19;
	s2 =	simm.s32 @p2 $0x27010;
	s0 =	smul.u32 @!p1 $0x3, s0  }
0x3a: {  	s2 =	ssub.s32 @!p1 s2, s3  }
0x3b: {  	s2 =	sadd.s32 @!p1 $0xFFFD8FF0, s2;
	s0 =	ssub.s32 @!p1 s21, s0  }
0x3c: {  	s3 =	sshll.u32 @!p1 s2, $0x2;
	p2 =	sgt.s32 @!p1 s2, $0xEF;
	s0 =	smul.u32 @!p1 $0x3C0, s0  }
0x3d: {  	s4 =	sand.u32 @!p1 $0x7, s19;
	s2 =	ssub.s32 @!p1 $0x3C0, s3;
	p2 =	por !p2, p1  }
0x3e: {  	s3 =	sshrl.u32 @!p1 s19, $0x3;
	s2 =	sshrl.u32 @!p1 s2, $0x2;
	s0 =	sshrl.u32 @!p1 s0, $0x2  }
0x3f: {  	s3 =	sadd.s32 @!p1 s3, s14;
	s2 =	simm.s32 @!p2 $0x0;
	s0 =	sadd.s32 @!p1 $0x10248, s0  }
0x40: {  	[tilespmem:s0], [sflag:$0xA] =	stream.linear.gather @!p1 [hbm4b:s3+s4], s2, $0x38;
	[tilespmem:$0x1F6F8] =	vst v63  }
0x41: {  	s0 =	sadd.s32 $0xFFFFFFFF, s21  }
0x42: {  	p1 =	sge.u32 s0, s13  }
0x43: {  	p2 =	sgt.s32 @!p1 s20, $0x27010  }
0x44: {  	s2 =	smov.u32 s20;
	s3 =	sshra.s32 @!p1 s20, $0x1F;
	p2 =	por !p2, p1  }
0x45: {  	s3 =	sand.u32 @!p1 s3, s20;
	s2 =	simm.s32 @p2 $0x27010  }
0x46: {  	s2 =	ssub.s32 @!p1 s2, s3  }
0x47: {  	s2 =	sadd.s32 @!p1 $0xFFFD8FF0, s2  }
0x48: {  	s4 =	sand.u32 @!p1 $0x1, s0;
	s3 =	sshll.u32 @!p1 s2, $0x2  }
0x49: {  	p2 =	sgt.s32 @!p1 s2, $0xEF;
	s2 =	ssub.s32 @!p1 $0x3C0, s3;
	s3 =	smulhi.u32 @!p1 $0xAAAAAAAB, s0  }
0x4a: {  	s23 =	smul.u32 @!p1 $0x3C0, s4;
	p2 =	por !p2, p1;
	s2 =	sshrl.u32 @!p1 s2, $0x2  }
0x4b: {  	s5 =	simm.s32 @!p1 $0xA;
	s2 =	simm.s32 @!p2 $0x0;
	s3 =	sshrl.u32 @!p1 s3, $0x1  }
0x4c: {  	s23 =	sshrl.u32 @!p1 s23, $0x2;
	_ =	swait.ge @!p1 [sflag:s5], s2;
	s3 =	smul.u32 @!p1 $0x3, s3  }
0x4d: {  	s23 =	sadd.s32 @!p1 $0x10518, s23;
	s24 =	ssub.s32 @!p1 $0x0, s2;
	[sflag:s5] =	ssyncset.done @!p1 $0x0  }
0x4e: {  	[sflag:s5] =	ssyncadd.s32 @!p1 s24;
	s5 =	sshrl.u32 @!p1 s20, $0x3;
	s0 =	ssub.s32 @!p1 s0, s3  }
0x4f: {  	s24 =	sand.u32 @!p1 $0x7, s20;
	s5 =	sadd.s32 @!p1 s5, s15;
	s0 =	smul.u32 @!p1 $0x3C0, s0  }
0x50: {  	[tilespmem:s23], [sflag:$0xB] =	stream.linear.gather @!p1 [hbm4b:s5+s24], s2, $0x38;
	[tilespmem:$0x1F6F8] =	vst v63  }
0x51: {  	s3 =	ssub.s32 @!p1 $0x27100, s20;
	s2 =	smul.u32 @!p1 $0x1E000, s4  }
0x52: {  	p2 =	slt.s32 @!p1 s3, $0xF0  }
0x53: {  	p2 =	por !p2, p1;
	s0 =	sshrl.u32 @!p1 s0, $0x2;
	s2 =	sshrl.u32 @!p1 s2, $0x2  }
0x54: {  	s3 =	simm.s32 @p2 $0xF0;
	s0 =	sadd.s32 @!p1 $0x10248, s0;
	s2 =	sor.u32 @!p1 $0x106F8, s2  }
0x55: {  	[tilespmem:s2], [sflag:$0x9] =	stream.indirect.gather @!p1 [hbm4b:s6+s3], $0x80, s0, s3, $0xb8;
	[tilespmem:$0x1F6F8] =	vst v63  }
0x56: {  	p1 =	slt.u32 s21, $0x2  }
.Ltmp3:
0x57: {  	_ = 	snop;
	(pc) =	sbr.rel @p1 .LBB2_21-.Ltmp3, $1  }
0x58: {  	_ =	sdelay $0x3  }
0x59: {  	p1 =	sgt.s32 s22, $0x27010  }
0x5a: {  	s0 =	smov.u32 s22;
	s2 =	sshra.s32 s22, $0x1F;
	s3 =	ssub.s32 $0x27100, s22  }
0x5b: {  	s0 =	simm.s32 @!p1 $0x27010;
	s2 =	sand.u32 s2, s22;
	p1 =	slt.s32 s3, $0xF0  }
0x5c: {  	s0 =	ssub.s32 s0, s2;
	s3 =	simm.s32 @!p1 $0xF0  }
0x5d: {  	s0 =	sadd.s32 $0xFFFD8FF0, s0;
	s25 =	sshll.u32 s3, $0x7  }
0x5e: {  	s26 =	sshll.u32 s0, $0x2;
	s2 =	sand.u32 $0x3FFFFF80, s25  }
0x5f: {  	p1 =	sgt.s32 s0, $0xEF;
	s29 =	ssub.s32 $0x3C0, s26;
	_ =	swait.ge [sflag:s10], s2  }
0x60: {  	s2 =	ssub.s32 $0x0, s2;
	[sflag:s10] =	ssyncset.done $0x0;
	s0 =	sshrl.u32 s29, $0x2  }
0x61: {  	[sflag:s10] =	ssyncadd.s32 s2;
	s0 =	simm.s32 @p1 $0x0  }
0x62: {  	_ =	swait.ge [sflag:s11], s0  }
0x63: {  	s0 =	ssub.s32 $0x0, s0;
	[sflag:s11] =	ssyncset.done $0x0  }
0x64: {  	[sflag:s11] =	ssyncadd.s32 s0  }
0x65: {  	v1 =	vld [tilespmem:$0xF208];
	_ =	sdelay $0x4  }
0x66: {  	(v2sf) =	vpush v1, $0x0  }
0x67: {  	(v2sf) =	vpush v1, $0x1  }
0x68: {  	(v2sf) =	vpush v1, $0x2;
	_ =	sdelay $0x3  }
0x69: {  	s0 =	sadd.s32 $0xF0, s22  }
0x6a: {  	s2 =	ssub.s32 $0x4E200, s22;
	p1 =	slt.s32 s8, s0  }
0x6b: {  	s0 =	smov.u32 @p1 s8;
	p1 =	sgt.s32 s2, $0x0  }
0x6c: {  	s26 =	ssub.s32 s0, s22;
	s2 =	simm.s32 @!p1 $0x0  }
0x6d: {  	p1 =	slt.s32 s2, s26  }
0x6e: {  	s26 =	smov.u32 @p1 s2  }
0x6f: {  	s25 =	simm.s32 $0x1;
	p1 =	slt.s32 s26, $0x1  }
.Ltmp4:
0x70: {  	s25 =	simm.s32 @!p0 $0x0;
	(pc) =	sbr.rel @p1 .LBB2_8-.Ltmp4, $4  }
0x71: {  	s31 =	smul.u32 $0x3C0, s25  }
0x72: {  	s28 =	spop (v2sf)  }
0x73: {  	s0 =	sshrl.u32 s31, $0x2;
	s30 =	spop (v2sf)  }
0x74: {  	s23 =	sadd.s32 $0x10518, s0;
	s22 =	spop (v2sf)  }
0x75: {  	s0 =	smin.u32 s26, $0x10  }
0x76: {  	v1 =	vmov s0  }
0x77: {  	p2 =	sgt.s32 s26, $0x10;
	vm1 =	vgt.u32 v1, v0  }
.Ltmp5:
0x78: {  	_ = 	snop;
	(pc) =	sbr.rel @!p2 .LBB2_7-.Ltmp5, $2  }
0x79: {  	_ =	sdelay $0x2  }
0x7a: {  	s4 =	simm.s32 $0x10;
	s24 =	sadd.s32 $0xFFFFFFF0, s26;
	s0 =	smov.u32 s23;
	vm0 =	vmmov vm1  }
.LBB2_6:
0x7b: {  	s2 =	smin.u32 s24, $0x10;
	s4 =	sadd.s32 $0x10, s4;
	v1 =	vld.msk [tilespmem:s0+$0x0 ss:$0x1], vm1  }
0x7c: {  	v2 =	vmov s2;
	p2 =	slt.s32 s4, s26  }
0x7d: {  	vm1 =	vgt.u32 v2, v0  }
.Ltmp6:
0x7e: {  	(pc) =	sbr.rel @p2 .LBB2_6-.Ltmp6, $3  }
0x7f: {  	_ =	sdelay $0x1  }
0x80: {  	v1 =	vshll.u32 v1, $0x4  }
0x81: {  	s24 =	sadd.s32 $0xFFFFFFF0, s24;
	[tilespmem:s0+$0x0] =	vst.msk vm0, v1;
	s0 =	sadd.s32 $0x10, s0;
	vm0 =	vmmov vm1  }
.LBB2_7:
0x82: {  	_ =	sdelay $0x4  }
0x83: {  	v1 =	vld.msk [tilespmem:s0+$0x0 ss:$0x1], vm1;
	_ =	sdelay $0x4  }
0x84: {  	v1 =	vshll.u32 v1, $0x4  }
0x85: {  	[tilespmem:s0+$0x0] =	vst.msk vm0, v1  }
.LBB2_8:
0x86: {  	s0 =	sand.u32 $0x1, s21  }
0x87: {  	s2 =	smul.u32 $0x7800, s0  }
0x88: {  	p2 =	sne.s32 s30, $0xFFFFFFFF  }
0x89: {  	v1 =	vld @!p2 [tilespmem:s2+$0x106F8];
	_ =	sdelay $0x2  }
0x8a: {  	s0 =	smul.u32 $0xF0, s0;
	_ =	sdelay $0x1  }
0x8b: {  	v2 =	vld.msk @!p2 [tilespmem:s0+$0x10518], $0x1;
	[tilespmem:$0x108] =	vst @!p2 v1  }
0x8c: {  	v1 =	vld @!p2 [tilespmem:s2+$0x10708];
	_ =	sdelay $0x4  }
0x8d: {  	[tilespmem:$0x118] =	vst @!p2 v1  }
0x8e: {  	v1 =	vld @!p2 [tilespmem:s2+$0x10718];
	_ =	sdelay $0x4  }
0x8f: {  	[tilespmem:$0x128] =	vst @!p2 v1  }
0x90: {  	v1 =	vld @!p2 [tilespmem:s2+$0x10728];
	_ =	sdelay $0x4  }
0x91: {  	[tilespmem:$0x138] =	vst @!p2 v1  }
0x92: {  	v1 =	vld @!p2 [tilespmem:s2+$0x10738];
	_ =	sdelay $0x4  }
0x93: {  	[tilespmem:$0x148] =	vst @!p2 v1  }
0x94: {  	(v2sf) =	vpush @!p2 v2, $0x0;
	v1 =	vld @!p2 [tilespmem:s2+$0x10748];
	_ =	sdelay $0x4  }
0x95: {  	[tilespmem:$0x158] =	vst @!p2 v1  }
0x96: {  	v1 =	vld @!p2 [tilespmem:s2+$0x10758];
	_ =	sdelay $0x4  }
0x97: {  	[tilespmem:$0x168] =	vst @!p2 v1  }
0x98: {  	v1 =	vld @!p2 [tilespmem:s2+$0x10768]  }
.Ltmp7:
0x99: {  	_ = 	snop;
	(pc) =	sbr.rel @p1 .LBB2_19-.Ltmp7, $4  }
0x9a: {  	_ = 	snop  }
0x9b: {  	s29 =	spop @!p2 (v2sf)  }
0x9c: {  	s22 =	simm.s32 @!p2 $0x0;
	s24 =	smov.u32 s29  }
0x9d: {  	s29 =	smov.u32 @p2 s28;
	s24 =	smov.u32 @p2 s30;
	[tilespmem:$0x178] =	vst @!p2 v1;
	[sflag:s18] =	ssyncpa.u1 $0x0  }
0x9e: {  	v1 =	vld.msk [tilespmem:s23+$0x0], $0x1;
	_ =	sdelay $0x4  }
0x9f: {  	(v2sf) =	vpush v1, $0x0;
	_ =	sdelay $0xe  }
0xa0: {  	s2 =	smul.u32 $0x1E000, s25;
	s0 =	spop (v2sf)  }
0xa1: {  	s26 =	ssub.s32 $0x0, s26;
	p1 =	seq.s32 s29, s0  }
0xa2: {  	s30 =	sadd.s32 $0x1, s26;
	s2 =	sshrl.u32 s2, $0x2;
	p2 =	sgt.s32 @!p1 s29, $0x0  }
0xa3: {  	s25 =	sor.u32 $0x10738, s2;
	s2 =	smov.u32 s29;
	p2 =	por !p2, p1  }
0xa4: {  	s2 =	simm.s32 @p2 $0x0;
	p2 =	seq.s32 s30, $0x0  }
.Ltmp8:
0xa5: {  	_ = 	snop;
	(pc) =	sbr.rel @p2 .LBB2_11-.Ltmp8, $4  }
0xa6: {  	_ = 	snop  }
0xa7: {  	s28 =	simm.s32 $0x0;
	s31 =	sadd.s32 $0x1, s23;
	s2 =	smin.u32 @!p1 s2, $0x270F0  }
0xa8: {  	s4 =	simm.s32 @!p1 $0x1;
	s5 =	simm.s32 @!p1 $0x7988;
	s3 =	sand.u32 @!p1 $0x3FFF8, s2  }
0xa9: {  	s4 =	smov.u32 @p1 s28;
	s2 =	sand.u32 @!p1 $0x7, s2;
	s3 =	sadd.s32 @!p1 s1, s3  }
.LBB2_10:
0xaa: {  	s9 =	smov.u32 s4  }
0xab: {  	[tilespmem:s5], [sflag:$0x2] =	stream.linear.gather @!p1 [hbm4b:s3+s2], $0x80, $0x38;
	[tilespmem:$0x1F6F8] =	vst v63  }
0xac: {  	s30 =	sadd.s32 $0x1, s30;
	s2 =	smov.u32 s0;
	v1 =	vld.msk [tilespmem:s31+$0x0], $0x1  }
0xad: {  	p2 =	seq.s32 s30, $0x0;
	_ =	sdelay $0x3  }
0xae: {  	(v2sf) =	vpush v1, $0x0;
	_ =	sdelay $0xe  }
0xaf: {  	s0 =	spop (v2sf)  }
0xb0: {  	p1 =	seq.s32 s2, s0  }
0xb1: {  	p3 =	sgt.s32 @!p1 s2, $0x0;
	s3 =	sshll.u32 @!p1 s4, $0x9;
	s4 =	sadd.s32 @!p1 $0x1, s4  }
.Ltmp9:
0xb2: {  	p3 =	por !p3, p1;
	s3 =	sshra.s32 @!p1 s3, $0x2;
	(pc) =	sbr.rel @!p2 .LBB2_10-.Ltmp9, $4  }
0xb3: {  	s4 =	smov.u32 @p1 s9;
	s2 =	simm.s32 @p3 $0x0;
	s5 =	sadd.s32 @!p1 $0x7988, s3  }
0xb4: {  	s2 =	smin.u32 @!p1 s2, $0x270F0  }
0xb5: {  	s3 =	sand.u32 @!p1 $0x3FFF8, s2;
	s2 =	sand.u32 @!p1 $0x7, s2  }
0xb6: {  	s31 =	sadd.s32 $0x1, s31;
	s3 =	sadd.s32 @!p1 s1, s3  }
.LBB2_11:
0xb7: {  	[tilespmem:s5], [sflag:$0x2] =	stream.linear.gather @!p1 [hbm4b:s3+s2], $0x80, $0x38;
	[tilespmem:$0x1F6F8] =	vst v63  }
.Ltmp10:
0xb8: {  	s0 =	sshll.u32 s4, $0x7;
	(pc) =	sbr.rel .LBB2_12-.Ltmp10, $4  }
0xb9: {  	s30 =	simm.s32 $0x2;
	s0 =	sand.u32 $0x3FFFFF80, s0  }
0xba: {  	_ =	swait.ge [sflag:s30], s0  }
0xbb: {  	s0 =	ssub.s32 $0x0, s0;
	[sflag:s30] =	ssyncset.done $0x0  }
0xbc: {  	s31 =	simm.s32 $0x0;
	[sflag:s30] =	ssyncadd.s32 s0  }
.LBB2_13:
0xbd: {  	s0 =	sshra.s32 s0, $0x2;
	v1 =	vld [tilespmem:s25+$0xFFFFFFC0]  }
0xbe: {  	v2 =	vld [tilespmem:s0+$0x108];
	_ =	sdelay $0x4  }
0xbf: {  	v1 =	vmax.f32 v1, v2  }
0xc0: {  	v2 =	vld [tilespmem:s0+$0x118];
	[tilespmem:s0+$0x108] =	vst v1  }
0xc1: {  	v1 =	vld [tilespmem:s25+$0xFFFFFFD0];
	_ =	sdelay $0x4  }
0xc2: {  	v1 =	vmax.f32 v1, v2  }
0xc3: {  	v2 =	vld [tilespmem:s0+$0x128];
	[tilespmem:s0+$0x118] =	vst v1  }
0xc4: {  	v1 =	vld [tilespmem:s25+$0xFFFFFFE0];
	_ =	sdelay $0x4  }
0xc5: {  	v1 =	vmax.f32 v1, v2  }
0xc6: {  	v2 =	vld [tilespmem:s0+$0x138];
	[tilespmem:s0+$0x128] =	vst v1  }
0xc7: {  	v1 =	vld [tilespmem:s25+$0xFFFFFFF0];
	_ =	sdelay $0x4  }
0xc8: {  	v1 =	vmax.f32 v1, v2  }
0xc9: {  	v2 =	vld [tilespmem:s0+$0x148];
	[tilespmem:s0+$0x138] =	vst v1  }
0xca: {  	v1 =	vld [tilespmem:s25+$0x0];
	_ =	sdelay $0x4  }
0xcb: {  	v1 =	vmax.f32 v1, v2  }
0xcc: {  	v2 =	vld [tilespmem:s0+$0x158];
	[tilespmem:s0+$0x148] =	vst v1  }
0xcd: {  	v1 =	vld [tilespmem:s25+$0x10];
	_ =	sdelay $0x4  }
0xce: {  	v1 =	vmax.f32 v1, v2  }
0xcf: {  	v2 =	vld [tilespmem:s0+$0x168];
	[tilespmem:s0+$0x158] =	vst v1  }
0xd0: {  	v1 =	vld [tilespmem:s25+$0x20];
	_ =	sdelay $0x4  }
0xd1: {  	v1 =	vmax.f32 v1, v2  }
0xd2: {  	v2 =	vld [tilespmem:s0+$0x178];
	[tilespmem:s0+$0x168] =	vst v1  }
0xd3: {  	v1 =	vld [tilespmem:s25+$0x30];
	_ =	sdelay $0x4  }
0xd4: {  	v1 =	vmax.f32 v1, v2  }
0xd5: {  	[tilespmem:s0+$0x178] =	vst v1  }
.LBB2_17:
0xd6: {  	s26 =	sadd.s32 $0x1, s26  }
0xd7: {  	p1 =	seq.s32 s26, $0x0  }
.Ltmp11:
0xd8: {  	_ = 	snop;
	(pc) =	sbr.rel @p1 .LBB2_18-.Ltmp11, $2  }
0xd9: {  	_ =	sdelay $0x2  }
0xda: {  	s23 =	sadd.s32 $0x1, s23;
	s25 =	sadd.s32 $0x80, s25;
	s29 =	smov.u32 s30  }
.LBB2_12:
0xdb: {  	v1 =	vld.msk [tilespmem:s23+$0x0], $0x1;
	_ =	sdelay $0x4  }
0xdc: {  	(v2sf) =	vpush v1, $0x0;
	_ =	sdelay $0xe  }
0xdd: {  	s30 =	spop (v2sf)  }
0xde: {  	p1 =	sne.s32 s29, s30  }
.Ltmp12:
0xdf: {  	_ = 	snop;
	(pc) =	sbr.rel @!p1 .LBB2_13-.Ltmp12, $2  }
0xe0: {  	_ =	sdelay $0x2  }
0xe1: {  	s0 =	sshll.u32 s22, $0x9  }
0xe2: {  	p1 =	seq.s32 s29, s24  }
.Ltmp13:
0xe3: {  	_ = 	snop;
	(pc) =	sbr.rel @!p1 .LBB2_15-.Ltmp13, $1  }
0xe4: {  	_ =	sdelay $0x3  }
0xe5: {  	s0 =	sshra.s32 s0, $0x2  }
.Ltmp14:
0xe6: {  	s0 =	sadd.s32 $0x108, s0;
	(pc) =	sbr.rel .LBB2_16-.Ltmp14, $4  }
0xe7: {  	[spmem:s16] =	stream.linear.scatter [tilespmem:s0], [sflag:$0x1], $0x80, $0x38;
	[tilespmem:$0x1F6F8] =	vst v63  }
0xe8: {  	_ =	swait.ge [sflag:s12], $0x80  }
0xe9: {  	[sflag:s12] =	ssyncset.done $0x0  }
0xea: {  	[sflag:s12] =	ssyncadd.s32 $0xFFFFFF80  }
.LBB2_15:
0xeb: {  	s2 =	sshll.u32 s28, $0x9;
	s0 =	sshra.s32 s0, $0x2  }
0xec: {  	s2 =	sshra.s32 s2, $0x2;
	v2 =	vld [tilespmem:s0+$0x108]  }
0xed: {  	v1 =	vld [tilespmem:s2+$0x7988];
	_ =	sdelay $0x4  }
0xee: {  	v1 =	vmax.f32 v1, v2  }
0xef: {  	v2 =	vld [tilespmem:s0+$0x118];
	[tilespmem:s0+$0x108] =	vst v1  }
0xf0: {  	v1 =	vld [tilespmem:s2+$0x7998];
	_ =	sdelay $0x4  }
0xf1: {  	v1 =	vmax.f32 v1, v2  }
0xf2: {  	v2 =	vld [tilespmem:s0+$0x128];
	[tilespmem:s0+$0x118] =	vst v1  }
0xf3: {  	v1 =	vld [tilespmem:s2+$0x79A8];
	_ =	sdelay $0x4  }
0xf4: {  	v1 =	vmax.f32 v1, v2  }
0xf5: {  	v2 =	vld [tilespmem:s0+$0x138];
	[tilespmem:s0+$0x128] =	vst v1  }
0xf6: {  	v1 =	vld [tilespmem:s2+$0x79B8];
	_ =	sdelay $0x4  }
0xf7: {  	v1 =	vmax.f32 v1, v2  }
0xf8: {  	v2 =	vld [tilespmem:s0+$0x148];
	[tilespmem:s0+$0x138] =	vst v1  }
0xf9: {  	v1 =	vld [tilespmem:s2+$0x79C8];
	_ =	sdelay $0x4  }
0xfa: {  	v1 =	vmax.f32 v1, v2  }
0xfb: {  	v2 =	vld [tilespmem:s0+$0x158];
	[tilespmem:s0+$0x148] =	vst v1  }
0xfc: {  	v1 =	vld [tilespmem:s2+$0x79D8];
	_ =	sdelay $0x4  }
0xfd: {  	v1 =	vmax.f32 v1, v2  }
0xfe: {  	v2 =	vld [tilespmem:s0+$0x168];
	[tilespmem:s0+$0x158] =	vst v1  }
0xff: {  	v1 =	vld [tilespmem:s2+$0x79E8];
	_ =	sdelay $0x4  }
0x100: {  	v1 =	vmax.f32 v1, v2  }
0x101: {  	v2 =	vld [tilespmem:s0+$0x178];
	[tilespmem:s0+$0x168] =	vst v1  }
0x102: {  	v1 =	vld [tilespmem:s2+$0x79F8];
	_ =	sdelay $0x3  }
0x103: {  	p1 =	sgt.u32 s29, $0x270F0  }
0x104: {  	s2 =	sand.u32 @!p1 $0x3FFF8, s29;
	v1 =	vmax.f32 v1, v2  }
0x105: {  	s3 =	sadd.s32 $0x108, s0;
	[tilespmem:s0+$0x178] =	vst v1;
	s0 =	sadd.s32 @!p1 s1, s2;
	s2 =	sand.u32 @!p1 $0x7, s29  }
0x106: {  	[hbm4b:s0+s2] =	stream.linear.scatter @!p1 [tilespmem:s3], [sflag:$0xC], $0x80, $0x38;
	[tilespmem:$0x1F6F8] =	vst v63  }
0x107: {  	s0 =	simm.s32 $0x0  }
0x108: {  	s0 =	simm.s32 @!p1 $0x200  }
0x109: {  	s31 =	sadd.s32 s0, s31  }
.LBB2_16:
0x10a: {  	s0 =	sadd.s32 $0x1, s22  }
0x10b: {  	s2 =	smulhi.u32 $0x88888889, s0;
	_ =	sdelay $0x1  }
0x10c: {  	v1 =	vld [tilespmem:s25+$0xFFFFFFC0];
	s2 =	sshrl.u32 s2, $0x7  }
0x10d: {  	s2 =	smul.u32 $0xF0, s2;
	_ =	sdelay $0x1  }
0x10e: {  	s22 =	ssub.s32 s0, s2  }
0x10f: {  	s0 =	sshll.u32 s22, $0x7  }
0x110: {  	[tilespmem:s0+$0x108] =	vst v1  }
0x111: {  	v1 =	vld [tilespmem:s25+$0xFFFFFFD0];
	_ =	sdelay $0x4  }
0x112: {  	[tilespmem:s0+$0x118] =	vst v1  }
0x113: {  	v1 =	vld [tilespmem:s25+$0xFFFFFFE0];
	_ =	sdelay $0x4  }
0x114: {  	[tilespmem:s0+$0x128] =	vst v1  }
0x115: {  	v1 =	vld [tilespmem:s25+$0xFFFFFFF0];
	_ =	sdelay $0x4  }
0x116: {  	[tilespmem:s0+$0x138] =	vst v1  }
0x117: {  	v1 =	vld [tilespmem:s25+$0x0];
	_ =	sdelay $0x4  }
0x118: {  	[tilespmem:s0+$0x148] =	vst v1  }
0x119: {  	v1 =	vld [tilespmem:s25+$0x10];
	_ =	sdelay $0x4  }
0x11a: {  	[tilespmem:s0+$0x158] =	vst v1  }
0x11b: {  	v1 =	vld [tilespmem:s25+$0x20];
	_ =	sdelay $0x4  }
0x11c: {  	[tilespmem:s0+$0x168] =	vst v1  }
0x11d: {  	v1 =	vld [tilespmem:s25+$0x30]  }
.Ltmp15:
0x11e: {  	_ = 	snop;
	(pc) =	sbr.rel .LBB2_17-.Ltmp15, $2  }
0x11f: {  	_ =	sdelay $0x2  }
0x120: {  	s28 =	sadd.s32 $0x1, s28;
	[tilespmem:s0+$0x178] =	vst v1  }
.LBB2_19:
.Ltmp16:
0x121: {  	(pc) =	sbr.rel .LBB2_20-.Ltmp16, $4  }
0x122: {  	_ = 	snop  }
0x123: {  	s0 =	simm.s32 $0x2  }
0x124: {  	_ =	swait.ge [sflag:s0], $0x0  }
0x125: {  	s30 =	smov.u32 s29;
	[sflag:s0] =	ssyncset.done $0x0;
	s0 =	simm.s32 $0x0  }
.LBB2_22:
0x126: {  	_ =	sfence.sel $0x180000  }
0x127: {  	s0 =	simm.s32 $0x9;
	[bflag:$0x0] =	sbarrier.arrive $0xFFFF  }
0x128: {  	s24 =	simm.s32 $0xA;
	[sflag:s0] =	ssyncpa.u1 $0x1  }
0x129: {  	s25 =	simm.s32 $0xB;
	[sflag:s24] =	ssyncpa.u1 $0x1  }
0x12a: {  	s26 =	simm.s32 $0x2;
	[sflag:s25] =	ssyncpa.u1 $0x1  }
0x12b: {  	[sflag:s26] =	ssyncpa.u1 $0x1  }
0x12c: {  	v0 =	vld [tilespmem:$0xF208];
	_ =	sdelay $0x4  }
0x12d: {  	(v2sf) =	vpush v0, $0x0  }
0x12e: {  	(v2sf) =	vpush v0, $0x1;
	_ =	sdelay $0x1  }
0x12f: {  	(v2sf) =	vpush v0, $0x2;
	_ =	sdelay $0xb  }
0x130: {  	s0 =	spop (v2sf)  }
0x131: {  	s2 =	spop (v2sf)  }
0x132: {  	s3 =	smov.u32 s0;
	p0 =	sne.s32 s0, s2  }
0x133: {  	s4 =	spop (v2sf);
	s3 =	simm.s32 @!p0 $0xFFFFFFFF  }
0x134: {  	v2 =	vimm.s32 $0x1;
	v3 =	vlaneseq.u32;
	p0 =	seq.s32 s4, $0xFFFFFFFF;
	v1 =	vmov s3  }
0x135: {  	s16 =	stileid.u32;
	v0 =	vperm.xlane v0, v2;
	p1 =	sne.s32 @!p0 s0, s2;
	v1 =	vperm.xlane v1, v3  }
0x136: {  	vm0 =	vcmask $0x3F04;
	s6 =	simm.s32 $0xF208;
	s0 =	simm.s32 @!p0 $0x1;
	p1 =	por !p1, p0  }
0x137: {  	s3 =	sshll.u32 s16, $0x1;
	s2 =	sshll.u32 @!p0 s4, $0x9;
	s0 =	simm.s32 @p1 $0x0;
	v0 =	vsel vm0, v1, v0  }
0x138: {  	s5 =	sor.u32 $0x1000, s3;
	s2 =	sshra.s32 @!p0 s2, $0x2;
	s0 =	sor.u32 @!p0 s0, s3;
	[tilespmem:$0xF208] =	vst v0  }
0x139: {  	[spmem:s5] =	stream.linear.scatter [tilespmem:s6], [sflag:$0x1], $0x2, $0x38;
	[tilespmem:$0x1F6F8] =	vst v63  }
0x13a: {  	s2 =	sadd.s32 @!p0 $0x108, s2;
	s0 =	sshll.u32 @!p0 s0, $0x7  }
0x13b: {  	[spmem:s0] =	stream.linear.scatter @!p0 [tilespmem:s2], [sflag:$0x1], $0x80, $0x38;
	[tilespmem:$0x1F6F8] =	vst v63  }
0x13c: {  	s0 =	simm.s32 @!p0 $0x82  }
0x13d: {  	s28 =	simm.s32 $0x1;
	s0 =	simm.s32 @p0 $0x2  }
0x13e: {  	_ =	swait.ge [sflag:s28], s0  }
0x13f: {  	s0 =	ssub.s32 $0x0, s0;
	[sflag:s28] =	ssyncset.done $0x0  }
0x140: {  	p0 =	sne.s32 s16, $0x0;
	[sflag:s28] =	ssyncadd.s32 s0  }
.Ltmp17:
0x141: {  	_ =	sfence.stream.spmem;
	(pc) =	sbr.rel @p0 .LBB2_39-.Ltmp17, $4  }
0x142: {  	s29 =	simm.s32 $0x3;
	[bflag:$0x0] =	sbarrier.arrive $0xFFFF  }
0x143: {  	s30 =	simm.s32 $0x4;
	[sflag:s29] =	ssyncpa.u1 $0x1  }
0x144: {  	s31 =	simm.s32 $0x3C;
	[sflag:s30] =	ssyncpa.u1 $0x1  }
0x145: {  	s15 =	rddreg [dreg:$0x5];
	[sflag:s31] =	ssyncpa.u1 $0x1  }
0x146: {  	_ =	sfence.stream.spmem;
	s0 =	simm.s32 $0x5  }
0x147: {  	s2 =	simm.s32 $0x1000;
	s3 =	simm.s32 $0xF218;
	[sflag:s0] =	ssyncpa.u1 $0x0  }
0x148: {  	[tilespmem:s3], [sflag:$0x5] =	stream.linear.gather [spmem:s2], $0x20, $0x38;
	[tilespmem:$0x1F6F8] =	vst v63  }
0x149: {  	s26 =	simm.s32 $0x0;
	s28 =	simm.s32 $0xF238  }
0x14a: {  	[tilespmem:s28], [sflag:$0x5] =	stream.linear.gather [spmem:s26], $0x1000, $0x38;
	[tilespmem:$0x1F6F8] =	vst v63  }
0x14b: {  	_ =	swait.ge [sflag:s0], $0x1020  }
0x14c: {  	[sflag:s0] =	ssyncset.done $0x0  }
0x14d: {  	s29 =	simm.s32 $0x0;
	[sflag:s0] =	ssyncadd.s32 $0xFFFFEFE0  }
0x14e: {  	v0 =	vld.msk [tilespmem:s29+$0xF218], $0x1;
	_ =	sdelay $0x1  }
0x14f: {  	s30 =	simm.s32 $0x1  }
0x150: {  	v1 =	vld.msk [tilespmem:s30+$0xF218], $0x1;
	_ =	sdelay $0x1  }
0x151: {  	(v2sf) =	vpush v0, $0x0;
	_ =	sdelay $0x2  }
0x152: {  	(v2sf) =	vpush v1, $0x0;
	_ =	sdelay $0x2  }
0x153: {  	s31 =	simm.s32 $0x2  }
0x154: {  	v0 =	vld.msk [tilespmem:s31+$0xF218], $0x1;
	_ =	sdelay $0x2  }
0x155: {  	s4 =	simm.s32 $0xFFFFFFFF;
	s5 =	simm.s32 $0xFFFFFFFF;
	s0 =	simm.s32 $0xC  }
.LBB2_24:
0x156: {  	s2 =	smov.u32 s5;
	s3 =	smov.u32 s4  }
0x157: {  	s4 =	sshra.s32 s0, $0x2;
	p1 =	sne.s32 s0, $0x7C;
	s0 =	sadd.s32 $0x4, s0;
	(v2sf) =	vpush v0, $0x0  }
0x158: {  	v0 =	vld.msk [tilespmem:s4+$0xF218], $0x1  }
.Ltmp18:
0x159: {  	(pc) =	sbr.rel @p1 .LBB2_24-.Ltmp18, $4  }
0x15a: {  	s5 =	spop (v2sf)  }
0x15b: {  	p2 =	sne.s32 s3, $0xFFFFFFFF;
	s4 =	smov.u32 s5  }
0x15c: {  	p3 =	seq.s32 s5, $0xFFFFFFFF;
	s4 =	smov.u32 @p2 s3  }
0x15d: {  	s5 =	smov.u32 @p3 s2;
	s4 =	smov.u32 @p3 s3  }
0x15e: {  	(v2sf) =	vpush v0, $0x0;
	_ =	sdelay $0x8  }
0x15f: {  	s0 =	spop (v2sf)  }
0x160: {  	p1 =	sne.s32 s4, $0xFFFFFFFF;
	s2 =	smov.u32 s0  }
0x161: {  	s9 =	simm.s32 $0x6;
	p2 =	seq.s32 s0, $0xFFFFFFFF;
	s2 =	smov.u32 @p1 s4  }
0x162: {  	s6 =	simm.s32 $0x0;
	s2 =	smov.u32 @p2 s4;
	s3 =	spop (v2sf)  }
0x163: {  	s0 =	smov.u32 @p2 s5;
	p1 =	sne.s32 s2, $0xFFFFFFFF;
	s4 =	smov.u32 s3  }
.Ltmp19:
0x164: {  	p2 =	seq.s32 s3, $0xFFFFFFFF;
	s4 =	smov.u32 @p1 s2;
	(pc) =	sbr.rel .LBB2_26-.Ltmp19, $4  }
0x165: {  	s10 =	simm.s32 $0xF188;
	s4 =	smov.u32 @p2 s2;
	s7 =	spop (v2sf)  }
0x166: {  	s11 =	simm.s32 $0x0;
	p1 =	sne.s32 s4, $0xFFFFFFFF;
	s8 =	smov.u32 s7  }
0x167: {  	s3 =	smov.u32 @p2 s0;
	p2 =	seq.s32 s7, $0xFFFFFFFF;
	s8 =	smov.u32 @p1 s4  }
0x168: {  	[sflag:s9] =	ssyncpa.u1 $0x0;
	s7 =	smov.u32 @p2 s3;
	s8 =	smov.u32 @p2 s4  }
.LBB2_32:
0x169: {  	p1 =	sgt.u32 s12, $0x270F0  }
0x16a: {  	p2 =	seq.s32 @!p1 s12, s8  }
0x16b: {  	p1 =	por p1, p2  }
0x16c: {  	p2 =	sne.s32 @!p1 s12, s7  }
0x16d: {  	p1 =	por p1, !p2  }
0x16e: {  	s0 =	sshll.u32 @p1 s11, $0x9  }
0x16f: {  	s0 =	sand.u32 @!p1 $0x3FFF8, s12  }
0x170: {  	s2 =	sand.u32 @!p1 $0x7, s12;
	s0 =	sadd.s32 @!p1 s1, s0  }
0x171: {  	[tilespmem:s10], [sflag:$0x6] =	stream.linear.gather @!p1 [hbm4b:s0+s2], $0x80, $0x38;
	[tilespmem:$0x1F6F8] =	vst v63  }
0x172: {  	_ =	swait.ge @!p1 [sflag:s9], $0x80  }
0x173: {  	[sflag:s9] =	ssyncset.done @!p1 $0x0  }
0x174: {  	s0 =	sshll.u32 @!p1 s11, $0x9;
	[sflag:s9] =	ssyncadd.s32 @!p1 $0xFFFFFF80  }
0x175: {  	s2 =	sshrl.u32 @!p1 s0, $0x2;
	v1 =	vld @!p1 [tilespmem:$0xF188]  }
0x176: {  	v2 =	vld @!p1 [tilespmem:s2+$0xF238];
	_ =	sdelay $0x4  }
0x177: {  	v1 =	vmax.f32 @!p1 v1, v2  }
0x178: {  	v2 =	vld @!p1 [tilespmem:s2+$0xF248];
	[tilespmem:s2+$0xF238] =	vst @!p1 v1  }
0x179: {  	v1 =	vld @!p1 [tilespmem:$0xF198];
	_ =	sdelay $0x4  }
0x17a: {  	v1 =	vmax.f32 @!p1 v1, v2  }
0x17b: {  	v2 =	vld @!p1 [tilespmem:s2+$0xF258];
	[tilespmem:s2+$0xF248] =	vst @!p1 v1  }
0x17c: {  	v1 =	vld @!p1 [tilespmem:$0xF1A8];
	_ =	sdelay $0x4  }
0x17d: {  	v1 =	vmax.f32 @!p1 v1, v2  }
0x17e: {  	v2 =	vld @!p1 [tilespmem:s2+$0xF268];
	[tilespmem:s2+$0xF258] =	vst @!p1 v1  }
0x17f: {  	v1 =	vld @!p1 [tilespmem:$0xF1B8];
	_ =	sdelay $0x4  }
0x180: {  	v1 =	vmax.f32 @!p1 v1, v2  }
0x181: {  	v2 =	vld @!p1 [tilespmem:s2+$0xF278];
	[tilespmem:s2+$0xF268] =	vst @!p1 v1  }
0x182: {  	v1 =	vld @!p1 [tilespmem:$0xF1C8];
	_ =	sdelay $0x4  }
0x183: {  	v1 =	vmax.f32 @!p1 v1, v2  }
0x184: {  	v2 =	vld @!p1 [tilespmem:s2+$0xF288];
	[tilespmem:s2+$0xF278] =	vst @!p1 v1  }
0x185: {  	v1 =	vld @!p1 [tilespmem:$0xF1D8];
	_ =	sdelay $0x4  }
0x186: {  	v1 =	vmax.f32 @!p1 v1, v2  }
0x187: {  	v2 =	vld @!p1 [tilespmem:s2+$0xF298];
	[tilespmem:s2+$0xF288] =	vst @!p1 v1  }
0x188: {  	v1 =	vld @!p1 [tilespmem:$0xF1E8];
	_ =	sdelay $0x4  }
0x189: {  	v1 =	vmax.f32 @!p1 v1, v2  }
0x18a: {  	v2 =	vld @!p1 [tilespmem:s2+$0xF2A8];
	[tilespmem:s2+$0xF298] =	vst @!p1 v1  }
0x18b: {  	v1 =	vld @!p1 [tilespmem:$0xF1F8];
	_ =	sdelay $0x4  }
0x18c: {  	v1 =	vmax.f32 @!p1 v1, v2  }
0x18d: {  	[tilespmem:s2+$0xF2A8] =	vst @!p1 v1  }
0x18e: {  	s0 =	sshrl.u32 s0, $0x2;
	[tilespmem:s6+$0xF218] =	vst.msk $0x1, v0  }
0x18f: {  	v0 =	vld [tilespmem:s0+$0xF238];
	_ =	sdelay $0x2  }
0x190: {  	s31 =	sshll.u32 s6, $0x9  }
0x191: {  	s2 =	sshra.s32 s31, $0x2  }
0x192: {  	[tilespmem:s2+$0xF238] =	vst v0  }
0x193: {  	v0 =	vld [tilespmem:s0+$0xF248];
	_ =	sdelay $0x4  }
0x194: {  	[tilespmem:s2+$0xF248] =	vst v0  }
0x195: {  	v0 =	vld [tilespmem:s0+$0xF258];
	_ =	sdelay $0x4  }
0x196: {  	[tilespmem:s2+$0xF258] =	vst v0  }
0x197: {  	v0 =	vld [tilespmem:s0+$0xF268];
	_ =	sdelay $0x4  }
0x198: {  	[tilespmem:s2+$0xF268] =	vst v0  }
0x199: {  	v0 =	vld [tilespmem:s0+$0xF278];
	_ =	sdelay $0x4  }
0x19a: {  	[tilespmem:s2+$0xF278] =	vst v0  }
0x19b: {  	v0 =	vld [tilespmem:s0+$0xF288];
	_ =	sdelay $0x4  }
0x19c: {  	[tilespmem:s2+$0xF288] =	vst v0  }
0x19d: {  	v0 =	vld [tilespmem:s0+$0xF298];
	_ =	sdelay $0x4  }
0x19e: {  	[tilespmem:s2+$0xF298] =	vst v0  }
0x19f: {  	v0 =	vld [tilespmem:s0+$0xF2A8];
	_ =	sdelay $0x4  }
0x1a0: {  	s6 =	sadd.s32 $0x1, s6;
	[tilespmem:s2+$0xF2A8] =	vst v0  }
.LBB2_33:
0x1a1: {  	s11 =	sadd.s32 $0x1, s11  }
0x1a2: {  	p1 =	sne.s32 s11, $0x20  }
.Ltmp20:
0x1a3: {  	_ = 	snop;
	(pc) =	sbr.rel @!p1 .LBB2_34-.Ltmp20, $1  }
0x1a4: {  	_ =	sdelay $0x3  }
.LBB2_26:
0x1a5: {  	v0 =	vld.msk [tilespmem:s11+$0xF218], $0x1;
	_ =	sdelay $0x4  }
0x1a6: {  	(v2sf) =	vpush v0, $0x0;
	_ =	sdelay $0xe  }
0x1a7: {  	s12 =	spop (v2sf)  }
0x1a8: {  	p1 =	seq.s32 s12, $0xFFFFFFFF  }
.Ltmp21:
0x1a9: {  	_ = 	snop;
	(pc) =	sbr.rel @p1 .LBB2_33-.Ltmp21, $1  }
0x1aa: {  	_ =	sdelay $0x3  }
0x1ab: {  	p1 =	slt.s32 s6, $0x1  }
.Ltmp22:
0x1ac: {  	_ = 	snop;
	(pc) =	sbr.rel @p1 .LBB2_32-.Ltmp22, $1  }
0x1ad: {  	_ =	sdelay $0x3  }
0x1ae: {  	s13 =	simm.s32 $0xF218;
	p1 =	por $0x0, $0x0  }
0x1af: {  	v1 =	vld.msk @!p1 [tilespmem:s13+$0x0], $0x1;
	_ =	sdelay $0x4  }
0x1b0: {  	(v2sf) =	vpush @!p1 v1, $0x0;
	_ =	sdelay $0xd  }
0x1b1: {  	p3 =	sne.s32 s6, $0x1  }
.Ltmp23:
0x1b2: {  	s0 =	spop @!p1 (v2sf);
	(pc) =	sbr.rel @!p3 .LBB2_30-.Ltmp23, $4  }
0x1b3: {  	p2 =	seq.s32 @!p1 s12, s0  }
0x1b4: {  	s14 =	simm.s32 $0x0;
	p2 =	por !p2, p1  }
0x1b5: {  	s2 =	simm.s32 $0xFFFFFFFF;
	s14 =	simm.s32 @p2 $0xFFFFFFFF  }
0x1b6: {  	s0 =	simm.s32 $0x1;
	s14 =	smov.u32 @p1 s2  }
.LBB2_29:
0x1b7: {  	s2 =	smov.u32 s14;
	p1 =	sne.s32 s14, $0xFFFFFFFF  }
0x1b8: {  	s13 =	sadd.s32 $0x1, s13;
	s14 =	smov.u32 s0;
	s0 =	sadd.s32 $0x1, s0  }
0x1b9: {  	p2 =	sne.s32 s6, s0;
	v1 =	vld.msk @!p1 [tilespmem:s13+$0x0], $0x1;
	_ =	sdelay $0x4  }
0x1ba: {  	(v2sf) =	vpush @!p1 v1, $0x0;
	_ =	sdelay $0xe  }
.Ltmp24:
0x1bb: {  	s3 =	spop @!p1 (v2sf);
	(pc) =	sbr.rel @p2 .LBB2_29-.Ltmp24, $4  }
0x1bc: {  	p3 =	seq.s32 @!p1 s12, s3  }
0x1bd: {  	p3 =	por !p3, p1  }
0x1be: {  	s14 =	simm.s32 @p3 $0xFFFFFFFF  }
0x1bf: {  	s14 =	smov.u32 @p1 s2  }
.LBB2_30:
0x1c0: {  	p1 =	seq.s32 s14, $0xFFFFFFFF  }
.Ltmp25:
0x1c1: {  	_ = 	snop;
	(pc) =	sbr.rel @p1 .LBB2_32-.Ltmp25, $1  }
0x1c2: {  	_ =	sdelay $0x3  }
0x1c3: {  	s0 =	sshll.u32 s11, $0x7  }
0x1c4: {  	s2 =	sshll.u32 s14, $0x9;
	s0 =	sand.u32 $0x3FFFFF80, s0  }
0x1c5: {  	s2 =	sshra.s32 s2, $0x2;
	v0 =	vld [tilespmem:s0+$0xF238]  }
0x1c6: {  	v1 =	vld [tilespmem:s2+$0xF238];
	_ =	sdelay $0x4  }
0x1c7: {  	v0 =	vmax.f32 v0, v1  }
0x1c8: {  	v57 =	vld [tilespmem:s2+$0xF248];
	[tilespmem:s2+$0xF238] =	vst v0  }
0x1c9: {  	v0 =	vld [tilespmem:s0+$0xF248];
	_ =	sdelay $0x4  }
0x1ca: {  	v0 =	vmax.f32 v0, v57  }
0x1cb: {  	v58 =	vld [tilespmem:s2+$0xF258];
	[tilespmem:s2+$0xF248] =	vst v0  }
0x1cc: {  	v0 =	vld [tilespmem:s0+$0xF258];
	_ =	sdelay $0x4  }
0x1cd: {  	v0 =	vmax.f32 v0, v58  }
0x1ce: {  	v59 =	vld [tilespmem:s2+$0xF268];
	[tilespmem:s2+$0xF258] =	vst v0  }
0x1cf: {  	v0 =	vld [tilespmem:s0+$0xF268];
	_ =	sdelay $0x4  }
0x1d0: {  	v0 =	vmax.f32 v0, v59  }
0x1d1: {  	v60 =	vld [tilespmem:s2+$0xF278];
	[tilespmem:s2+$0xF268] =	vst v0  }
0x1d2: {  	v0 =	vld [tilespmem:s0+$0xF278];
	_ =	sdelay $0x4  }
0x1d3: {  	v0 =	vmax.f32 v0, v60  }
0x1d4: {  	v61 =	vld [tilespmem:s2+$0xF288];
	[tilespmem:s2+$0xF278] =	vst v0  }
0x1d5: {  	v0 =	vld [tilespmem:s0+$0xF288];
	_ =	sdelay $0x4  }
0x1d6: {  	v0 =	vmax.f32 v0, v61  }
0x1d7: {  	v62 =	vld [tilespmem:s2+$0xF298];
	[tilespmem:s2+$0xF288] =	vst v0  }
0x1d8: {  	v0 =	vld [tilespmem:s0+$0xF298];
	_ =	sdelay $0x4  }
0x1d9: {  	v0 =	vmax.f32 v0, v62  }
0x1da: {  	v63 =	vld [tilespmem:s2+$0xF2A8];
	[tilespmem:s2+$0xF298] =	vst v0  }
0x1db: {  	v0 =	vld [tilespmem:s0+$0xF2A8];
	_ =	sdelay $0x1  }
.Ltmp26:
0x1dc: {  	_ = 	snop;
	(pc) =	sbr.rel .LBB2_33-.Ltmp26, $3  }
0x1dd: {  	_ =	sdelay $0x1  }
0x1de: {  	v0 =	vmax.f32 v0, v63  }
0x1df: {  	[tilespmem:s2+$0xF2A8] =	vst v0  }
.LBB2_34:
0x1e0: {  	s0 =	simm.s32 $0x6;
	p1 =	seq.s32 s6, $0x0  }
0x1e1: {  	[sflag:s0] =	ssyncpa.u1 $0x1;
	v0 =	vimm.s32 @p1 $0xFFFFFFFF  }
0x1e2: {  	s9 =	sadd.s32 $0xFFFFFFFF, s6;
	[tilespmem:$0x10238] =	vst @p1 v0  }
0x1e3: {  	v0 =	vld.msk @!p1 [tilespmem:s9+$0xF218], $0x1;
	_ =	sdelay $0x1  }
0x1e4: {  	v1 =	vld.msk @!p1 [tilespmem:$0xF218], $0x1;
	_ =	sdelay $0x2  }
0x1e5: {  	p2 =	seq.s32 @!p1 s9, $0x0;
	v0 =	vbroadcast @!p1 v0, $0x0  }
0x1e6: {  	vm0 =	vmmov @!p1 $0x1;
	p2 =	por !p2, p1  }
0x1e7: {  	v1 =	vnsel @!p1 vm0, $0xFFFFFFFF, v1;
	vm0 =	vcmask @!p1 $0x308;
	v0 =	vpsel !p2, $0xFFFFFFFF, v0  }
0x1e8: {  	p2 =	sne.s32 @!p1 s8, s7;
	v0 =	vsel @!p1 vm0, v1, v0  }
0x1e9: {  	s0 =	simm.s32 @!p1 $0xF238;
	s2 =	simm.s32 @!p1 $0x0;
	p3 =	por !p2, p1;
	[tilespmem:$0x10238] =	vst @!p1 v0  }
0x1ea: {  	[spmem:s2] =	stream.linear.scatter @!p1 [tilespmem:s0], [sflag:$0x1], $0x80, $0x38;
	[tilespmem:$0x1F6F8] =	vst v63  }
0x1eb: {  	s0 =	sshll.u32 @!p3 s9, $0x9  }
0x1ec: {  	s0 =	sshra.s32 @!p3 s0, $0x2  }
0x1ed: {  	s2 =	simm.s32 @!p3 $0x80;
	s0 =	sadd.s32 @!p3 $0xF238, s0  }
0x1ee: {  	[spmem:s2] =	stream.linear.scatter @!p3 [tilespmem:s0], [sflag:$0x1], $0x80, $0x38;
	[tilespmem:$0x1F6F8] =	vst v63  }
0x1ef: {  	s0 =	simm.s32 @!p3 $0x1  }
0x1f0: {  	_ =	swait.ge @!p3 [sflag:s0], $0x100  }
0x1f1: {  	p1 =	por p2, p1;
	[sflag:s0] =	ssyncset.done @!p3 $0x0  }
0x1f2: {  	[sflag:s0] =	ssyncadd.s32 @!p3 $0xFFFFFF00;
	s0 =	simm.s32 @!p1 $0x1  }
0x1f3: {  	_ =	swait.ge @!p1 [sflag:s0], $0x80  }
0x1f4: {  	s29 =	simm.s32 $0x10238;
	[sflag:s0] =	ssyncset.done @!p1 $0x0  }
0x1f5: {  	s30 =	simm.s32 $0x1000;
	s31 =	simm.s32 $0x1;
	[sflag:s0] =	ssyncadd.s32 @!p1 $0xFFFFFF80  }
0x1f6: {  	[spmem:s30] =	stream.linear.scatter [tilespmem:s29], [sflag:$0x1], $0x10, $0x38;
	[tilespmem:$0x1F6F8] =	vst v63  }
0x1f7: {  	_ =	swait.ge [sflag:s31], $0x10  }
0x1f8: {  	[sflag:s31] =	ssyncset.done $0x0  }
0x1f9: {  	p1 =	seq.s32 s15, $0x0;
	s8 =	rddreg [dreg:$0x2];
	[sflag:s31] =	ssyncadd.s32 $0xFFFFFFF0  }
0x1fa: {  	s2 =	sshll.u32 @p1 s8, $0xE;
	s7 =	rddreg [dreg:$0x3]  }
0x1fb: {  	s0 =	sadd.s32 @p1 $0x15C3C, s2;
	s2 =	sshll.u32 @p1 s7, $0x11  }
0x1fc: {  	_ =	sfence.stream.spmem;
	s0 =	sor.u32 @p1 s2, s0  }
0x1fd: {  	[sflag:s0] =	ssyncadd.remote.s32 @p1 $0x1;
	s0 =	simm.s32 @p1 $0x4  }
0x1fe: {  	s3 =	simm.s32 @!p1 $0x3C;
	s2 =	sand.u32 $0xFFFFFFFE, s8;
	_ =	swait.ge @p1 [sflag:s0], $0x22  }
0x1ff: {  	s4 =	simm.s32 @!p1 $0x0;
	s2 =	sadd.s32 @!p1 $0x4, s2;
	[sflag:s0] =	ssyncset.done @p1 $0x0  }
0x200: {  	s5 =	simm.s32 @!p1 $0x100;
	[sflag:s0] =	ssyncadd.s32 @p1 $0xFFFFFFDE;
	s0 =	sshll.u32 @!p1 s2, $0x1A  }
0x201: {  	s2 =	sshll.u32 @!p1 s2, $0xD;
	s0 =	sor.u32 @!p1 s0, s7;
	_ =	swait.eq @!p1 [sflag:s3], $0x1  }
0x202: {  	s2 =	sor.u32 @!p1 $0x1C04, s2;
	s3 =	simm.s32 @!p1 $0x1C03;
	s0 =	sor.u32 @!p1 $0x80004000, s0  }
0x203: {  	[spmem:s5], [sflag:s2] =	dma.general @!p1 [spmem:s4], [sflag:s3], length:$0x20, [dreg:$0x0], stride_count:$0x0, ici_dest:s0, dma_misc:DstOpCode:WRITE  }
0x204: {  	p2 =	slt.s32 s9, $0x2;
	s4 =	simm.s32 @!p1 $0x200;
	s5 =	simm.s32 @!p1 $0x202  }
0x205: {  	[spmem:s5], [sflag:s2] =	dma.general @!p1 [spmem:s4], [sflag:s3], length:$0x2, [dreg:$0x0], stride_count:$0x0, ici_dest:s0, dma_misc:DstOpCode:WRITE  }
.Ltmp27:
0x206: {  	s0 =	simm.s32 @!p1 $0x3;
	(pc) =	sbr.rel @p2 .LBB2_38-.Ltmp27, $4  }
0x207: {  	s2 =	sshll.u32 @!p1 s8, $0xE;
	_ =	swait.ge @!p1 [sflag:s0], $0x22  }
0x208: {  	s3 =	sshll.u32 @!p1 s7, $0x11;
	s2 =	sadd.s32 @!p1 $0x11C3C, s2;
	[sflag:s0] =	ssyncset.done @!p1 $0x0  }
0x209: {  	[sflag:s0] =	ssyncadd.s32 @!p1 $0xFFFFFFDE;
	s0 =	sor.u32 @!p1 s3, s2  }
0x20a: {  	[sflag:s0] =	ssyncadd.remote.s32 @!p1 $0xFFFFFFFF;
	s0 =	simm.s32 $0x0  }
0x20b: {  	s0 =	simm.s32 $0xF219  }
0x20c: {  	v0 =	vld.msk [tilespmem:s0+$0x0], $0x1;
	_ =	sdelay $0x4  }
0x20d: {  	(v2sf) =	vpush v0, $0x0;
	_ =	sdelay $0xb  }
0x20e: {  	s31 =	sadd.s32 $0xFFFFFFFE, s6  }
0x20f: {  	s0 =	sadd.s32 $0xFFFFFFFF, s31  }
0x210: {  	p2 =	sne.s32 s0, $0x0  }
.Ltmp28:
0x211: {  	s2 =	spop (v2sf);
	(pc) =	sbr.rel @!p2 .LBB2_37-.Ltmp28, $4  }
0x212: {  	s4 =	simm.s32 $0xF2B8;
	s7 =	simm.s32 $0x0;
	p1 =	sgt.u32 s2, $0x270F0  }
0x213: {  	s5 =	simm.s32 $0x0;
	s6 =	simm.s32 $0xF21A;
	s3 =	sand.u32 @!p1 $0x3FFF8, s2  }
0x214: {  	s2 =	sand.u32 @!p1 $0x7, s2;
	s7 =	simm.s32 @!p1 $0x200;
	s3 =	sadd.s32 @!p1 s1, s3  }
0x215: {  	[hbm4b:s3+s2] =	stream.linear.scatter @!p1 [tilespmem:s4], [sflag:$0x5], $0x80, $0x38;
	[tilespmem:$0x1F6F8] =	vst v63  }
.LBB2_36:
0x216: {  	v0 =	vld.msk [tilespmem:s6+$0x0], $0x1;
	s0 =	sadd.s32 $0xFFFFFFFF, s0;
	s5 =	sadd.s32 s5, s7  }
0x217: {  	p1 =	sne.s32 s0, $0x0;
	_ =	sdelay $0x3  }
0x218: {  	(v2sf) =	vpush v0, $0x0;
	_ =	sdelay $0xe  }
.Ltmp29:
0x219: {  	s2 =	spop (v2sf);
	(pc) =	sbr.rel @p1 .LBB2_36-.Ltmp29, $4  }
0x21a: {  	s7 =	simm.s32 $0x0;
	p2 =	sgt.u32 s2, $0x270F0  }
0x21b: {  	s4 =	sadd.s32 $0x80, s4;
	s7 =	simm.s32 @!p2 $0x200;
	s3 =	sand.u32 @!p2 $0x3FFF8, s2  }
0x21c: {  	s6 =	sadd.s32 $0x1, s6;
	s2 =	sand.u32 @!p2 $0x7, s2;
	s3 =	sadd.s32 @!p2 s1, s3  }
0x21d: {  	[hbm4b:s3+s2] =	stream.linear.scatter @!p2 [tilespmem:s4], [sflag:$0x5], $0x80, $0x38;
	[tilespmem:$0x1F6F8] =	vst v63  }
.LBB2_37:
0x21e: {  	s0 =	sadd.s32 s5, s7  }
0x21f: {  	s0 =	sshrl.u32 s0, $0x2  }
.LBB2_38:
0x220: {  	s2 =	simm.s32 $0x5  }
0x221: {  	_ =	swait.ge [sflag:s2], s0  }
0x222: {  	s31 =	ssub.s32 $0x0, s0;
	[sflag:s2] =	ssyncset.done $0x0  }
0x223: {  	[sflag:s2] =	ssyncadd.s32 s31  }
0x224: {  	[sflag:s2] =	ssyncpa.u1 $0x1  }
.LBB2_39:
0x225: {  	s0 =	sor.u32 s15, s16  }
0x226: {  	p1 =	sne.s32 s0, $0x0  }
.Ltmp30:
0x227: {  	_ = 	snop;
	(pc) =	sbr.rel @p1 .LBB2_54-.Ltmp30, $3  }
0x228: {  	_ =	sdelay $0x1  }
0x229: {  	[bflag:$0x0] =	sbarrier.arrive $0xFFFF  }
0x22a: {  	_ =	sfence  }
0x22b: {  	s0 =	simm.s32 $0x7  }
0x22c: {  	s2 =	simm.s32 $0x1000;
	s3 =	simm.s32 $0xF218;
	[sflag:s0] =	ssyncpa.u1 $0x0  }
0x22d: {  	[tilespmem:s3], [sflag:$0x7] =	stream.linear.gather [spmem:s2], $0x20, $0x38;
	[tilespmem:$0x1F6F8] =	vst v63  }
0x22e: {  	s30 =	simm.s32 $0xF238;
	s2 =	simm.s32 $0x0  }
0x22f: {  	[tilespmem:s30], [sflag:$0x7] =	stream.linear.gather [spmem:s2], $0x1000, $0x38;
	[tilespmem:$0x1F6F8] =	vst v63  }
.Ltmp31:
0x230: {  	_ = 	snop;
	(pc) =	sbr.rel .LBB2_41-.Ltmp31, $4  }
0x231: {  	_ =	swait.ge [sflag:s0], $0x1020  }
0x232: {  	[sflag:s0] =	ssyncset.done $0x0  }
0x233: {  	s31 =	simm.s32 $0x8;
	[sflag:s0] =	ssyncadd.s32 $0xFFFFEFE0  }
0x234: {  	s3 =	simm.s32 $0x0;
	[sflag:s31] =	ssyncpa.u1 $0x0  }
.LBB2_47:
0x235: {  	p1 =	slt.u32 s4, $0x270F1  }
0x236: {  	s0 =	sand.u32 @p1 $0x3FFF8, s4  }
0x237: {  	s4 =	sand.u32 @p1 $0x7, s4;
	s5 =	simm.s32 @p1 $0xF188;
	s0 =	sadd.s32 @p1 s1, s0  }
0x238: {  	[tilespmem:s5], [sflag:$0x8] =	stream.linear.gather @p1 [hbm4b:s0+s4], $0x80, $0x38;
	[tilespmem:$0x1F6F8] =	vst v63  }
0x239: {  	s0 =	simm.s32 @p1 $0x8  }
0x23a: {  	_ =	swait.ge @p1 [sflag:s0], $0x80  }
0x23b: {  	[sflag:s0] =	ssyncset.done @p1 $0x0  }
0x23c: {  	[sflag:s0] =	ssyncadd.s32 @p1 $0xFFFFFF80;
	s0 =	sshll.u32 @p1 s3, $0x9  }
0x23d: {  	s4 =	sshrl.u32 @p1 s0, $0x2;
	v1 =	vld @p1 [tilespmem:$0xF188]  }
0x23e: {  	v2 =	vld @p1 [tilespmem:s4+$0xF238];
	_ =	sdelay $0x4  }
0x23f: {  	v1 =	vmax.f32 @p1 v1, v2  }
0x240: {  	v2 =	vld @p1 [tilespmem:s4+$0xF248];
	[tilespmem:s4+$0xF238] =	vst @p1 v1  }
0x241: {  	v1 =	vld @p1 [tilespmem:$0xF198];
	_ =	sdelay $0x4  }
0x242: {  	v1 =	vmax.f32 @p1 v1, v2  }
0x243: {  	v2 =	vld @p1 [tilespmem:s4+$0xF258];
	[tilespmem:s4+$0xF248] =	vst @p1 v1  }
0x244: {  	v1 =	vld @p1 [tilespmem:$0xF1A8];
	_ =	sdelay $0x4  }
0x245: {  	v1 =	vmax.f32 @p1 v1, v2  }
0x246: {  	v2 =	vld @p1 [tilespmem:s4+$0xF268];
	[tilespmem:s4+$0xF258] =	vst @p1 v1  }
0x247: {  	v1 =	vld @p1 [tilespmem:$0xF1B8];
	_ =	sdelay $0x4  }
0x248: {  	v1 =	vmax.f32 @p1 v1, v2  }
0x249: {  	v2 =	vld @p1 [tilespmem:s4+$0xF278];
	[tilespmem:s4+$0xF268] =	vst @p1 v1  }
0x24a: {  	v1 =	vld @p1 [tilespmem:$0xF1C8];
	_ =	sdelay $0x4  }
0x24b: {  	v1 =	vmax.f32 @p1 v1, v2  }
0x24c: {  	v2 =	vld @p1 [tilespmem:s4+$0xF288];
	[tilespmem:s4+$0xF278] =	vst @p1 v1  }
0x24d: {  	v1 =	vld @p1 [tilespmem:$0xF1D8];
	_ =	sdelay $0x4  }
0x24e: {  	v1 =	vmax.f32 @p1 v1, v2  }
0x24f: {  	v2 =	vld @p1 [tilespmem:s4+$0xF298];
	[tilespmem:s4+$0xF288] =	vst @p1 v1  }
0x250: {  	v1 =	vld @p1 [tilespmem:$0xF1E8];
	_ =	sdelay $0x4  }
0x251: {  	v1 =	vmax.f32 @p1 v1, v2  }
0x252: {  	v2 =	vld @p1 [tilespmem:s4+$0xF2A8];
	[tilespmem:s4+$0xF298] =	vst @p1 v1  }
0x253: {  	v1 =	vld @p1 [tilespmem:$0xF1F8];
	_ =	sdelay $0x4  }
0x254: {  	s5 =	sshll.u32 @!p1 s3, $0x9;
	v1 =	vmax.f32 @p1 v1, v2  }
0x255: {  	s5 =	smov.u32 @p1 s0;
	[tilespmem:s4+$0xF2A8] =	vst @p1 v1  }
0x256: {  	s0 =	sshrl.u32 s5, $0x2;
	[tilespmem:s2+$0xF218] =	vst.msk $0x1, v0  }
0x257: {  	v0 =	vld [tilespmem:s0+$0xF238];
	_ =	sdelay $0x2  }
0x258: {  	s31 =	sshll.u32 s2, $0x9  }
0x259: {  	s4 =	sshra.s32 s31, $0x2  }
0x25a: {  	[tilespmem:s4+$0xF238] =	vst v0  }
0x25b: {  	v0 =	vld [tilespmem:s0+$0xF248];
	_ =	sdelay $0x4  }
0x25c: {  	[tilespmem:s4+$0xF248] =	vst v0  }
0x25d: {  	v0 =	vld [tilespmem:s0+$0xF258];
	_ =	sdelay $0x4  }
0x25e: {  	[tilespmem:s4+$0xF258] =	vst v0  }
0x25f: {  	v0 =	vld [tilespmem:s0+$0xF268];
	_ =	sdelay $0x4  }
0x260: {  	[tilespmem:s4+$0xF268] =	vst v0  }
0x261: {  	v0 =	vld [tilespmem:s0+$0xF278];
	_ =	sdelay $0x4  }
0x262: {  	[tilespmem:s4+$0xF278] =	vst v0  }
0x263: {  	v0 =	vld [tilespmem:s0+$0xF288];
	_ =	sdelay $0x4  }
0x264: {  	[tilespmem:s4+$0xF288] =	vst v0  }
0x265: {  	v0 =	vld [tilespmem:s0+$0xF298];
	_ =	sdelay $0x4  }
0x266: {  	[tilespmem:s4+$0xF298] =	vst v0  }
0x267: {  	v0 =	vld [tilespmem:s0+$0xF2A8];
	_ =	sdelay $0x4  }
0x268: {  	s2 =	sadd.s32 $0x1, s2;
	[tilespmem:s4+$0xF2A8] =	vst v0  }
.LBB2_48:
0x269: {  	s3 =	sadd.s32 $0x1, s3  }
0x26a: {  	p1 =	sne.s32 s3, $0x20  }
.Ltmp32:
0x26b: {  	_ = 	snop;
	(pc) =	sbr.rel @!p1 .LBB2_49-.Ltmp32, $1  }
0x26c: {  	_ =	sdelay $0x3  }
.LBB2_41:
0x26d: {  	v0 =	vld.msk [tilespmem:s3+$0xF218], $0x1;
	_ =	sdelay $0x4  }
0x26e: {  	(v2sf) =	vpush v0, $0x0;
	_ =	sdelay $0xe  }
0x26f: {  	s4 =	spop (v2sf)  }
0x270: {  	p1 =	seq.s32 s4, $0xFFFFFFFF  }
.Ltmp33:
0x271: {  	_ = 	snop;
	(pc) =	sbr.rel @p1 .LBB2_48-.Ltmp33, $1  }
0x272: {  	_ =	sdelay $0x3  }
0x273: {  	p1 =	slt.s32 s2, $0x1  }
.Ltmp34:
0x274: {  	_ = 	snop;
	(pc) =	sbr.rel @p1 .LBB2_47-.Ltmp34, $1  }
0x275: {  	_ =	sdelay $0x3  }
0x276: {  	s5 =	simm.s32 $0xF218;
	p1 =	por $0x0, $0x0  }
0x277: {  	v1 =	vld.msk @!p1 [tilespmem:s5+$0x0], $0x1;
	_ =	sdelay $0x4  }
0x278: {  	(v2sf) =	vpush @!p1 v1, $0x0;
	_ =	sdelay $0xd  }
0x279: {  	p3 =	sne.s32 s2, $0x1  }
.Ltmp35:
0x27a: {  	s0 =	spop @!p1 (v2sf);
	(pc) =	sbr.rel @!p3 .LBB2_45-.Ltmp35, $4  }
0x27b: {  	p2 =	seq.s32 @!p1 s4, s0  }
0x27c: {  	s6 =	simm.s32 $0x0;
	p2 =	por !p2, p1  }
0x27d: {  	s7 =	simm.s32 $0xFFFFFFFF;
	s6 =	simm.s32 @p2 $0xFFFFFFFF  }
0x27e: {  	s0 =	simm.s32 $0x1;
	s6 =	smov.u32 @p1 s7  }
.LBB2_44:
0x27f: {  	s7 =	smov.u32 s6;
	p1 =	sne.s32 s6, $0xFFFFFFFF  }
0x280: {  	s5 =	sadd.s32 $0x1, s5;
	s6 =	smov.u32 s0;
	s0 =	sadd.s32 $0x1, s0  }
0x281: {  	p2 =	sne.s32 s2, s0;
	v1 =	vld.msk @!p1 [tilespmem:s5+$0x0], $0x1;
	_ =	sdelay $0x4  }
0x282: {  	(v2sf) =	vpush @!p1 v1, $0x0;
	_ =	sdelay $0xe  }
.Ltmp36:
0x283: {  	s8 =	spop @!p1 (v2sf);
	(pc) =	sbr.rel @p2 .LBB2_44-.Ltmp36, $4  }
0x284: {  	p3 =	seq.s32 @!p1 s4, s8  }
0x285: {  	p3 =	por !p3, p1  }
0x286: {  	s6 =	simm.s32 @p3 $0xFFFFFFFF  }
0x287: {  	s6 =	smov.u32 @p1 s7  }
.LBB2_45:
0x288: {  	p1 =	seq.s32 s6, $0xFFFFFFFF  }
.Ltmp37:
0x289: {  	_ = 	snop;
	(pc) =	sbr.rel @p1 .LBB2_47-.Ltmp37, $1  }
0x28a: {  	_ =	sdelay $0x3  }
0x28b: {  	s0 =	sshll.u32 s3, $0x7  }
0x28c: {  	s4 =	sshll.u32 s6, $0x9;
	s0 =	sand.u32 $0x3FFFFF80, s0  }
0x28d: {  	s4 =	sshra.s32 s4, $0x2;
	v0 =	vld [tilespmem:s0+$0xF238]  }
0x28e: {  	v1 =	vld [tilespmem:s4+$0xF238];
	_ =	sdelay $0x4  }
0x28f: {  	v0 =	vmax.f32 v0, v1  }
0x290: {  	v57 =	vld [tilespmem:s4+$0xF248];
	[tilespmem:s4+$0xF238] =	vst v0  }
0x291: {  	v0 =	vld [tilespmem:s0+$0xF248];
	_ =	sdelay $0x4  }
0x292: {  	v0 =	vmax.f32 v0, v57  }
0x293: {  	v58 =	vld [tilespmem:s4+$0xF258];
	[tilespmem:s4+$0xF248] =	vst v0  }
0x294: {  	v0 =	vld [tilespmem:s0+$0xF258];
	_ =	sdelay $0x4  }
0x295: {  	v0 =	vmax.f32 v0, v58  }
0x296: {  	v59 =	vld [tilespmem:s4+$0xF268];
	[tilespmem:s4+$0xF258] =	vst v0  }
0x297: {  	v0 =	vld [tilespmem:s0+$0xF268];
	_ =	sdelay $0x4  }
0x298: {  	v0 =	vmax.f32 v0, v59  }
0x299: {  	v60 =	vld [tilespmem:s4+$0xF278];
	[tilespmem:s4+$0xF268] =	vst v0  }
0x29a: {  	v0 =	vld [tilespmem:s0+$0xF278];
	_ =	sdelay $0x4  }
0x29b: {  	v0 =	vmax.f32 v0, v60  }
0x29c: {  	v61 =	vld [tilespmem:s4+$0xF288];
	[tilespmem:s4+$0xF278] =	vst v0  }
0x29d: {  	v0 =	vld [tilespmem:s0+$0xF288];
	_ =	sdelay $0x4  }
0x29e: {  	v0 =	vmax.f32 v0, v61  }
0x29f: {  	v62 =	vld [tilespmem:s4+$0xF298];
	[tilespmem:s4+$0xF288] =	vst v0  }
0x2a0: {  	v0 =	vld [tilespmem:s0+$0xF298];
	_ =	sdelay $0x4  }
0x2a1: {  	v0 =	vmax.f32 v0, v62  }
0x2a2: {  	v63 =	vld [tilespmem:s4+$0xF2A8];
	[tilespmem:s4+$0xF298] =	vst v0  }
0x2a3: {  	v0 =	vld [tilespmem:s0+$0xF2A8];
	_ =	sdelay $0x1  }
.Ltmp38:
0x2a4: {  	_ = 	snop;
	(pc) =	sbr.rel .LBB2_48-.Ltmp38, $3  }
0x2a5: {  	_ =	sdelay $0x1  }
0x2a6: {  	v0 =	vmax.f32 v0, v63  }
0x2a7: {  	[tilespmem:s4+$0xF2A8] =	vst v0  }
.LBB2_49:
0x2a8: {  	p1 =	slt.s32 s2, $0x1  }
.Ltmp39:
0x2a9: {  	_ = 	snop;
	(pc) =	sbr.rel @p1 .LBB2_53-.Ltmp39, $3  }
0x2aa: {  	_ =	sdelay $0x1  }
0x2ab: {  	s0 =	simm.s32 $0x8  }
0x2ac: {  	s3 =	simm.s32 $0x0;
	[sflag:s0] =	ssyncpa.u1 $0x1  }
0x2ad: {  	s0 =	simm.s32 $0xF218  }
0x2ae: {  	v0 =	vld.msk [tilespmem:s0+$0x0], $0x1;
	_ =	sdelay $0x4  }
0x2af: {  	(v2sf) =	vpush v0, $0x0;
	_ =	sdelay $0xe  }
0x2b0: {  	s0 =	sadd.s32 $0xFFFFFFFF, s2;
	s5 =	spop (v2sf)  }
0x2b1: {  	p2 =	sne.s32 s0, $0x0;
	p1 =	sgt.u32 s5, $0x270F0  }
.Ltmp40:
0x2b2: {  	s6 =	sand.u32 @!p1 $0x3FFF8, s5;
	(pc) =	sbr.rel @!p2 .LBB2_52-.Ltmp40, $4  }
0x2b3: {  	s4 =	simm.s32 $0xF238;
	s5 =	sand.u32 @!p1 $0x7, s5;
	s2 =	sadd.s32 @!p1 s1, s6  }
0x2b4: {  	[hbm4b:s2+s5] =	stream.linear.scatter @!p1 [tilespmem:s4], [sflag:$0x7], $0x80, $0x38;
	[tilespmem:$0x1F6F8] =	vst v63  }
0x2b5: {  	s5 =	simm.s32 $0x0  }
0x2b6: {  	s2 =	simm.s32 $0xF219;
	s5 =	simm.s32 @!p1 $0x200  }
.LBB2_51:
0x2b7: {  	v0 =	vld.msk [tilespmem:s2+$0x0], $0x1;
	s0 =	sadd.s32 $0xFFFFFFFF, s0;
	s3 =	sadd.s32 s3, s5  }
0x2b8: {  	p1 =	sne.s32 s0, $0x0;
	_ =	sdelay $0x3  }
0x2b9: {  	(v2sf) =	vpush v0, $0x0;
	_ =	sdelay $0xe  }
.Ltmp41:
0x2ba: {  	s6 =	spop (v2sf);
	(pc) =	sbr.rel @p1 .LBB2_51-.Ltmp41, $4  }
0x2bb: {  	s5 =	simm.s32 $0x0;
	p2 =	sgt.u32 s6, $0x270F0  }
0x2bc: {  	s4 =	sadd.s32 $0x80, s4;
	s5 =	simm.s32 @!p2 $0x200;
	s7 =	sand.u32 @!p2 $0x3FFF8, s6  }
0x2bd: {  	s2 =	sadd.s32 $0x1, s2;
	s6 =	sand.u32 @!p2 $0x7, s6;
	s7 =	sadd.s32 @!p2 s1, s7  }
0x2be: {  	[hbm4b:s7+s6] =	stream.linear.scatter @!p2 [tilespmem:s4], [sflag:$0x7], $0x80, $0x38;
	[tilespmem:$0x1F6F8] =	vst v63  }
.LBB2_52:
0x2bf: {  	s0 =	sadd.s32 s3, s5  }
0x2c0: {  	s3 =	sshrl.u32 s0, $0x2  }
.LBB2_53:
0x2c1: {  	s0 =	simm.s32 $0x7  }
0x2c2: {  	_ =	swait.ge [sflag:s0], s3  }
0x2c3: {  	s1 =	ssub.s32 $0x0, s3;
	[sflag:s0] =	ssyncset.done $0x0  }
0x2c4: {  	[sflag:s0] =	ssyncadd.s32 s1  }
0x2c5: {  	[sflag:s0] =	ssyncpa.u1 $0x1  }
.LBB2_54:
0x2c6: {  	_ =	sfence;
	s0 =	simm.s32 $0x1  }
0x2c7: {  	[sflag:s0] =	ssyncpa.u1 $0x1  }
0x2c8: {  	_ =	strace $0x90000056  }
0x2c9: {  	[bflag:$0x2] =	sbarrier.arrive $0xFFFF  }
0x2ca: {  	s0 =	rddreg [dreg:$0x4]  }
0x2cb: {  	s0 =	sadd.s32 @!p0 $0x100000, s0  }
0x2cc: {  	[sflag:s0] =	ssyncadd.tile.s32 @!p0 $0x1;
	_ =	shalt  }
.Lfunc_end2:
_tile_overlayer_lowered:
.L_overlay_start_2:
0x2cd: {  	(tag) =	ssettag $0x2  }
0x2ce: {  	s0 =	rddreg [dreg:$0x0];
	s2 =	stileid.u32  }
0x2cf: {  	s1 =	rddreg [dreg:$0x1];
	p0 =	sne.s32 s2, $0x0  }
0x2d0: {  	s3 =	rddreg [dreg:$0x2];
	[bflag:$0x3] =	sbarrier.arrive $0xFFFF;
	s2 =	simm.s32 @!p0 $0x1C01  }
0x2d1: {  	[timem:s3], [sflag:s2] =	dma.local @!p0 [hbm:s0], s1  }
0x2d2: {  	s0 =	simm.s32 @!p0 $0x1  }
0x2d3: {  	_ =	swait.ge @!p0 [sflag:s0], s1  }
0x2d4: {  	s1 =	ssub.s32 @!p0 $0x0, s1;
	[sflag:s0] =	ssyncset.done @!p0 $0x0  }
0x2d5: {  	[sflag:s0] =	ssyncadd.s32 @!p0 s1  }
0x2d6: {  	[bflag:$0x3] =	sbarrier.arrive $0xFFFF  }
0x2d7: {  	_ =	shalt  }

</sc_bundles>
